<compile_context>
chip_gen: v7x
topology: tpu7x:2x2x1
jax: 0.10.2.dev20260603
libtpu: 0.0.44.dev20260713+nightly
codegen_flags: <defaults>
</compile_context>

<pallas_src>
import functools

import jax
import jax.numpy as jnp
from jax import lax
from jax.experimental import pallas as pl
from jax.experimental.pallas import tpu as pltpu
from jax.experimental.pallas import tpu_sc as plsc

_DIM = 300
_CHUNK = 64
_NBUF = 4


@functools.partial(jax.jit, static_argnames=("n_rows",))
def _gather(table, idx_flat, n_rows):
    info = plsc.get_sparse_core_info()
    nc, ns = info.num_cores, info.num_subcores
    nw = nc * ns
    chunks_per_w = n_rows // (_CHUNK * nw)
    idx_per_w = n_rows // nw
    n_quad = chunks_per_w // _NBUF
    mesh = plsc.VectorSubcoreMesh(core_axis_name="c", subcore_axis_name="s")

    @functools.partial(
        pl.kernel,
        mesh=mesh,
        out_type=jax.ShapeDtypeStruct((n_rows, _DIM), jnp.float32),
        scratch_types=[
            pltpu.VMEM((idx_per_w,), jnp.int32),
            pltpu.VMEM((_CHUNK, _DIM), jnp.float32),
            pltpu.VMEM((_CHUNK, _DIM), jnp.float32),
            pltpu.VMEM((_CHUNK, _DIM), jnp.float32),
            pltpu.VMEM((_CHUNK, _DIM), jnp.float32),
            pltpu.SemaphoreType.DMA,
            pltpu.SemaphoreType.DMA,
            pltpu.SemaphoreType.DMA,
            pltpu.SemaphoreType.DMA,
            pltpu.SemaphoreType.DMA,
            pltpu.SemaphoreType.DMA,
            pltpu.SemaphoreType.DMA,
            pltpu.SemaphoreType.DMA,
        ],
    )
    def k(table_hbm, idx_hbm, out_hbm, idx_v,
          rows0, rows1, rows2, rows3, g0, g1, g2, g3, w0, w1, w2, w3):
        wid = lax.axis_index("s") * nc + lax.axis_index("c")
        c0 = wid * chunks_per_w
        rows = (rows0, rows1, rows2, rows3)
        sem_g = (g0, g1, g2, g3)
        sem_w = (w0, w1, w2, w3)

        pltpu.sync_copy(idx_hbm.at[pl.ds(wid * idx_per_w, idx_per_w)], idx_v)

        def issue_gathers(c, b):
            def group(g, carry):
                vec = idx_v[pl.ds(c * _CHUNK + g * 16, 16)]
                for l in range(16):
                    pltpu.async_copy(
                        table_hbm.at[pl.ds(vec[l], 1)],
                        rows[b].at[pl.ds(g * 16 + l, 1)],
                        sem_g[b],
                    )
                return carry

            lax.fori_loop(0, _CHUNK // 16, group, 0)

        def drain_gathers(b):
            pltpu.make_async_copy(
                table_hbm.at[pl.ds(0, _CHUNK)], rows[b], sem_g[b]
            ).wait()

        def write_out(c, b):
            base = (c0 + c) * _CHUNK
            pltpu.async_copy(rows[b], out_hbm.at[pl.ds(base, _CHUNK)], sem_w[b])

        def wait_write(b):
            pltpu.make_async_copy(
                rows[b], out_hbm.at[pl.ds(0, _CHUNK)], sem_w[b]
            ).wait()

        def quad(q, carry):
            nonfirst = q > 0
            for b in range(_NBUF):
                c = q * _NBUF + b
                pl.when(nonfirst)(lambda b=b: wait_write(b))
                issue_gathers(c, b)
                pb = (b - 1) % _NBUF
                if b == 0:
                    pl.when(nonfirst)(lambda: drain_gathers(_NBUF - 1))
                    pl.when(nonfirst)(lambda c=c: write_out(c - 1, _NBUF - 1))
                else:
                    drain_gathers(pb)
                    write_out(c - 1, pb)
            return carry

        lax.fori_loop(0, n_quad, quad, 0)
        drain_gathers(_NBUF - 1)
        write_out(chunks_per_w - 1, _NBUF - 1)
        for b in range(_NBUF):
            wait_write(b)

    return k(table, idx_flat)


def kernel(table, idxes):
    b0, b1 = idxes.shape
    n_rows = b0 * b1
    idx_flat = idxes.reshape(n_rows).astype(jnp.int32)
    out = _gather(table, idx_flat, n_rows)
    return out.reshape(b0, b1, _DIM)

# --- scband reference (transcript-rebuilt; emitter-appended) ---
"""Pipeline reference for scband-word-embedding-6751688589509 (READ-ONLY COPY).

The authoritative reference and input builder live on the scoring server;
editing this copy changes nothing except your own understanding.
"""

import jax, jax.numpy as jnp
import numpy as np

VOCAB_ROWS = 1000008  # 1,000,000 words + UNK + PAD + 6 special tokens
DIM = 300

def setup_inputs(seed: int = 0) -> dict:
    key = jax.random.key(seed)
    k_idx, k_tab = jax.random.split(key)
    idxes = jax.random.randint(k_idx, (4096, 200), 0, VOCAB_ROWS, dtype=jnp.int64 if jax.config.read('jax_enable_x64') else jnp.int32)
    table = jax.random.normal(k_tab, (VOCAB_ROWS, DIM), dtype=jnp.float32) * 0.01
    return {"table": table, "idxes": idxes}

def reference(table, idxes):
    # WordEmbedding.forward: nn.Embedding lookup on pretrained table
    return jnp.take(table, idxes, axis=0)

if __name__ == "__main__":
    import jax
    _d = setup_inputs()
    print(jax.jit(kernel)(*tuple(_d.values())))

</pallas_src>

<mosaic_0001>
#map = affine_map<(d0, d1) -> (0, 0)>
#map1 = affine_map<(d0, d1) -> (0)>
module attributes {stable_mosaic.version = 14 : i64} {
  func.func @k(%arg0: i32, %arg1: i32, %arg2: memref<1000008x300xf32, #tpu.memory_space<hbm>>, %arg3: memref<819200xi32, #tpu.memory_space<hbm>>, %arg4: memref<819200x300xf32, #tpu.memory_space<hbm>>, %arg5: memref<25600xi32, #tpu.memory_space<vmem>>, %arg6: memref<64x300xf32, #tpu.memory_space<vmem>>, %arg7: memref<64x300xf32, #tpu.memory_space<vmem>>, %arg8: memref<64x300xf32, #tpu.memory_space<vmem>>, %arg9: memref<64x300xf32, #tpu.memory_space<vmem>>, %arg10: memref<!tpu.dma_semaphore, #tpu.memory_space<semaphore_mem>>, %arg11: memref<!tpu.dma_semaphore, #tpu.memory_space<semaphore_mem>>, %arg12: memref<!tpu.dma_semaphore, #tpu.memory_space<semaphore_mem>>, %arg13: memref<!tpu.dma_semaphore, #tpu.memory_space<semaphore_mem>>, %arg14: memref<!tpu.dma_semaphore, #tpu.memory_space<semaphore_mem>>, %arg15: memref<!tpu.dma_semaphore, #tpu.memory_space<semaphore_mem>>, %arg16: memref<!tpu.dma_semaphore, #tpu.memory_space<semaphore_mem>>, %arg17: memref<!tpu.dma_semaphore, #tpu.memory_space<semaphore_mem>>) attributes {dimension_semantics = [#tpu.dimension_semantics<core_parallel>, #tpu.dimension_semantics<subcore_parallel>], iteration_bounds = array<i64: 2, 16>, scalar_prefetch = 0 : i64, scratch_operands = 13 : i64, tpu.core_type = #tpu.core_type<sc_vector_subcore>, window_params = [{transform_indices = #map}, {transform_indices = #map1}, {transform_indices = #map}]} {
    %mul3A = arith.constant 2 : i32
    %mul3A_0 = arith.muli %arg1, %mul3A : i32
    %add3A = arith.addi %mul3A_0, %arg0 : i32
    %mul3A_1 = arith.constant 400 : i32
    %mul3A_2 = arith.muli %add3A, %mul3A_1 : i32
    %mul3A_3 = arith.constant 25600 : i32
    %mul3A_4 = arith.muli %add3A, %mul3A_3 : i32
    "tpu.region"() ({
      %run_scoped3A = tpu.sem_alloc : memref<!tpu.dma_semaphore, #tpu.memory_space<semaphore_mem>>
      %dma_start3A_46 = tpu.memref_slice %arg3[%mul3A_4] : memref<819200xi32, #tpu.memory_space<hbm>> -> memref<25600xi32, #tpu.memory_space<hbm>>
      %dma_start3A_47 = tpu.memref_slice %arg3[%mul3A_4] : memref<819200xi32, #tpu.memory_space<hbm>> -> memref<25600xi32, #tpu.memory_space<hbm>>
      tpu.enqueue_dma source(%dma_start3A_47 : memref<25600xi32, #tpu.memory_space<hbm>>) target(%arg5 : memref<25600xi32, #tpu.memory_space<vmem>>) target_semaphore(%run_scoped3A : memref<!tpu.dma_semaphore, #tpu.memory_space<semaphore_mem>>)
      %dma_wait3A_48 = tpu.memref_slice %arg3[%mul3A_4] : memref<819200xi32, #tpu.memory_space<hbm>> -> memref<25600xi32, #tpu.memory_space<hbm>>
      %dma_wait3A_49 = tpu.memref_slice %arg3[%mul3A_4] : memref<819200xi32, #tpu.memory_space<hbm>> -> memref<25600xi32, #tpu.memory_space<hbm>>
      tpu.wait_dma2 semaphore(%run_scoped3A : memref<!tpu.dma_semaphore, #tpu.memory_space<semaphore_mem>>) src(%dma_wait3A_49 : memref<25600xi32, #tpu.memory_space<hbm>>) dst(%arg5 : memref<25600xi32, #tpu.memory_space<vmem>>)
      tpu.yield
    }) : () -> ()
    %scan3A = arith.constant 0 : i32
    %scan3A_5 = arith.constant 0 : i32
    %scan3A_6 = arith.constant 100 : i32
    %scan3A_7 = arith.addi %scan3A_5, %scan3A_6 : i32
    %scan3A_8 = arith.constant 1 : i32
    scf.for %scan3A_46 = %scan3A_5 to %scan3A_7 step %scan3A_8  : i32 {
      %gt3A = arith.constant 0 : i32
      %gt3A_47 = arith.cmpi sgt, %scan3A_46, %gt3A : i32
      %mul3A_48 = arith.constant 4 : i32
      %mul3A_49 = arith.muli %scan3A_46, %mul3A_48 : i32
      %add3A_50 = arith.constant 0 : i32
      %add3A_51 = arith.addi %mul3A_49, %add3A_50 : i32
      %convert_element_type3A = arith.extui %gt3A_47 : i1 to i32
      %cond3A = arith.constant 0 : i32
      %cond3A_52 = arith.cmpi ne, %convert_element_type3A, %cond3A : i32
      scf.if %cond3A_52 {
        %dma_wait3A_148 = arith.constant 0 : i32
        %dma_wait3A_149 = arith.constant 0 : i32
        %dma_wait3A_150 = tpu.memref_slice %arg4[%dma_wait3A_148, %dma_wait3A_149] : memref<819200x300xf32, #tpu.memory_space<hbm>> -> memref<64x300xf32, #tpu.memory_space<hbm>>
        %dma_wait3A_151 = arith.constant 0 : i32
        %dma_wait3A_152 = arith.constant 0 : i32
        %dma_wait3A_153 = tpu.memref_slice %arg4[%dma_wait3A_151, %dma_wait3A_152] : memref<819200x300xf32, #tpu.memory_space<hbm>> -> memref<64x300xf32, #tpu.memory_space<hbm>>
        tpu.wait_dma2 semaphore(%arg14 : memref<!tpu.dma_semaphore, #tpu.memory_space<semaphore_mem>>) src(%arg6 : memref<64x300xf32, #tpu.memory_space<vmem>>) dst(%dma_wait3A_153 : memref<64x300xf32, #tpu.memory_space<hbm>>)
      } else {
      }
      %scan3A_53 = arith.constant 0 : i32
      %scan3A_54 = arith.constant 0 : i32
      %scan3A_55 = arith.constant 4 : i32
      %scan3A_56 = arith.addi %scan3A_54, %scan3A_55 : i32
      %scan3A_57 = arith.constant 1 : i32
      scf.for %scan3A_148 = %scan3A_54 to %scan3A_56 step %scan3A_57  : i32 {
        %mul3A_149 = arith.constant 64 : i32
        %mul3A_150 = arith.muli %add3A_51, %mul3A_149 : i32
        %mul3A_151 = arith.constant 16 : i32
        %mul3A_152 = arith.muli %scan3A_148, %mul3A_151 : i32
        %add3A_153 = arith.addi %mul3A_150, %mul3A_152 : i32
        %get3A = arith.index_cast %add3A_153 : i32 to index
        %get3A_154 = tpu.vector_load %arg5[%get3A] {strides = array<i32>} : memref<25600xi32, #tpu.memory_space<vmem>>, vector<16xi32>,
        %get3A_155 = vector.shape_cast %get3A_154 : vector<16xi32> to vector<16xi32>
        %slice3A = vector.extract_strided_slice %get3A_155 {offsets = [0], sizes = [1], strides = [1]} : vector<16xi32> to vector<1xi32>
        %squeeze3A = vector.extract %slice3A[0] : i32 from vector<1xi32>
        %mul3A_156 = arith.constant 16 : i32
        %mul3A_157 = arith.muli %scan3A_148, %mul3A_156 : i32
        %add3A_158 = arith.constant 0 : i32
        %add3A_159 = arith.addi %mul3A_157, %add3A_158 : i32
        %dma_start3A_160 = arith.constant 0 : i32
        %dma_start3A_161 = tpu.memref_slice %arg6[%add3A_159, %dma_start3A_160] : memref<64x300xf32, #tpu.memory_space<vmem>> -> memref<1x300xf32, #tpu.memory_space<vmem>>
        %dma_start3A_162 = arith.constant 0 : i32
        %dma_start3A_163 = tpu.memref_slice %arg2[%squeeze3A, %dma_start3A_162] : memref<1000008x300xf32, #tpu.memory_space<hbm>> -> memref<1x300xf32, #tpu.memory_space<hbm>>
        %dma_start3A_164 = arith.constant 0 : i32
        %dma_start3A_165 = tpu.memref_slice %arg6[%add3A_159, %dma_start3A_164] : memref<64x300xf32, #tpu.memory_space<vmem>> -> memref<1x300xf32, #tpu.memory_space<vmem>>
        %dma_start3A_166 = arith.constant 0 : i32
        %dma_start3A_167 = tpu.memref_slice %arg2[%squeeze3A, %dma_start3A_166] : memref<1000008x300xf32, #tpu.memory_space<hbm>> -> memref<1x300xf32, #tpu.memory_space<hbm>>
        tpu.enqueue_dma source(%dma_start3A_167 : memref<1x300xf32, #tpu.memory_space<hbm>>) target(%dma_start3A_165 : memref<1x300xf32, #tpu.memory_space<vmem>>) target_semaphore(%arg10 : memref<!tpu.dma_semaphore, #tpu.memory_space<semaphore_mem>>)
        %slice3A_168 = vector.extract_strided_slice %get3A_155 {offsets = [1], sizes = [1], strides = [1]} : vector<16xi32> to vector<1xi32>
        %squeeze3A_169 = vector.extract %slice3A_168[0] : i32 from vector<1xi32>
        %mul3A_170 = arith.constant 16 : i32
        %mul3A_171 = arith.muli %scan3A_148, %mul3A_170 : i32
        %add3A_172 = arith.constant 1 : i32
        %add3A_173 = arith.addi %mul3A_171, %add3A_172 : i32
        %dma_start3A_174 = arith.constant 0 : i32
        %dma_start3A_175 = tpu.memref_slice %arg6[%add3A_173, %dma_start3A_174] : memref<64x300xf32, #tpu.memory_space<vmem>> -> memref<1x300xf32, #tpu.memory_space<vmem>>
        %dma_start3A_176 = arith.constant 0 : i32
        %dma_start3A_177 = tpu.memref_slice %arg2[%squeeze3A_169, %dma_start3A_176] : memref<1000008x300xf32, #tpu.memory_space<hbm>> -> memref<1x300xf32, #tpu.memory_space<hbm>>
        %dma_start3A_178 = arith.constant 0 : i32
        %dma_start3A_179 = tpu.memref_slice %arg6[%add3A_173, %dma_start3A_178] : memref<64x300xf32, #tpu.memory_space<vmem>> -> memref<1x300xf32, #tpu.memory_space<vmem>>
        %dma_start3A_180 = arith.constant 0 : i32
        %dma_start3A_181 = tpu.memref_slice %arg2[%squeeze3A_169, %dma_start3A_180] : memref<1000008x300xf32, #tpu.memory_space<hbm>> -> memref<1x300xf32, #tpu.memory_space<hbm>>
        tpu.enqueue_dma source(%dma_start3A_181 : memref<1x300xf32, #tpu.memory_space<hbm>>) target(%dma_start3A_179 : memref<1x300xf32, #tpu.memory_space<vmem>>) target_semaphore(%arg10 : memref<!tpu.dma_semaphore, #tpu.memory_space<semaphore_mem>>)
        %slice3A_182 = vector.extract_strided_slice %get3A_155 {offsets = [2], sizes = [1], strides = [1]} : vector<16xi32> to vector<1xi32>
        %squeeze3A_183 = vector.extract %slice3A_182[0] : i32 from vector<1xi32>
        %mul3A_184 = arith.constant 16 : i32
        %mul3A_185 = arith.muli %scan3A_148, %mul3A_184 : i32
        %add3A_186 = arith.constant 2 : i32
        %add3A_187 = arith.addi %mul3A_185, %add3A_186 : i32
        %dma_start3A_188 = arith.constant 0 : i32
        %dma_start3A_189 = tpu.memref_slice %arg6[%add3A_187, %dma_start3A_188] : memref<64x300xf32, #tpu.memory_space<vmem>> -> memref<1x300xf32, #tpu.memory_space<vmem>>
        %dma_start3A_190 = arith.constant 0 : i32
        %dma_start3A_191 = tpu.memref_slice %arg2[%squeeze3A_183, %dma_start3A_190] : memref<1000008x300xf32, #tpu.memory_space<hbm>> -> memref<1x300xf32, #tpu.memory_space<hbm>>
        %dma_start3A_192 = arith.constant 0 : i32
        %dma_start3A_193 = tpu.memref_slice %arg6[%add3A_187, %dma_start3A_192] : memref<64x300xf32, #tpu.memory_space<vmem>> -> memref<1x300xf32, #tpu.memory_space<vmem>>
        %dma_start3A_194 = arith.constant 0 : i32
        %dma_start3A_195 = tpu.memref_slice %arg2[%squeeze3A_183, %dma_start3A_194] : memref<1000008x300xf32, #tpu.memory_space<hbm>> -> memref<1x300xf32, #tpu.memory_space<hbm>>
        tpu.enqueue_dma source(%dma_start3A_195 : memref<1x300xf32, #tpu.memory_space<hbm>>) target(%dma_start3A_193 : memref<1x300xf32, #tpu.memory_space<vmem>>) target_semaphore(%arg10 : memref<!tpu.dma_semaphore, #tpu.memory_space<semaphore_mem>>)
        %slice3A_196 = vector.extract_strided_slice %get3A_155 {offsets = [3], sizes = [1], strides = [1]} : vector<16xi32> to vector<1xi32>
        %squeeze3A_197 = vector.extract %slice3A_196[0] : i32 from vector<1xi32>
        %mul3A_198 = arith.constant 16 : i32
        %mul3A_199 = arith.muli %scan3A_148, %mul3A_198 : i32
        %add3A_200 = arith.constant 3 : i32
        %add3A_201 = arith.addi %mul3A_199, %add3A_200 : i32
        %dma_start3A_202 = arith.constant 0 : i32
        %dma_start3A_203 = tpu.memref_slice %arg6[%add3A_201, %dma_start3A_202] : memref<64x300xf32, #tpu.memory_space<vmem>> -> memref<1x300xf32, #tpu.memory_space<vmem>>
        %dma_start3A_204 = arith.constant 0 : i32
        %dma_start3A_205 = tpu.memref_slice %arg2[%squeeze3A_197, %dma_start3A_204] : memref<1000008x300xf32, #tpu.memory_space<hbm>> -> memref<1x300xf32, #tpu.memory_space<hbm>>
        %dma_start3A_206 = arith.constant 0 : i32
        %dma_start3A_207 = tpu.memref_slice %arg6[%add3A_201, %dma_start3A_206] : memref<64x300xf32, #tpu.memory_space<vmem>> -> memref<1x300xf32, #tpu.memory_space<vmem>>
        %dma_start3A_208 = arith.constant 0 : i32
        %dma_start3A_209 = tpu.memref_slice %arg2[%squeeze3A_197, %dma_start3A_208] : memref<1000008x300xf32, #tpu.memory_space<hbm>> -> memref<1x300xf32, #tpu.memory_space<hbm>>
        tpu.enqueue_dma source(%dma_start3A_209 : memref<1x300xf32, #tpu.memory_space<hbm>>) target(%dma_start3A_207 : memref<1x300xf32, #tpu.memory_space<vmem>>) target_semaphore(%arg10 : memref<!tpu.dma_semaphore, #tpu.memory_space<semaphore_mem>>)
        %slice3A_210 = vector.extract_strided_slice %get3A_155 {offsets = [4], sizes = [1], strides = [1]} : vector<16xi32> to vector<1xi32>
        %squeeze3A_211 = vector.extract %slice3A_210[0] : i32 from vector<1xi32>
        %mul3A_212 = arith.constant 16 : i32
        %mul3A_213 = arith.muli %scan3A_148, %mul3A_212 : i32
        %add3A_214 = arith.constant 4 : i32
        %add3A_215 = arith.addi %mul3A_213, %add3A_214 : i32
        %dma_start3A_216 = arith.constant 0 : i32
        %dma_start3A_217 = tpu.memref_slice %arg6[%add3A_215, %dma_start3A_216] : memref<64x300xf32, #tpu.memory_space<vmem>> -> memref<1x300xf32, #tpu.memory_space<vmem>>
        %dma_start3A_218 = arith.constant 0 : i32
        %dma_start3A_219 = tpu.memref_slice %arg2[%squeeze3A_211, %dma_start3A_218] : memref<1000008x300xf32, #tpu.memory_space<hbm>> -> memref<1x300xf32, #tpu.memory_space<hbm>>
        %dma_start3A_220 = arith.constant 0 : i32
        %dma_start3A_221 = tpu.memref_slice %arg6[%add3A_215, %dma_start3A_220] : memref<64x300xf32, #tpu.memory_space<vmem>> -> memref<1x300xf32, #tpu.memory_space<vmem>>
        %dma_start3A_222 = arith.constant 0 : i32
        %dma_start3A_223 = tpu.memref_slice %arg2[%squeeze3A_211, %dma_start3A_222] : memref<1000008x300xf32, #tpu.memory_space<hbm>> -> memref<1x300xf32, #tpu.memory_space<hbm>>
        tpu.enqueue_dma source(%dma_start3A_223 : memref<1x300xf32, #tpu.memory_space<hbm>>) target(%dma_start3A_221 : memref<1x300xf32, #tpu.memory_space<vmem>>) target_semaphore(%arg10 : memref<!tpu.dma_semaphore, #tpu.memory_space<semaphore_mem>>)
        %slice3A_224 = vector.extract_strided_slice %get3A_155 {offsets = [5], sizes = [1], strides = [1]} : vector<16xi32> to vector<1xi32>
        %squeeze3A_225 = vector.extract %slice3A_224[0] : i32 from vector<1xi32>
        %mul3A_226 = arith.constant 16 : i32
        %mul3A_227 = arith.muli %scan3A_148, %mul3A_226 : i32
        %add3A_228 = arith.constant 5 : i32
        %add3A_229 = arith.addi %mul3A_227, %add3A_228 : i32
        %dma_start3A_230 = arith.constant 0 : i32
        %dma_start3A_231 = tpu.memref_slice %arg6[%add3A_229, %dma_start3A_230] : memref<64x300xf32, #tpu.memory_space<vmem>> -> memref<1x300xf32, #tpu.memory_space<vmem>>
        %dma_start3A_232 = arith.constant 0 : i32
        %dma_start3A_233 = tpu.memref_slice %arg2[%squeeze3A_225, %dma_start3A_232] : memref<1000008x300xf32, #tpu.memory_space<hbm>> -> memref<1x300xf32, #tpu.memory_space<hbm>>
        %dma_start3A_234 = arith.constant 0 : i32
        %dma_start3A_235 = tpu.memref_slice %arg6[%add3A_229, %dma_start3A_234] : memref<64x300xf32, #tpu.memory_space<vmem>> -> memref<1x300xf32, #tpu.memory_space<vmem>>
        %dma_start3A_236 = arith.constant 0 : i32
        %dma_start3A_237 = tpu.memref_slice %arg2[%squeeze3A_225, %dma_start3A_236] : memref<1000008x300xf32, #tpu.memory_space<hbm>> -> memref<1x300xf32, #tpu.memory_space<hbm>>
        tpu.enqueue_dma source(%dma_start3A_237 : memref<1x300xf32, #tpu.memory_space<hbm>>) target(%dma_start3A_235 : memref<1x300xf32, #tpu.memory_space<vmem>>) target_semaphore(%arg10 : memref<!tpu.dma_semaphore, #tpu.memory_space<semaphore_mem>>)
        %slice3A_238 = vector.extract_strided_slice %get3A_155 {offsets = [6], sizes = [1], strides = [1]} : vector<16xi32> to vector<1xi32>
        %squeeze3A_239 = vector.extract %slice3A_238[0] : i32 from vector<1xi32>
        %mul3A_240 = arith.constant 16 : i32
        %mul3A_241 = arith.muli %scan3A_148, %mul3A_240 : i32
        %add3A_242 = arith.constant 6 : i32
        %add3A_243 = arith.addi %mul3A_241, %add3A_242 : i32
        %dma_start3A_244 = arith.constant 0 : i32
        %dma_start3A_245 = tpu.memref_slice %arg6[%add3A_243, %dma_start3A_244] : memref<64x300xf32, #tpu.memory_space<vmem>> -> memref<1x300xf32, #tpu.memory_space<vmem>>
        %dma_start3A_246 = arith.constant 0 : i32
        %dma_start3A_247 = tpu.memref_slice %arg2[%squeeze3A_239, %dma_start3A_246] : memref<1000008x300xf32, #tpu.memory_space<hbm>> -> memref<1x300xf32, #tpu.memory_space<hbm>>
        %dma_start3A_248 = arith.constant 0 : i32
        %dma_start3A_249 = tpu.memref_slice %arg6[%add3A_243, %dma_start3A_248] : memref<64x300xf32, #tpu.memory_space<vmem>> -> memref<1x300xf32, #tpu.memory_space<vmem>>
        %dma_start3A_250 = arith.constant 0 : i32
        %dma_start3A_251 = tpu.memref_slice %arg2[%squeeze3A_239, %dma_start3A_250] : memref<1000008x300xf32, #tpu.memory_space<hbm>> -> memref<1x300xf32, #tpu.memory_space<hbm>>
        tpu.enqueue_dma source(%dma_start3A_251 : memref<1x300xf32, #tpu.memory_space<hbm>>) target(%dma_start3A_249 : memref<1x300xf32, #tpu.memory_space<vmem>>) target_semaphore(%arg10 : memref<!tpu.dma_semaphore, #tpu.memory_space<semaphore_mem>>)
        %slice3A_252 = vector.extract_strided_slice %get3A_155 {offsets = [7], sizes = [1], strides = [1]} : vector<16xi32> to vector<1xi32>
        %squeeze3A_253 = vector.extract %slice3A_252[0] : i32 from vector<1xi32>
        %mul3A_254 = arith.constant 16 : i32
        %mul3A_255 = arith.muli %scan3A_148, %mul3A_254 : i32
        %add3A_256 = arith.constant 7 : i32
        %add3A_257 = arith.addi %mul3A_255, %add3A_256 : i32
        %dma_start3A_258 = arith.constant 0 : i32
        %dma_start3A_259 = tpu.memref_slice %arg6[%add3A_257, %dma_start3A_258] : memref<64x300xf32, #tpu.memory_space<vmem>> -> memref<1x300xf32, #tpu.memory_space<vmem>>
        %dma_start3A_260 = arith.constant 0 : i32
        %dma_start3A_261 = tpu.memref_slice %arg2[%squeeze3A_253, %dma_start3A_260] : memref<1000008x300xf32, #tpu.memory_space<hbm>> -> memref<1x300xf32, #tpu.memory_space<hbm>>
        %dma_start3A_262 = arith.constant 0 : i32
        %dma_start3A_263 = tpu.memref_slice %arg6[%add3A_257, %dma_start3A_262] : memref<64x300xf32, #tpu.memory_space<vmem>> -> memref<1x300xf32, #tpu.memory_space<vmem>>
        %dma_start3A_264 = arith.constant 0 : i32
        %dma_start3A_265 = tpu.memref_slice %arg2[%squeeze3A_253, %dma_start3A_264] : memref<1000008x300xf32, #tpu.memory_space<hbm>> -> memref<1x300xf32, #tpu.memory_space<hbm>>
        tpu.enqueue_dma source(%dma_start3A_265 : memref<1x300xf32, #tpu.memory_space<hbm>>) target(%dma_start3A_263 : memref<1x300xf32, #tpu.memory_space<vmem>>) target_semaphore(%arg10 : memref<!tpu.dma_semaphore, #tpu.memory_space<semaphore_mem>>)
        %slice3A_266 = vector.extract_strided_slice %get3A_155 {offsets = [8], sizes = [1], strides = [1]} : vector<16xi32> to vector<1xi32>
        %squeeze3A_267 = vector.extract %slice3A_266[0] : i32 from vector<1xi32>
        %mul3A_268 = arith.constant 16 : i32
        %mul3A_269 = arith.muli %scan3A_148, %mul3A_268 : i32
        %add3A_270 = arith.constant 8 : i32
        %add3A_271 = arith.addi %mul3A_269, %add3A_270 : i32
        %dma_start3A_272 = arith.constant 0 : i32
        %dma_start3A_273 = tpu.memref_slice %arg6[%add3A_271, %dma_start3A_272] : memref<64x300xf32, #tpu.memory_space<vmem>> -> memref<1x300xf32, #tpu.memory_space<vmem>>
        %dma_start3A_274 = arith.constant 0 : i32
        %dma_start3A_275 = tpu.memref_slice %arg2[%squeeze3A_267, %dma_start3A_274] : memref<1000008x300xf32, #tpu.memory_space<hbm>> -> memref<1x300xf32, #tpu.memory_space<hbm>>
        %dma_start3A_276 = arith.constant 0 : i32
        %dma_start3A_277 = tpu.memref_slice %arg6[%add3A_271, %dma_start3A_276] : memref<64x300xf32, #tpu.memory_space<vmem>> -> memref<1x300xf32, #tpu.memory_space<vmem>>
        %dma_start3A_278 = arith.constant 0 : i32
        %dma_start3A_279 = tpu.memref_slice %arg2[%squeeze3A_267, %dma_start3A_278] : memref<1000008x300xf32, #tpu.memory_space<hbm>> -> memref<1x300xf32, #tpu.memory_space<hbm>>
        tpu.enqueue_dma source(%dma_start3A_279 : memref<1x300xf32, #tpu.memory_space<hbm>>) target(%dma_start3A_277 : memref<1x300xf32, #tpu.memory_space<vmem>>) target_semaphore(%arg10 : memref<!tpu.dma_semaphore, #tpu.memory_space<semaphore_mem>>)
        %slice3A_280 = vector.extract_strided_slice %get3A_155 {offsets = [9], sizes = [1], strides = [1]} : vector<16xi32> to vector<1xi32>
        %squeeze3A_281 = vector.extract %slice3A_280[0] : i32 from vector<1xi32>
        %mul3A_282 = arith.constant 16 : i32
        %mul3A_283 = arith.muli %scan3A_148, %mul3A_282 : i32
        %add3A_284 = arith.constant 9 : i32
        %add3A_285 = arith.addi %mul3A_283, %add3A_284 : i32
        %dma_start3A_286 = arith.constant 0 : i32
        %dma_start3A_287 = tpu.memref_slice %arg6[%add3A_285, %dma_start3A_286] : memref<64x300xf32, #tpu.memory_space<vmem>> -> memref<1x300xf32, #tpu.memory_space<vmem>>
        %dma_start3A_288 = arith.constant 0 : i32
        %dma_start3A_289 = tpu.memref_slice %arg2[%squeeze3A_281, %dma_start3A_288] : memref<1000008x300xf32, #tpu.memory_space<hbm>> -> memref<1x300xf32, #tpu.memory_space<hbm>>
        %dma_start3A_290 = arith.constant 0 : i32
        %dma_start3A_291 = tpu.memref_slice %arg6[%add3A_285, %dma_start3A_290] : memref<64x300xf32, #tpu.memory_space<vmem>> -> memref<1x300xf32, #tpu.memory_space<vmem>>
        %dma_start3A_292 = arith.constant 0 : i32
        %dma_start3A_293 = tpu.memref_slice %arg2[%squeeze3A_281, %dma_start3A_292] : memref<1000008x300xf32, #tpu.memory_space<hbm>> -> memref<1x300xf32, #tpu.memory_space<hbm>>
        tpu.enqueue_dma source(%dma_start3A_293 : memref<1x300xf32, #tpu.memory_space<hbm>>) target(%dma_start3A_291 : memref<1x300xf32, #tpu.memory_space<vmem>>) target_semaphore(%arg10 : memref<!tpu.dma_semaphore, #tpu.memory_space<semaphore_mem>>)
        %slice3A_294 = vector.extract_strided_slice %get3A_155 {offsets = [10], sizes = [1], strides = [1]} : vector<16xi32> to vector<1xi32>
        %squeeze3A_295 = vector.extract %slice3A_294[0] : i32 from vector<1xi32>
        %mul3A_296 = arith.constant 16 : i32
        %mul3A_297 = arith.muli %scan3A_148, %mul3A_296 : i32
        %add3A_298 = arith.constant 10 : i32
        %add3A_299 = arith.addi %mul3A_297, %add3A_298 : i32
        %dma_start3A_300 = arith.constant 0 : i32
        %dma_start3A_301 = tpu.memref_slice %arg6[%add3A_299, %dma_start3A_300] : memref<64x300xf32, #tpu.memory_space<vmem>> -> memref<1x300xf32, #tpu.memory_space<vmem>>
        %dma_start3A_302 = arith.constant 0 : i32
        %dma_start3A_303 = tpu.memref_slice %arg2[%squeeze3A_295, %dma_start3A_302] : memref<1000008x300xf32, #tpu.memory_space<hbm>> -> memref<1x300xf32, #tpu.memory_space<hbm>>
        %dma_start3A_304 = arith.constant 0 : i32
        %dma_start3A_305 = tpu.memref_slice %arg6[%add3A_299, %dma_start3A_304] : memref<64x300xf32, #tpu.memory_space<vmem>> -> memref<1x300xf32, #tpu.memory_space<vmem>>
        %dma_start3A_306 = arith.constant 0 : i32
        %dma_start3A_307 = tpu.memref_slice %arg2[%squeeze3A_295, %dma_start3A_306] : memref<1000008x300xf32, #tpu.memory_space<hbm>> -> memref<1x300xf32, #tpu.memory_space<hbm>>
        tpu.enqueue_dma source(%dma_start3A_307 : memref<1x300xf32, #tpu.memory_space<hbm>>) target(%dma_start3A_305 : memref<1x300xf32, #tpu.memory_space<vmem>>) target_semaphore(%arg10 : memref<!tpu.dma_semaphore, #tpu.memory_space<semaphore_mem>>)
        %slice3A_308 = vector.extract_strided_slice %get3A_155 {offsets = [11], sizes = [1], strides = [1]} : vector<16xi32> to vector<1xi32>
        %squeeze3A_309 = vector.extract %slice3A_308[0] : i32 from vector<1xi32>
        %mul3A_310 = arith.constant 16 : i32
        %mul3A_311 = arith.muli %scan3A_148, %mul3A_310 : i32
        %add3A_312 = arith.constant 11 : i32
        %add3A_313 = arith.addi %mul3A_311, %add3A_312 : i32
        %dma_start3A_314 = arith.constant 0 : i32
        %dma_start3A_315 = tpu.memref_slice %arg6[%add3A_313, %dma_start3A_314] : memref<64x300xf32, #tpu.memory_space<vmem>> -> memref<1x300xf32, #tpu.memory_space<vmem>>
        %dma_start3A_316 = arith.constant 0 : i32
        %dma_start3A_317 = tpu.memref_slice %arg2[%squeeze3A_309, %dma_start3A_316] : memref<1000008x300xf32, #tpu.memory_space<hbm>> -> memref<1x300xf32, #tpu.memory_space<hbm>>
        %dma_start3A_318 = arith.constant 0 : i32
        %dma_start3A_319 = tpu.memref_slice %arg6[%add3A_313, %dma_start3A_318] : memref<64x300xf32, #tpu.memory_space<vmem>> -> memref<1x300xf32, #tpu.memory_space<vmem>>
        %dma_start3A_320 = arith.constant 0 : i32
        %dma_start3A_321 = tpu.memref_slice %arg2[%squeeze3A_309, %dma_start3A_320] : memref<1000008x300xf32, #tpu.memory_space<hbm>> -> memref<1x300xf32, #tpu.memory_space<hbm>>
        tpu.enqueue_dma source(%dma_start3A_321 : memref<1x300xf32, #tpu.memory_space<hbm>>) target(%dma_start3A_319 : memref<1x300xf32, #tpu.memory_space<vmem>>) target_semaphore(%arg10 : memref<!tpu.dma_semaphore, #tpu.memory_space<semaphore_mem>>)
        %slice3A_322 = vector.extract_strided_slice %get3A_155 {offsets = [12], sizes = [1], strides = [1]} : vector<16xi32> to vector<1xi32>
        %squeeze3A_323 = vector.extract %slice3A_322[0] : i32 from vector<1xi32>
        %mul3A_324 = arith.constant 16 : i32
        %mul3A_325 = arith.muli %scan3A_148, %mul3A_324 : i32
        %add3A_326 = arith.constant 12 : i32
        %add3A_327 = arith.addi %mul3A_325, %add3A_326 : i32
        %dma_start3A_328 = arith.constant 0 : i32
        %dma_start3A_329 = tpu.memref_slice %arg6[%add3A_327, %dma_start3A_328] : memref<64x300xf32, #tpu.memory_space<vmem>> -> memref<1x300xf32, #tpu.memory_space<vmem>>
        %dma_start3A_330 = arith.constant 0 : i32
        %dma_start3A_331 = tpu.memref_slice %arg2[%squeeze3A_323, %dma_start3A_330] : memref<1000008x300xf32, #tpu.memory_space<hbm>> -> memref<1x300xf32, #tpu.memory_space<hbm>>
        %dma_start3A_332 = arith.constant 0 : i32
        %dma_start3A_333 = tpu.memref_slice %arg6[%add3A_327, %dma_start3A_332] : memref<64x300xf32, #tpu.memory_space<vmem>> -> memref<1x300xf32, #tpu.memory_space<vmem>>
        %dma_start3A_334 = arith.constant 0 : i32
        %dma_start3A_335 = tpu.memref_slice %arg2[%squeeze3A_323, %dma_start3A_334] : memref<1000008x300xf32, #tpu.memory_space<hbm>> -> memref<1x300xf32, #tpu.memory_space<hbm>>
        tpu.enqueue_dma source(%dma_start3A_335 : memref<1x300xf32, #tpu.memory_space<hbm>>) target(%dma_start3A_333 : memref<1x300xf32, #tpu.memory_space<vmem>>) target_semaphore(%arg10 : memref<!tpu.dma_semaphore, #tpu.memory_space<semaphore_mem>>)
        %slice3A_336 = vector.extract_strided_slice %get3A_155 {offsets = [13], sizes = [1], strides = [1]} : vector<16xi32> to vector<1xi32>
        %squeeze3A_337 = vector.extract %slice3A_336[0] : i32 from vector<1xi32>
        %mul3A_338 = arith.constant 16 : i32
        %mul3A_339 = arith.muli %scan3A_148, %mul3A_338 : i32
        %add3A_340 = arith.constant 13 : i32
        %add3A_341 = arith.addi %mul3A_339, %add3A_340 : i32
        %dma_start3A_342 = arith.constant 0 : i32
        %dma_start3A_343 = tpu.memref_slice %arg6[%add3A_341, %dma_start3A_342] : memref<64x300xf32, #tpu.memory_space<vmem>> -> memref<1x300xf32, #tpu.memory_space<vmem>>
        %dma_start3A_344 = arith.constant 0 : i32
        %dma_start3A_345 = tpu.memref_slice %arg2[%squeeze3A_337, %dma_start3A_344] : memref<1000008x300xf32, #tpu.memory_space<hbm>> -> memref<1x300xf32, #tpu.memory_space<hbm>>
        %dma_start3A_346 = arith.constant 0 : i32
        %dma_start3A_347 = tpu.memref_slice %arg6[%add3A_341, %dma_start3A_346] : memref<64x300xf32, #tpu.memory_space<vmem>> -> memref<1x300xf32, #tpu.memory_space<vmem>>
        %dma_start3A_348 = arith.constant 0 : i32
        %dma_start3A_349 = tpu.memref_slice %arg2[%squeeze3A_337, %dma_start3A_348] : memref<1000008x300xf32, #tpu.memory_space<hbm>> -> memref<1x300xf32, #tpu.memory_space<hbm>>
        tpu.enqueue_dma source(%dma_start3A_349 : memref<1x300xf32, #tpu.memory_space<hbm>>) target(%dma_start3A_347 : memref<1x300xf32, #tpu.memory_space<vmem>>) target_semaphore(%arg10 : memref<!tpu.dma_semaphore, #tpu.memory_space<semaphore_mem>>)
        %slice3A_350 = vector.extract_strided_slice %get3A_155 {offsets = [14], sizes = [1], strides = [1]} : vector<16xi32> to vector<1xi32>
        %squeeze3A_351 = vector.extract %slice3A_350[0] : i32 from vector<1xi32>
        %mul3A_352 = arith.constant 16 : i32
        %mul3A_353 = arith.muli %scan3A_148, %mul3A_352 : i32
        %add3A_354 = arith.constant 14 : i32
        %add3A_355 = arith.addi %mul3A_353, %add3A_354 : i32
        %dma_start3A_356 = arith.constant 0 : i32
        %dma_start3A_357 = tpu.memref_slice %arg6[%add3A_355, %dma_start3A_356] : memref<64x300xf32, #tpu.memory_space<vmem>> -> memref<1x300xf32, #tpu.memory_space<vmem>>
        %dma_start3A_358 = arith.constant 0 : i32
        %dma_start3A_359 = tpu.memref_slice %arg2[%squeeze3A_351, %dma_start3A_358] : memref<1000008x300xf32, #tpu.memory_space<hbm>> -> memref<1x300xf32, #tpu.memory_space<hbm>>
        %dma_start3A_360 = arith.constant 0 : i32
        %dma_start3A_361 = tpu.memref_slice %arg6[%add3A_355, %dma_start3A_360] : memref<64x300xf32, #tpu.memory_space<vmem>> -> memref<1x300xf32, #tpu.memory_space<vmem>>
        %dma_start3A_362 = arith.constant 0 : i32
        %dma_start3A_363 = tpu.memref_slice %arg2[%squeeze3A_351, %dma_start3A_362] : memref<1000008x300xf32, #tpu.memory_space<hbm>> -> memref<1x300xf32, #tpu.memory_space<hbm>>
        tpu.enqueue_dma source(%dma_start3A_363 : memref<1x300xf32, #tpu.memory_space<hbm>>) target(%dma_start3A_361 : memref<1x300xf32, #tpu.memory_space<vmem>>) target_semaphore(%arg10 : memref<!tpu.dma_semaphore, #tpu.memory_space<semaphore_mem>>)
        %slice3A_364 = vector.extract_strided_slice %get3A_155 {offsets = [15], sizes = [1], strides = [1]} : vector<16xi32> to vector<1xi32>
        %squeeze3A_365 = vector.extract %slice3A_364[0] : i32 from vector<1xi32>
        %mul3A_366 = arith.constant 16 : i32
        %mul3A_367 = arith.muli %scan3A_148, %mul3A_366 : i32
        %add3A_368 = arith.constant 15 : i32
        %add3A_369 = arith.addi %mul3A_367, %add3A_368 : i32
        %dma_start3A_370 = arith.constant 0 : i32
        %dma_start3A_371 = tpu.memref_slice %arg6[%add3A_369, %dma_start3A_370] : memref<64x300xf32, #tpu.memory_space<vmem>> -> memref<1x300xf32, #tpu.memory_space<vmem>>
        %dma_start3A_372 = arith.constant 0 : i32
        %dma_start3A_373 = tpu.memref_slice %arg2[%squeeze3A_365, %dma_start3A_372] : memref<1000008x300xf32, #tpu.memory_space<hbm>> -> memref<1x300xf32, #tpu.memory_space<hbm>>
        %dma_start3A_374 = arith.constant 0 : i32
        %dma_start3A_375 = tpu.memref_slice %arg6[%add3A_369, %dma_start3A_374] : memref<64x300xf32, #tpu.memory_space<vmem>> -> memref<1x300xf32, #tpu.memory_space<vmem>>
        %dma_start3A_376 = arith.constant 0 : i32
        %dma_start3A_377 = tpu.memref_slice %arg2[%squeeze3A_365, %dma_start3A_376] : memref<1000008x300xf32, #tpu.memory_space<hbm>> -> memref<1x300xf32, #tpu.memory_space<hbm>>
        tpu.enqueue_dma source(%dma_start3A_377 : memref<1x300xf32, #tpu.memory_space<hbm>>) target(%dma_start3A_375 : memref<1x300xf32, #tpu.memory_space<vmem>>) target_semaphore(%arg10 : memref<!tpu.dma_semaphore, #tpu.memory_space<semaphore_mem>>)
      }
      %scan3A_58 = arith.constant 4 : i32
      %convert_element_type3A_59 = arith.extui %gt3A_47 : i1 to i32
      %cond3A_60 = arith.constant 0 : i32
      %cond3A_61 = arith.cmpi ne, %convert_element_type3A_59, %cond3A_60 : i32
      scf.if %cond3A_61 {
        %dma_wait3A_148 = arith.constant 0 : i32
        %dma_wait3A_149 = arith.constant 0 : i32
        %dma_wait3A_150 = tpu.memref_slice %arg2[%dma_wait3A_148, %dma_wait3A_149] : memref<1000008x300xf32, #tpu.memory_space<hbm>> -> memref<64x300xf32, #tpu.memory_space<hbm>>
        %dma_wait3A_151 = arith.constant 0 : i32
        %dma_wait3A_152 = arith.constant 0 : i32
        %dma_wait3A_153 = tpu.memref_slice %arg2[%dma_wait3A_151, %dma_wait3A_152] : memref<1000008x300xf32, #tpu.memory_space<hbm>> -> memref<64x300xf32, #tpu.memory_space<hbm>>
        tpu.wait_dma2 semaphore(%arg13 : memref<!tpu.dma_semaphore, #tpu.memory_space<semaphore_mem>>) src(%dma_wait3A_153 : memref<64x300xf32, #tpu.memory_space<hbm>>) dst(%arg9 : memref<64x300xf32, #tpu.memory_space<vmem>>)
      } else {
      }
      %convert_element_type3A_62 = arith.extui %gt3A_47 : i1 to i32
      %cond3A_63 = arith.constant 0 : i32
      %cond3A_64 = arith.cmpi ne, %convert_element_type3A_62, %cond3A_63 : i32
      scf.if %cond3A_64 {
        %sub3A_148 = arith.constant 1 : i32
        %sub3A_149 = arith.subi %add3A_51, %sub3A_148 : i32
        %add3A_150 = arith.addi %mul3A_2, %sub3A_149 : i32
        %mul3A_151 = arith.constant 64 : i32
        %mul3A_152 = arith.muli %add3A_150, %mul3A_151 : i32
        %dma_start3A_153 = arith.constant 0 : i32
        %dma_start3A_154 = tpu.memref_slice %arg4[%mul3A_152, %dma_start3A_153] : memref<819200x300xf32, #tpu.memory_space<hbm>> -> memref<64x300xf32, #tpu.memory_space<hbm>>
        %dma_start3A_155 = arith.constant 0 : i32
        %dma_start3A_156 = tpu.memref_slice %arg4[%mul3A_152, %dma_start3A_155] : memref<819200x300xf32, #tpu.memory_space<hbm>> -> memref<64x300xf32, #tpu.memory_space<hbm>>
        tpu.enqueue_dma source(%arg9 : memref<64x300xf32, #tpu.memory_space<vmem>>) target(%dma_start3A_156 : memref<64x300xf32, #tpu.memory_space<hbm>>) target_semaphore(%arg17 : memref<!tpu.dma_semaphore, #tpu.memory_space<semaphore_mem>>)
      } else {
      }
      %mul3A_65 = arith.constant 4 : i32
      %mul3A_66 = arith.muli %scan3A_46, %mul3A_65 : i32
      %add3A_67 = arith.constant 1 : i32
      %add3A_68 = arith.addi %mul3A_66, %add3A_67 : i32
      %convert_element_type3A_69 = arith.extui %gt3A_47 : i1 to i32
      %cond3A_70 = arith.constant 0 : i32
      %cond3A_71 = arith.cmpi ne, %convert_element_type3A_69, %cond3A_70 : i32
      scf.if %cond3A_71 {
        %dma_wait3A_148 = arith.constant 0 : i32
        %dma_wait3A_149 = arith.constant 0 : i32
        %dma_wait3A_150 = tpu.memref_slice %arg4[%dma_wait3A_148, %dma_wait3A_149] : memref<819200x300xf32, #tpu.memory_space<hbm>> -> memref<64x300xf32, #tpu.memory_space<hbm>>
        %dma_wait3A_151 = arith.constant 0 : i32
        %dma_wait3A_152 = arith.constant 0 : i32
        %dma_wait3A_153 = tpu.memref_slice %arg4[%dma_wait3A_151, %dma_wait3A_152] : memref<819200x300xf32, #tpu.memory_space<hbm>> -> memref<64x300xf32, #tpu.memory_space<hbm>>
        tpu.wait_dma2 semaphore(%arg15 : memref<!tpu.dma_semaphore, #tpu.memory_space<semaphore_mem>>) src(%arg7 : memref<64x300xf32, #tpu.memory_space<vmem>>) dst(%dma_wait3A_153 : memref<64x300xf32, #tpu.memory_space<hbm>>)
      } else {
      }
      %scan3A_72 = arith.constant 0 : i32
      %scan3A_73 = arith.constant 0 : i32
      %scan3A_74 = arith.constant 4 : i32
      %scan3A_75 = arith.addi %scan3A_73, %scan3A_74 : i32
      %scan3A_76 = arith.constant 1 : i32
      scf.for %scan3A_148 = %scan3A_73 to %scan3A_75 step %scan3A_76  : i32 {
        %mul3A_149 = arith.constant 64 : i32
        %mul3A_150 = arith.muli %add3A_68, %mul3A_149 : i32
        %mul3A_151 = arith.constant 16 : i32
        %mul3A_152 = arith.muli %scan3A_148, %mul3A_151 : i32
        %add3A_153 = arith.addi %mul3A_150, %mul3A_152 : i32
        %get3A = arith.index_cast %add3A_153 : i32 to index
        %get3A_154 = tpu.vector_load %arg5[%get3A] {strides = array<i32>} : memref<25600xi32, #tpu.memory_space<vmem>>, vector<16xi32>,
        %get3A_155 = vector.shape_cast %get3A_154 : vector<16xi32> to vector<16xi32>
        %slice3A = vector.extract_strided_slice %get3A_155 {offsets = [0], sizes = [1], strides = [1]} : vector<16xi32> to vector<1xi32>
        %squeeze3A = vector.extract %slice3A[0] : i32 from vector<1xi32>
        %mul3A_156 = arith.constant 16 : i32
        %mul3A_157 = arith.muli %scan3A_148, %mul3A_156 : i32
        %add3A_158 = arith.constant 0 : i32
        %add3A_159 = arith.addi %mul3A_157, %add3A_158 : i32
        %dma_start3A_160 = arith.constant 0 : i32
        %dma_start3A_161 = tpu.memref_slice %arg7[%add3A_159, %dma_start3A_160] : memref<64x300xf32, #tpu.memory_space<vmem>> -> memref<1x300xf32, #tpu.memory_space<vmem>>
        %dma_start3A_162 = arith.constant 0 : i32
        %dma_start3A_163 = tpu.memref_slice %arg2[%squeeze3A, %dma_start3A_162] : memref<1000008x300xf32, #tpu.memory_space<hbm>> -> memref<1x300xf32, #tpu.memory_space<hbm>>
        %dma_start3A_164 = arith.constant 0 : i32
        %dma_start3A_165 = tpu.memref_slice %arg7[%add3A_159, %dma_start3A_164] : memref<64x300xf32, #tpu.memory_space<vmem>> -> memref<1x300xf32, #tpu.memory_space<vmem>>
        %dma_start3A_166 = arith.constant 0 : i32
        %dma_start3A_167 = tpu.memref_slice %arg2[%squeeze3A, %dma_start3A_166] : memref<1000008x300xf32, #tpu.memory_space<hbm>> -> memref<1x300xf32, #tpu.memory_space<hbm>>
        tpu.enqueue_dma source(%dma_start3A_167 : memref<1x300xf32, #tpu.memory_space<hbm>>) target(%dma_start3A_165 : memref<1x300xf32, #tpu.memory_space<vmem>>) target_semaphore(%arg11 : memref<!tpu.dma_semaphore, #tpu.memory_space<semaphore_mem>>)
        %slice3A_168 = vector.extract_strided_slice %get3A_155 {offsets = [1], sizes = [1], strides = [1]} : vector<16xi32> to vector<1xi32>
        %squeeze3A_169 = vector.extract %slice3A_168[0] : i32 from vector<1xi32>
        %mul3A_170 = arith.constant 16 : i32
        %mul3A_171 = arith.muli %scan3A_148, %mul3A_170 : i32
        %add3A_172 = arith.constant 1 : i32
        %add3A_173 = arith.addi %mul3A_171, %add3A_172 : i32
        %dma_start3A_174 = arith.constant 0 : i32
        %dma_start3A_175 = tpu.memref_slice %arg7[%add3A_173, %dma_start3A_174] : memref<64x300xf32, #tpu.memory_space<vmem>> -> memref<1x300xf32, #tpu.memory_space<vmem>>
        %dma_start3A_176 = arith.constant 0 : i32
        %dma_start3A_177 = tpu.memref_slice %arg2[%squeeze3A_169, %dma_start3A_176] : memref<1000008x300xf32, #tpu.memory_space<hbm>> -> memref<1x300xf32, #tpu.memory_space<hbm>>
        %dma_start3A_178 = arith.constant 0 : i32
        %dma_start3A_179 = tpu.memref_slice %arg7[%add3A_173, %dma_start3A_178] : memref<64x300xf32, #tpu.memory_space<vmem>> -> memref<1x300xf32, #tpu.memory_space<vmem>>
        %dma_start3A_180 = arith.constant 0 : i32
        %dma_start3A_181 = tpu.memref_slice %arg2[%squeeze3A_169, %dma_start3A_180] : memref<1000008x300xf32, #tpu.memory_space<hbm>> -> memref<1x300xf32, #tpu.memory_space<hbm>>
        tpu.enqueue_dma source(%dma_start3A_181 : memref<1x300xf32, #tpu.memory_space<hbm>>) target(%dma_start3A_179 : memref<1x300xf32, #tpu.memory_space<vmem>>) target_semaphore(%arg11 : memref<!tpu.dma_semaphore, #tpu.memory_space<semaphore_mem>>)
        %slice3A_182 = vector.extract_strided_slice %get3A_155 {offsets = [2], sizes = [1], strides = [1]} : vector<16xi32> to vector<1xi32>
        %squeeze3A_183 = vector.extract %slice3A_182[0] : i32 from vector<1xi32>
        %mul3A_184 = arith.constant 16 : i32
        %mul3A_185 = arith.muli %scan3A_148, %mul3A_184 : i32
        %add3A_186 = arith.constant 2 : i32
        %add3A_187 = arith.addi %mul3A_185, %add3A_186 : i32
        %dma_start3A_188 = arith.constant 0 : i32
        %dma_start3A_189 = tpu.memref_slice %arg7[%add3A_187, %dma_start3A_188] : memref<64x300xf32, #tpu.memory_space<vmem>> -> memref<1x300xf32, #tpu.memory_space<vmem>>
        %dma_start3A_190 = arith.constant 0 : i32
        %dma_start3A_191 = tpu.memref_slice %arg2[%squeeze3A_183, %dma_start3A_190] : memref<1000008x300xf32, #tpu.memory_space<hbm>> -> memref<1x300xf32, #tpu.memory_space<hbm>>
        %dma_start3A_192 = arith.constant 0 : i32
        %dma_start3A_193 = tpu.memref_slice %arg7[%add3A_187, %dma_start3A_192] : memref<64x300xf32, #tpu.memory_space<vmem>> -> memref<1x300xf32, #tpu.memory_space<vmem>>
        %dma_start3A_194 = arith.constant 0 : i32
        %dma_start3A_195 = tpu.memref_slice %arg2[%squeeze3A_183, %dma_start3A_194] : memref<1000008x300xf32, #tpu.memory_space<hbm>> -> memref<1x300xf32, #tpu.memory_space<hbm>>
        tpu.enqueue_dma source(%dma_start3A_195 : memref<1x300xf32, #tpu.memory_space<hbm>>) target(%dma_start3A_193 : memref<1x300xf32, #tpu.memory_space<vmem>>) target_semaphore(%arg11 : memref<!tpu.dma_semaphore, #tpu.memory_space<semaphore_mem>>)
        %slice3A_196 = vector.extract_strided_slice %get3A_155 {offsets = [3], sizes = [1], strides = [1]} : vector<16xi32> to vector<1xi32>
        %squeeze3A_197 = vector.extract %slice3A_196[0] : i32 from vector<1xi32>
        %mul3A_198 = arith.constant 16 : i32
        %mul3A_199 = arith.muli %scan3A_148, %mul3A_198 : i32
        %add3A_200 = arith.constant 3 : i32
        %add3A_201 = arith.addi %mul3A_199, %add3A_200 : i32
        %dma_start3A_202 = arith.constant 0 : i32
        %dma_start3A_203 = tpu.memref_slice %arg7[%add3A_201, %dma_start3A_202] : memref<64x300xf32, #tpu.memory_space<vmem>> -> memref<1x300xf32, #tpu.memory_space<vmem>>
        %dma_start3A_204 = arith.constant 0 : i32
        %dma_start3A_205 = tpu.memref_slice %arg2[%squeeze3A_197, %dma_start3A_204] : memref<1000008x300xf32, #tpu.memory_space<hbm>> -> memref<1x300xf32, #tpu.memory_space<hbm>>
        %dma_start3A_206 = arith.constant 0 : i32
        %dma_start3A_207 = tpu.memref_slice %arg7[%add3A_201, %dma_start3A_206] : memref<64x300xf32, #tpu.memory_space<vmem>> -> memref<1x300xf32, #tpu.memory_space<vmem>>
        %dma_start3A_208 = arith.constant 0 : i32
        %dma_start3A_209 = tpu.memref_slice %arg2[%squeeze3A_197, %dma_start3A_208] : memref<1000008x300xf32, #tpu.memory_space<hbm>> -> memref<1x300xf32, #tpu.memory_space<hbm>>
        tpu.enqueue_dma source(%dma_start3A_209 : memref<1x300xf32, #tpu.memory_space<hbm>>) target(%dma_start3A_207 : memref<1x300xf32, #tpu.memory_space<vmem>>) target_semaphore(%arg11 : memref<!tpu.dma_semaphore, #tpu.memory_space<semaphore_mem>>)
        %slice3A_210 = vector.extract_strided_slice %get3A_155 {offsets = [4], sizes = [1], strides = [1]} : vector<16xi32> to vector<1xi32>
        %squeeze3A_211 = vector.extract %slice3A_210[0] : i32 from vector<1xi32>
        %mul3A_212 = arith.constant 16 : i32
        %mul3A_213 = arith.muli %scan3A_148, %mul3A_212 : i32
        %add3A_214 = arith.constant 4 : i32
        %add3A_215 = arith.addi %mul3A_213, %add3A_214 : i32
        %dma_start3A_216 = arith.constant 0 : i32
        %dma_start3A_217 = tpu.memref_slice %arg7[%add3A_215, %dma_start3A_216] : memref<64x300xf32, #tpu.memory_space<vmem>> -> memref<1x300xf32, #tpu.memory_space<vmem>>
        %dma_start3A_218 = arith.constant 0 : i32
        %dma_start3A_219 = tpu.memref_slice %arg2[%squeeze3A_211, %dma_start3A_218] : memref<1000008x300xf32, #tpu.memory_space<hbm>> -> memref<1x300xf32, #tpu.memory_space<hbm>>
        %dma_start3A_220 = arith.constant 0 : i32
        %dma_start3A_221 = tpu.memref_slice %arg7[%add3A_215, %dma_start3A_220] : memref<64x300xf32, #tpu.memory_space<vmem>> -> memref<1x300xf32, #tpu.memory_space<vmem>>
        %dma_start3A_222 = arith.constant 0 : i32
        %dma_start3A_223 = tpu.memref_slice %arg2[%squeeze3A_211, %dma_start3A_222] : memref<1000008x300xf32, #tpu.memory_space<hbm>> -> memref<1x300xf32, #tpu.memory_space<hbm>>
        tpu.enqueue_dma source(%dma_start3A_223 : memref<1x300xf32, #tpu.memory_space<hbm>>) target(%dma_start3A_221 : memref<1x300xf32, #tpu.memory_space<vmem>>) target_semaphore(%arg11 : memref<!tpu.dma_semaphore, #tpu.memory_space<semaphore_mem>>)
        %slice3A_224 = vector.extract_strided_slice %get3A_155 {offsets = [5], sizes = [1], strides = [1]} : vector<16xi32> to vector<1xi32>
        %squeeze3A_225 = vector.extract %slice3A_224[0] : i32 from vector<1xi32>
        %mul3A_226 = arith.constant 16 : i32
        %mul3A_227 = arith.muli %scan3A_148, %mul3A_226 : i32
        %add3A_228 = arith.constant 5 : i32
        %add3A_229 = arith.addi %mul3A_227, %add3A_228 : i32
        %dma_start3A_230 = arith.constant 0 : i32
        %dma_start3A_231 = tpu.memref_slice %arg7[%add3A_229, %dma_start3A_230] : memref<64x300xf32, #tpu.memory_space<vmem>> -> memref<1x300xf32, #tpu.memory_space<vmem>>
        %dma_start3A_232 = arith.constant 0 : i32
        %dma_start3A_233 = tpu.memref_slice %arg2[%squeeze3A_225, %dma_start3A_232] : memref<1000008x300xf32, #tpu.memory_space<hbm>> -> memref<1x300xf32, #tpu.memory_space<hbm>>
        %dma_start3A_234 = arith.constant 0 : i32
        %dma_start3A_235 = tpu.memref_slice %arg7[%add3A_229, %dma_start3A_234] : memref<64x300xf32, #tpu.memory_space<vmem>> -> memref<1x300xf32, #tpu.memory_space<vmem>>
        %dma_start3A_236 = arith.constant 0 : i32
        %dma_start3A_237 = tpu.memref_slice %arg2[%squeeze3A_225, %dma_start3A_236] : memref<1000008x300xf32, #tpu.memory_space<hbm>> -> memref<1x300xf32, #tpu.memory_space<hbm>>
        tpu.enqueue_dma source(%dma_start3A_237 : memref<1x300xf32, #tpu.memory_space<hbm>>) target(%dma_start3A_235 : memref<1x300xf32, #tpu.memory_space<vmem>>) target_semaphore(%arg11 : memref<!tpu.dma_semaphore, #tpu.memory_space<semaphore_mem>>)
        %slice3A_238 = vector.extract_strided_slice %get3A_155 {offsets = [6], sizes = [1], strides = [1]} : vector<16xi32> to vector<1xi32>
        %squeeze3A_239 = vector.extract %slice3A_238[0] : i32 from vector<1xi32>
        %mul3A_240 = arith.constant 16 : i32
        %mul3A_241 = arith.muli %scan3A_148, %mul3A_240 : i32
        %add3A_242 = arith.constant 6 : i32
        %add3A_243 = arith.addi %mul3A_241, %add3A_242 : i32
        %dma_start3A_244 = arith.constant 0 : i32
        %dma_start3A_245 = tpu.memref_slice %arg7[%add3A_243, %dma_start3A_244] : memref<64x300xf32, #tpu.memory_space<vmem>> -> memref<1x300xf32, #tpu.memory_space<vmem>>
        %dma_start3A_246 = arith.constant 0 : i32
        %dma_start3A_247 = tpu.memref_slice %arg2[%squeeze3A_239, %dma_start3A_246] : memref<1000008x300xf32, #tpu.memory_space<hbm>> -> memref<1x300xf32, #tpu.memory_space<hbm>>
        %dma_start3A_248 = arith.constant 0 : i32
        %dma_start3A_249 = tpu.memref_slice %arg7[%add3A_243, %dma_start3A_248] : memref<64x300xf32, #tpu.memory_space<vmem>> -> memref<1x300xf32, #tpu.memory_space<vmem>>
        %dma_start3A_250 = arith.constant 0 : i32
        %dma_start3A_251 = tpu.memref_slice %arg2[%squeeze3A_239, %dma_start3A_250] : memref<1000008x300xf32, #tpu.memory_space<hbm>> -> memref<1x300xf32, #tpu.memory_space<hbm>>
        tpu.enqueue_dma source(%dma_start3A_251 : memref<1x300xf32, #tpu.memory_space<hbm>>) target(%dma_start3A_249 : memref<1x300xf32, #tpu.memory_space<vmem>>) target_semaphore(%arg11 : memref<!tpu.dma_semaphore, #tpu.memory_space<semaphore_mem>>)
        %slice3A_252 = vector.extract_strided_slice %get3A_155 {offsets = [7], sizes = [1], strides = [1]} : vector<16xi32> to vector<1xi32>
        %squeeze3A_253 = vector.extract %slice3A_252[0] : i32 from vector<1xi32>
        %mul3A_254 = arith.constant 16 : i32
        %mul3A_255 = arith.muli %scan3A_148, %mul3A_254 : i32
        %add3A_256 = arith.constant 7 : i32
        %add3A_257 = arith.addi %mul3A_255, %add3A_256 : i32
        %dma_start3A_258 = arith.constant 0 : i32
        %dma_start3A_259 = tpu.memref_slice %arg7[%add3A_257, %dma_start3A_258] : memref<64x300xf32, #tpu.memory_space<vmem>> -> memref<1x300xf32, #tpu.memory_space<vmem>>
        %dma_start3A_260 = arith.constant 0 : i32
        %dma_start3A_261 = tpu.memref_slice %arg2[%squeeze3A_253, %dma_start3A_260] : memref<1000008x300xf32, #tpu.memory_space<hbm>> -> memref<1x300xf32, #tpu.memory_space<hbm>>
        %dma_start3A_262 = arith.constant 0 : i32
        %dma_start3A_263 = tpu.memref_slice %arg7[%add3A_257, %dma_start3A_262] : memref<64x300xf32, #tpu.memory_space<vmem>> -> memref<1x300xf32, #tpu.memory_space<vmem>>
        %dma_start3A_264 = arith.constant 0 : i32
        %dma_start3A_265 = tpu.memref_slice %arg2[%squeeze3A_253, %dma_start3A_264] : memref<1000008x300xf32, #tpu.memory_space<hbm>> -> memref<1x300xf32, #tpu.memory_space<hbm>>
        tpu.enqueue_dma source(%dma_start3A_265 : memref<1x300xf32, #tpu.memory_space<hbm>>) target(%dma_start3A_263 : memref<1x300xf32, #tpu.memory_space<vmem>>) target_semaphore(%arg11 : memref<!tpu.dma_semaphore, #tpu.memory_space<semaphore_mem>>)
        %slice3A_266 = vector.extract_strided_slice %get3A_155 {offsets = [8], sizes = [1], strides = [1]} : vector<16xi32> to vector<1xi32>
        %squeeze3A_267 = vector.extract %slice3A_266[0] : i32 from vector<1xi32>
        %mul3A_268 = arith.constant 16 : i32
        %mul3A_269 = arith.muli %scan3A_148, %mul3A_268 : i32
        %add3A_270 = arith.constant 8 : i32
        %add3A_271 = arith.addi %mul3A_269, %add3A_270 : i32
        %dma_start3A_272 = arith.constant 0 : i32
        %dma_start3A_273 = tpu.memref_slice %arg7[%add3A_271, %dma_start3A_272] : memref<64x300xf32, #tpu.memory_space<vmem>> -> memref<1x300xf32, #tpu.memory_space<vmem>>
        %dma_start3A_274 = arith.constant 0 : i32
        %dma_start3A_275 = tpu.memref_slice %arg2[%squeeze3A_267, %dma_start3A_274] : memref<1000008x300xf32, #tpu.memory_space<hbm>> -> memref<1x300xf32, #tpu.memory_space<hbm>>
        %dma_start3A_276 = arith.constant 0 : i32
        %dma_start3A_277 = tpu.memref_slice %arg7[%add3A_271, %dma_start3A_276] : memref<64x300xf32, #tpu.memory_space<vmem>> -> memref<1x300xf32, #tpu.memory_space<vmem>>
        %dma_start3A_278 = arith.constant 0 : i32
        %dma_start3A_279 = tpu.memref_slice %arg2[%squeeze3A_267, %dma_start3A_278] : memref<1000008x300xf32, #tpu.memory_space<hbm>> -> memref<1x300xf32, #tpu.memory_space<hbm>>
        tpu.enqueue_dma source(%dma_start3A_279 : memref<1x300xf32, #tpu.memory_space<hbm>>) target(%dma_start3A_277 : memref<1x300xf32, #tpu.memory_space<vmem>>) target_semaphore(%arg11 : memref<!tpu.dma_semaphore, #tpu.memory_space<semaphore_mem>>)
        %slice3A_280 = vector.extract_strided_slice %get3A_155 {offsets = [9], sizes = [1], strides = [1]} : vector<16xi32> to vector<1xi32>
        %squeeze3A_281 = vector.extract %slice3A_280[0] : i32 from vector<1xi32>
        %mul3A_282 = arith.constant 16 : i32
        %mul3A_283 = arith.muli %scan3A_148, %mul3A_282 : i32
        %add3A_284 = arith.constant 9 : i32
        %add3A_285 = arith.addi %mul3A_283, %add3A_284 : i32
        %dma_start3A_286 = arith.constant 0 : i32
        %dma_start3A_287 = tpu.memref_slice %arg7[%add3A_285, %dma_start3A_286] : memref<64x300xf32, #tpu.memory_space<vmem>> -> memref<1x300xf32, #tpu.memory_space<vmem>>
        %dma_start3A_288 = arith.constant 0 : i32
        %dma_start3A_289 = tpu.memref_slice %arg2[%squeeze3A_281, %dma_start3A_288] : memref<1000008x300xf32, #tpu.memory_space<hbm>> -> memref<1x300xf32, #tpu.memory_space<hbm>>
        %dma_start3A_290 = arith.constant 0 : i32
        %dma_start3A_291 = tpu.memref_slice %arg7[%add3A_285, %dma_start3A_290] : memref<64x300xf32, #tpu.memory_space<vmem>> -> memref<1x300xf32, #tpu.memory_space<vmem>>
        %dma_start3A_292 = arith.constant 0 : i32
        %dma_start3A_293 = tpu.memref_slice %arg2[%squeeze3A_281, %dma_start3A_292] : memref<1000008x300xf32, #tpu.memory_space<hbm>> -> memref<1x300xf32, #tpu.memory_space<hbm>>
        tpu.enqueue_dma source(%dma_start3A_293 : memref<1x300xf32, #tpu.memory_space<hbm>>) target(%dma_start3A_291 : memref<1x300xf32, #tpu.memory_space<vmem>>) target_semaphore(%arg11 : memref<!tpu.dma_semaphore, #tpu.memory_space<semaphore_mem>>)
        %slice3A_294 = vector.extract_strided_slice %get3A_155 {offsets = [10], sizes = [1], strides = [1]} : vector<16xi32> to vector<1xi32>
        %squeeze3A_295 = vector.extract %slice3A_294[0] : i32 from vector<1xi32>
        %mul3A_296 = arith.constant 16 : i32
        %mul3A_297 = arith.muli %scan3A_148, %mul3A_296 : i32
        %add3A_298 = arith.constant 10 : i32
        %add3A_299 = arith.addi %mul3A_297, %add3A_298 : i32
        %dma_start3A_300 = arith.constant 0 : i32
        %dma_start3A_301 = tpu.memref_slice %arg7[%add3A_299, %dma_start3A_300] : memref<64x300xf32, #tpu.memory_space<vmem>> -> memref<1x300xf32, #tpu.memory_space<vmem>>
        %dma_start3A_302 = arith.constant 0 : i32
        %dma_start3A_303 = tpu.memref_slice %arg2[%squeeze3A_295, %dma_start3A_302] : memref<1000008x300xf32, #tpu.memory_space<hbm>> -> memref<1x300xf32, #tpu.memory_space<hbm>>
        %dma_start3A_304 = arith.constant 0 : i32
        %dma_start3A_305 = tpu.memref_slice %arg7[%add3A_299, %dma_start3A_304] : memref<64x300xf32, #tpu.memory_space<vmem>> -> memref<1x300xf32, #tpu.memory_space<vmem>>
        %dma_start3A_306 = arith.constant 0 : i32
        %dma_start3A_307 = tpu.memref_slice %arg2[%squeeze3A_295, %dma_start3A_306] : memref<1000008x300xf32, #tpu.memory_space<hbm>> -> memref<1x300xf32, #tpu.memory_space<hbm>>
        tpu.enqueue_dma source(%dma_start3A_307 : memref<1x300xf32, #tpu.memory_space<hbm>>) target(%dma_start3A_305 : memref<1x300xf32, #tpu.memory_space<vmem>>) target_semaphore(%arg11 : memref<!tpu.dma_semaphore, #tpu.memory_space<semaphore_mem>>)
        %slice3A_308 = vector.extract_strided_slice %get3A_155 {offsets = [11], sizes = [1], strides = [1]} : vector<16xi32> to vector<1xi32>
        %squeeze3A_309 = vector.extract %slice3A_308[0] : i32 from vector<1xi32>
        %mul3A_310 = arith.constant 16 : i32
        %mul3A_311 = arith.muli %scan3A_148, %mul3A_310 : i32
        %add3A_312 = arith.constant 11 : i32
        %add3A_313 = arith.addi %mul3A_311, %add3A_312 : i32
        %dma_start3A_314 = arith.constant 0 : i32
        %dma_start3A_315 = tpu.memref_slice %arg7[%add3A_313, %dma_start3A_314] : memref<64x300xf32, #tpu.memory_space<vmem>> -> memref<1x300xf32, #tpu.memory_space<vmem>>
        %dma_start3A_316 = arith.constant 0 : i32
        %dma_start3A_317 = tpu.memref_slice %arg2[%squeeze3A_309, %dma_start3A_316] : memref<1000008x300xf32, #tpu.memory_space<hbm>> -> memref<1x300xf32, #tpu.memory_space<hbm>>
        %dma_start3A_318 = arith.constant 0 : i32
        %dma_start3A_319 = tpu.memref_slice %arg7[%add3A_313, %dma_start3A_318] : memref<64x300xf32, #tpu.memory_space<vmem>> -> memref<1x300xf32, #tpu.memory_space<vmem>>
        %dma_start3A_320 = arith.constant 0 : i32
        %dma_start3A_321 = tpu.memref_slice %arg2[%squeeze3A_309, %dma_start3A_320] : memref<1000008x300xf32, #tpu.memory_space<hbm>> -> memref<1x300xf32, #tpu.memory_space<hbm>>
        tpu.enqueue_dma source(%dma_start3A_321 : memref<1x300xf32, #tpu.memory_space<hbm>>) target(%dma_start3A_319 : memref<1x300xf32, #tpu.memory_space<vmem>>) target_semaphore(%arg11 : memref<!tpu.dma_semaphore, #tpu.memory_space<semaphore_mem>>)
        %slice3A_322 = vector.extract_strided_slice %get3A_155 {offsets = [12], sizes = [1], strides = [1]} : vector<16xi32> to vector<1xi32>
        %squeeze3A_323 = vector.extract %slice3A_322[0] : i32 from vector<1xi32>
        %mul3A_324 = arith.constant 16 : i32
        %mul3A_325 = arith.muli %scan3A_148, %mul3A_324 : i32
        %add3A_326 = arith.constant 12 : i32
        %add3A_327 = arith.addi %mul3A_325, %add3A_326 : i32
        %dma_start3A_328 = arith.constant 0 : i32
        %dma_start3A_329 = tpu.memref_slice %arg7[%add3A_327, %dma_start3A_328] : memref<64x300xf32, #tpu.memory_space<vmem>> -> memref<1x300xf32, #tpu.memory_space<vmem>>
        %dma_start3A_330 = arith.constant 0 : i32
        %dma_start3A_331 = tpu.memref_slice %arg2[%squeeze3A_323, %dma_start3A_330] : memref<1000008x300xf32, #tpu.memory_space<hbm>> -> memref<1x300xf32, #tpu.memory_space<hbm>>
        %dma_start3A_332 = arith.constant 0 : i32
        %dma_start3A_333 = tpu.memref_slice %arg7[%add3A_327, %dma_start3A_332] : memref<64x300xf32, #tpu.memory_space<vmem>> -> memref<1x300xf32, #tpu.memory_space<vmem>>
        %dma_start3A_334 = arith.constant 0 : i32
        %dma_start3A_335 = tpu.memref_slice %arg2[%squeeze3A_323, %dma_start3A_334] : memref<1000008x300xf32, #tpu.memory_space<hbm>> -> memref<1x300xf32, #tpu.memory_space<hbm>>
        tpu.enqueue_dma source(%dma_start3A_335 : memref<1x300xf32, #tpu.memory_space<hbm>>) target(%dma_start3A_333 : memref<1x300xf32, #tpu.memory_space<vmem>>) target_semaphore(%arg11 : memref<!tpu.dma_semaphore, #tpu.memory_space<semaphore_mem>>)
        %slice3A_336 = vector.extract_strided_slice %get3A_155 {offsets = [13], sizes = [1], strides = [1]} : vector<16xi32> to vector<1xi32>
        %squeeze3A_337 = vector.extract %slice3A_336[0] : i32 from vector<1xi32>
        %mul3A_338 = arith.constant 16 : i32
        %mul3A_339 = arith.muli %scan3A_148, %mul3A_338 : i32
        %add3A_340 = arith.constant 13 : i32
        %add3A_341 = arith.addi %mul3A_339, %add3A_340 : i32
        %dma_start3A_342 = arith.constant 0 : i32
        %dma_start3A_343 = tpu.memref_slice %arg7[%add3A_341, %dma_start3A_342] : memref<64x300xf32, #tpu.memory_space<vmem>> -> memref<1x300xf32, #tpu.memory_space<vmem>>
        %dma_start3A_344 = arith.constant 0 : i32
        %dma_start3A_345 = tpu.memref_slice %arg2[%squeeze3A_337, %dma_start3A_344] : memref<1000008x300xf32, #tpu.memory_space<hbm>> -> memref<1x300xf32, #tpu.memory_space<hbm>>
        %dma_start3A_346 = arith.constant 0 : i32
        %dma_start3A_347 = tpu.memref_slice %arg7[%add3A_341, %dma_start3A_346] : memref<64x300xf32, #tpu.memory_space<vmem>> -> memref<1x300xf32, #tpu.memory_space<vmem>>
        %dma_start3A_348 = arith.constant 0 : i32
        %dma_start3A_349 = tpu.memref_slice %arg2[%squeeze3A_337, %dma_start3A_348] : memref<1000008x300xf32, #tpu.memory_space<hbm>> -> memref<1x300xf32, #tpu.memory_space<hbm>>
        tpu.enqueue_dma source(%dma_start3A_349 : memref<1x300xf32, #tpu.memory_space<hbm>>) target(%dma_start3A_347 : memref<1x300xf32, #tpu.memory_space<vmem>>) target_semaphore(%arg11 : memref<!tpu.dma_semaphore, #tpu.memory_space<semaphore_mem>>)
        %slice3A_350 = vector.extract_strided_slice %get3A_155 {offsets = [14], sizes = [1], strides = [1]} : vector<16xi32> to vector<1xi32>
        %squeeze3A_351 = vector.extract %slice3A_350[0] : i32 from vector<1xi32>
        %mul3A_352 = arith.constant 16 : i32
        %mul3A_353 = arith.muli %scan3A_148, %mul3A_352 : i32
        %add3A_354 = arith.constant 14 : i32
        %add3A_355 = arith.addi %mul3A_353, %add3A_354 : i32
        %dma_start3A_356 = arith.constant 0 : i32
        %dma_start3A_357 = tpu.memref_slice %arg7[%add3A_355, %dma_start3A_356] : memref<64x300xf32, #tpu.memory_space<vmem>> -> memref<1x300xf32, #tpu.memory_space<vmem>>
        %dma_start3A_358 = arith.constant 0 : i32
        %dma_start3A_359 = tpu.memref_slice %arg2[%squeeze3A_351, %dma_start3A_358] : memref<1000008x300xf32, #tpu.memory_space<hbm>> -> memref<1x300xf32, #tpu.memory_space<hbm>>
        %dma_start3A_360 = arith.constant 0 : i32
        %dma_start3A_361 = tpu.memref_slice %arg7[%add3A_355, %dma_start3A_360] : memref<64x300xf32, #tpu.memory_space<vmem>> -> memref<1x300xf32, #tpu.memory_space<vmem>>
        %dma_start3A_362 = arith.constant 0 : i32
        %dma_start3A_363 = tpu.memref_slice %arg2[%squeeze3A_351, %dma_start3A_362] : memref<1000008x300xf32, #tpu.memory_space<hbm>> -> memref<1x300xf32, #tpu.memory_space<hbm>>
        tpu.enqueue_dma source(%dma_start3A_363 : memref<1x300xf32, #tpu.memory_space<hbm>>) target(%dma_start3A_361 : memref<1x300xf32, #tpu.memory_space<vmem>>) target_semaphore(%arg11 : memref<!tpu.dma_semaphore, #tpu.memory_space<semaphore_mem>>)
        %slice3A_364 = vector.extract_strided_slice %get3A_155 {offsets = [15], sizes = [1], strides = [1]} : vector<16xi32> to vector<1xi32>
        %squeeze3A_365 = vector.extract %slice3A_364[0] : i32 from vector<1xi32>
        %mul3A_366 = arith.constant 16 : i32
        %mul3A_367 = arith.muli %scan3A_148, %mul3A_366 : i32
        %add3A_368 = arith.constant 15 : i32
        %add3A_369 = arith.addi %mul3A_367, %add3A_368 : i32
        %dma_start3A_370 = arith.constant 0 : i32
        %dma_start3A_371 = tpu.memref_slice %arg7[%add3A_369, %dma_start3A_370] : memref<64x300xf32, #tpu.memory_space<vmem>> -> memref<1x300xf32, #tpu.memory_space<vmem>>
        %dma_start3A_372 = arith.constant 0 : i32
        %dma_start3A_373 = tpu.memref_slice %arg2[%squeeze3A_365, %dma_start3A_372] : memref<1000008x300xf32, #tpu.memory_space<hbm>> -> memref<1x300xf32, #tpu.memory_space<hbm>>
        %dma_start3A_374 = arith.constant 0 : i32
        %dma_start3A_375 = tpu.memref_slice %arg7[%add3A_369, %dma_start3A_374] : memref<64x300xf32, #tpu.memory_space<vmem>> -> memref<1x300xf32, #tpu.memory_space<vmem>>
        %dma_start3A_376 = arith.constant 0 : i32
        %dma_start3A_377 = tpu.memref_slice %arg2[%squeeze3A_365, %dma_start3A_376] : memref<1000008x300xf32, #tpu.memory_space<hbm>> -> memref<1x300xf32, #tpu.memory_space<hbm>>
        tpu.enqueue_dma source(%dma_start3A_377 : memref<1x300xf32, #tpu.memory_space<hbm>>) target(%dma_start3A_375 : memref<1x300xf32, #tpu.memory_space<vmem>>) target_semaphore(%arg11 : memref<!tpu.dma_semaphore, #tpu.memory_space<semaphore_mem>>)
      }
      %scan3A_77 = arith.constant 4 : i32
      %dma_wait3A_78 = arith.constant 0 : i32
      %dma_wait3A_79 = arith.constant 0 : i32
      %dma_wait3A_80 = tpu.memref_slice %arg2[%dma_wait3A_78, %dma_wait3A_79] : memref<1000008x300xf32, #tpu.memory_space<hbm>> -> memref<64x300xf32, #tpu.memory_space<hbm>>
      %dma_wait3A_81 = arith.constant 0 : i32
      %dma_wait3A_82 = arith.constant 0 : i32
      %dma_wait3A_83 = tpu.memref_slice %arg2[%dma_wait3A_81, %dma_wait3A_82] : memref<1000008x300xf32, #tpu.memory_space<hbm>> -> memref<64x300xf32, #tpu.memory_space<hbm>>
      tpu.wait_dma2 semaphore(%arg10 : memref<!tpu.dma_semaphore, #tpu.memory_space<semaphore_mem>>) src(%dma_wait3A_83 : memref<64x300xf32, #tpu.memory_space<hbm>>) dst(%arg6 : memref<64x300xf32, #tpu.memory_space<vmem>>)
      %sub3A = arith.constant 1 : i32
      %sub3A_84 = arith.subi %add3A_68, %sub3A : i32
      %add3A_85 = arith.addi %mul3A_2, %sub3A_84 : i32
      %mul3A_86 = arith.constant 64 : i32
      %mul3A_87 = arith.muli %add3A_85, %mul3A_86 : i32
      %dma_start3A_88 = arith.constant 0 : i32
      %dma_start3A_89 = tpu.memref_slice %arg4[%mul3A_87, %dma_start3A_88] : memref<819200x300xf32, #tpu.memory_space<hbm>> -> memref<64x300xf32, #tpu.memory_space<hbm>>
      %dma_start3A_90 = arith.constant 0 : i32
      %dma_start3A_91 = tpu.memref_slice %arg4[%mul3A_87, %dma_start3A_90] : memref<819200x300xf32, #tpu.memory_space<hbm>> -> memref<64x300xf32, #tpu.memory_space<hbm>>
      tpu.enqueue_dma source(%arg6 : memref<64x300xf32, #tpu.memory_space<vmem>>) target(%dma_start3A_91 : memref<64x300xf32, #tpu.memory_space<hbm>>) target_semaphore(%arg14 : memref<!tpu.dma_semaphore, #tpu.memory_space<semaphore_mem>>)
      %mul3A_92 = arith.constant 4 : i32
      %mul3A_93 = arith.muli %scan3A_46, %mul3A_92 : i32
      %add3A_94 = arith.constant 2 : i32
      %add3A_95 = arith.addi %mul3A_93, %add3A_94 : i32
      %convert_element_type3A_96 = arith.extui %gt3A_47 : i1 to i32
      %cond3A_97 = arith.constant 0 : i32
      %cond3A_98 = arith.cmpi ne, %convert_element_type3A_96, %cond3A_97 : i32
      scf.if %cond3A_98 {
        %dma_wait3A_148 = arith.constant 0 : i32
        %dma_wait3A_149 = arith.constant 0 : i32
        %dma_wait3A_150 = tpu.memref_slice %arg4[%dma_wait3A_148, %dma_wait3A_149] : memref<819200x300xf32, #tpu.memory_space<hbm>> -> memref<64x300xf32, #tpu.memory_space<hbm>>
        %dma_wait3A_151 = arith.constant 0 : i32
        %dma_wait3A_152 = arith.constant 0 : i32
        %dma_wait3A_153 = tpu.memref_slice %arg4[%dma_wait3A_151, %dma_wait3A_152] : memref<819200x300xf32, #tpu.memory_space<hbm>> -> memref<64x300xf32, #tpu.memory_space<hbm>>
        tpu.wait_dma2 semaphore(%arg16 : memref<!tpu.dma_semaphore, #tpu.memory_space<semaphore_mem>>) src(%arg8 : memref<64x300xf32, #tpu.memory_space<vmem>>) dst(%dma_wait3A_153 : memref<64x300xf32, #tpu.memory_space<hbm>>)
      } else {
      }
      %scan3A_99 = arith.constant 0 : i32
      %scan3A_100 = arith.constant 0 : i32
      %scan3A_101 = arith.constant 4 : i32
      %scan3A_102 = arith.addi %scan3A_100, %scan3A_101 : i32
      %scan3A_103 = arith.constant 1 : i32
      scf.for %scan3A_148 = %scan3A_100 to %scan3A_102 step %scan3A_103  : i32 {
        %mul3A_149 = arith.constant 64 : i32
        %mul3A_150 = arith.muli %add3A_95, %mul3A_149 : i32
        %mul3A_151 = arith.constant 16 : i32
        %mul3A_152 = arith.muli %scan3A_148, %mul3A_151 : i32
        %add3A_153 = arith.addi %mul3A_150, %mul3A_152 : i32
        %get3A = arith.index_cast %add3A_153 : i32 to index
        %get3A_154 = tpu.vector_load %arg5[%get3A] {strides = array<i32>} : memref<25600xi32, #tpu.memory_space<vmem>>, vector<16xi32>,
        %get3A_155 = vector.shape_cast %get3A_154 : vector<16xi32> to vector<16xi32>
        %slice3A = vector.extract_strided_slice %get3A_155 {offsets = [0], sizes = [1], strides = [1]} : vector<16xi32> to vector<1xi32>
        %squeeze3A = vector.extract %slice3A[0] : i32 from vector<1xi32>
        %mul3A_156 = arith.constant 16 : i32
        %mul3A_157 = arith.muli %scan3A_148, %mul3A_156 : i32
        %add3A_158 = arith.constant 0 : i32
        %add3A_159 = arith.addi %mul3A_157, %add3A_158 : i32
        %dma_start3A_160 = arith.constant 0 : i32
        %dma_start3A_161 = tpu.memref_slice %arg8[%add3A_159, %dma_start3A_160] : memref<64x300xf32, #tpu.memory_space<vmem>> -> memref<1x300xf32, #tpu.memory_space<vmem>>
        %dma_start3A_162 = arith.constant 0 : i32
        %dma_start3A_163 = tpu.memref_slice %arg2[%squeeze3A, %dma_start3A_162] : memref<1000008x300xf32, #tpu.memory_space<hbm>> -> memref<1x300xf32, #tpu.memory_space<hbm>>
        %dma_start3A_164 = arith.constant 0 : i32
        %dma_start3A_165 = tpu.memref_slice %arg8[%add3A_159, %dma_start3A_164] : memref<64x300xf32, #tpu.memory_space<vmem>> -> memref<1x300xf32, #tpu.memory_space<vmem>>
        %dma_start3A_166 = arith.constant 0 : i32
        %dma_start3A_167 = tpu.memref_slice %arg2[%squeeze3A, %dma_start3A_166] : memref<1000008x300xf32, #tpu.memory_space<hbm>> -> memref<1x300xf32, #tpu.memory_space<hbm>>
        tpu.enqueue_dma source(%dma_start3A_167 : memref<1x300xf32, #tpu.memory_space<hbm>>) target(%dma_start3A_165 : memref<1x300xf32, #tpu.memory_space<vmem>>) target_semaphore(%arg12 : memref<!tpu.dma_semaphore, #tpu.memory_space<semaphore_mem>>)
        %slice3A_168 = vector.extract_strided_slice %get3A_155 {offsets = [1], sizes = [1], strides = [1]} : vector<16xi32> to vector<1xi32>
        %squeeze3A_169 = vector.extract %slice3A_168[0] : i32 from vector<1xi32>
        %mul3A_170 = arith.constant 16 : i32
        %mul3A_171 = arith.muli %scan3A_148, %mul3A_170 : i32
        %add3A_172 = arith.constant 1 : i32
        %add3A_173 = arith.addi %mul3A_171, %add3A_172 : i32
        %dma_start3A_174 = arith.constant 0 : i32
        %dma_start3A_175 = tpu.memref_slice %arg8[%add3A_173, %dma_start3A_174] : memref<64x300xf32, #tpu.memory_space<vmem>> -> memref<1x300xf32, #tpu.memory_space<vmem>>
        %dma_start3A_176 = arith.constant 0 : i32
        %dma_start3A_177 = tpu.memref_slice %arg2[%squeeze3A_169, %dma_start3A_176] : memref<1000008x300xf32, #tpu.memory_space<hbm>> -> memref<1x300xf32, #tpu.memory_space<hbm>>
        %dma_start3A_178 = arith.constant 0 : i32
        %dma_start3A_179 = tpu.memref_slice %arg8[%add3A_173, %dma_start3A_178] : memref<64x300xf32, #tpu.memory_space<vmem>> -> memref<1x300xf32, #tpu.memory_space<vmem>>
        %dma_start3A_180 = arith.constant 0 : i32
        %dma_start3A_181 = tpu.memref_slice %arg2[%squeeze3A_169, %dma_start3A_180] : memref<1000008x300xf32, #tpu.memory_space<hbm>> -> memref<1x300xf32, #tpu.memory_space<hbm>>
        tpu.enqueue_dma source(%dma_start3A_181 : memref<1x300xf32, #tpu.memory_space<hbm>>) target(%dma_start3A_179 : memref<1x300xf32, #tpu.memory_space<vmem>>) target_semaphore(%arg12 : memref<!tpu.dma_semaphore, #tpu.memory_space<semaphore_mem>>)
        %slice3A_182 = vector.extract_strided_slice %get3A_155 {offsets = [2], sizes = [1], strides = [1]} : vector<16xi32> to vector<1xi32>
        %squeeze3A_183 = vector.extract %slice3A_182[0] : i32 from vector<1xi32>
        %mul3A_184 = arith.constant 16 : i32
        %mul3A_185 = arith.muli %scan3A_148, %mul3A_184 : i32
        %add3A_186 = arith.constant 2 : i32
        %add3A_187 = arith.addi %mul3A_185, %add3A_186 : i32
        %dma_start3A_188 = arith.constant 0 : i32
        %dma_start3A_189 = tpu.memref_slice %arg8[%add3A_187, %dma_start3A_188] : memref<64x300xf32, #tpu.memory_space<vmem>> -> memref<1x300xf32, #tpu.memory_space<vmem>>
        %dma_start3A_190 = arith.constant 0 : i32
        %dma_start3A_191 = tpu.memref_slice %arg2[%squeeze3A_183, %dma_start3A_190] : memref<1000008x300xf32, #tpu.memory_space<hbm>> -> memref<1x300xf32, #tpu.memory_space<hbm>>
        %dma_start3A_192 = arith.constant 0 : i32
        %dma_start3A_193 = tpu.memref_slice %arg8[%add3A_187, %dma_start3A_192] : memref<64x300xf32, #tpu.memory_space<vmem>> -> memref<1x300xf32, #tpu.memory_space<vmem>>
        %dma_start3A_194 = arith.constant 0 : i32
        %dma_start3A_195 = tpu.memref_slice %arg2[%squeeze3A_183, %dma_start3A_194] : memref<1000008x300xf32, #tpu.memory_space<hbm>> -> memref<1x300xf32, #tpu.memory_space<hbm>>
        tpu.enqueue_dma source(%dma_start3A_195 : memref<1x300xf32, #tpu.memory_space<hbm>>) target(%dma_start3A_193 : memref<1x300xf32, #tpu.memory_space<vmem>>) target_semaphore(%arg12 : memref<!tpu.dma_semaphore, #tpu.memory_space<semaphore_mem>>)
        %slice3A_196 = vector.extract_strided_slice %get3A_155 {offsets = [3], sizes = [1], strides = [1]} : vector<16xi32> to vector<1xi32>
        %squeeze3A_197 = vector.extract %slice3A_196[0] : i32 from vector<1xi32>
        %mul3A_198 = arith.constant 16 : i32
        %mul3A_199 = arith.muli %scan3A_148, %mul3A_198 : i32
        %add3A_200 = arith.constant 3 : i32
        %add3A_201 = arith.addi %mul3A_199, %add3A_200 : i32
        %dma_start3A_202 = arith.constant 0 : i32
        %dma_start3A_203 = tpu.memref_slice %arg8[%add3A_201, %dma_start3A_202] : memref<64x300xf32, #tpu.memory_space<vmem>> -> memref<1x300xf32, #tpu.memory_space<vmem>>
        %dma_start3A_204 = arith.constant 0 : i32
        %dma_start3A_205 = tpu.memref_slice %arg2[%squeeze3A_197, %dma_start3A_204] : memref<1000008x300xf32, #tpu.memory_space<hbm>> -> memref<1x300xf32, #tpu.memory_space<hbm>>
        %dma_start3A_206 = arith.constant 0 : i32
        %dma_start3A_207 = tpu.memref_slice %arg8[%add3A_201, %dma_start3A_206] : memref<64x300xf32, #tpu.memory_space<vmem>> -> memref<1x300xf32, #tpu.memory_space<vmem>>
        %dma_start3A_208 = arith.constant 0 : i32
        %dma_start3A_209 = tpu.memref_slice %arg2[%squeeze3A_197, %dma_start3A_208] : memref<1000008x300xf32, #tpu.memory_space<hbm>> -> memref<1x300xf32, #tpu.memory_space<hbm>>
        tpu.enqueue_dma source(%dma_start3A_209 : memref<1x300xf32, #tpu.memory_space<hbm>>) target(%dma_start3A_207 : memref<1x300xf32, #tpu.memory_space<vmem>>) target_semaphore(%arg12 : memref<!tpu.dma_semaphore, #tpu.memory_space<semaphore_mem>>)
        %slice3A_210 = vector.extract_strided_slice %get3A_155 {offsets = [4], sizes = [1], strides = [1]} : vector<16xi32> to vector<1xi32>
        %squeeze3A_211 = vector.extract %slice3A_210[0] : i32 from vector<1xi32>
        %mul3A_212 = arith.constant 16 : i32
        %mul3A_213 = arith.muli %scan3A_148, %mul3A_212 : i32
        %add3A_214 = arith.constant 4 : i32
        %add3A_215 = arith.addi %mul3A_213, %add3A_214 : i32
        %dma_start3A_216 = arith.constant 0 : i32
        %dma_start3A_217 = tpu.memref_slice %arg8[%add3A_215, %dma_start3A_216] : memref<64x300xf32, #tpu.memory_space<vmem>> -> memref<1x300xf32, #tpu.memory_space<vmem>>
        %dma_start3A_218 = arith.constant 0 : i32
        %dma_start3A_219 = tpu.memref_slice %arg2[%squeeze3A_211, %dma_start3A_218] : memref<1000008x300xf32, #tpu.memory_space<hbm>> -> memref<1x300xf32, #tpu.memory_space<hbm>>
        %dma_start3A_220 = arith.constant 0 : i32
        %dma_start3A_221 = tpu.memref_slice %arg8[%add3A_215, %dma_start3A_220] : memref<64x300xf32, #tpu.memory_space<vmem>> -> memref<1x300xf32, #tpu.memory_space<vmem>>
        %dma_start3A_222 = arith.constant 0 : i32
        %dma_start3A_223 = tpu.memref_slice %arg2[%squeeze3A_211, %dma_start3A_222] : memref<1000008x300xf32, #tpu.memory_space<hbm>> -> memref<1x300xf32, #tpu.memory_space<hbm>>
        tpu.enqueue_dma source(%dma_start3A_223 : memref<1x300xf32, #tpu.memory_space<hbm>>) target(%dma_start3A_221 : memref<1x300xf32, #tpu.memory_space<vmem>>) target_semaphore(%arg12 : memref<!tpu.dma_semaphore, #tpu.memory_space<semaphore_mem>>)
        %slice3A_224 = vector.extract_strided_slice %get3A_155 {offsets = [5], sizes = [1], strides = [1]} : vector<16xi32> to vector<1xi32>
        %squeeze3A_225 = vector.extract %slice3A_224[0] : i32 from vector<1xi32>
        %mul3A_226 = arith.constant 16 : i32
        %mul3A_227 = arith.muli %scan3A_148, %mul3A_226 : i32
        %add3A_228 = arith.constant 5 : i32
        %add3A_229 = arith.addi %mul3A_227, %add3A_228 : i32
        %dma_start3A_230 = arith.constant 0 : i32
        %dma_start3A_231 = tpu.memref_slice %arg8[%add3A_229, %dma_start3A_230] : memref<64x300xf32, #tpu.memory_space<vmem>> -> memref<1x300xf32, #tpu.memory_space<vmem>>
        %dma_start3A_232 = arith.constant 0 : i32
        %dma_start3A_233 = tpu.memref_slice %arg2[%squeeze3A_225, %dma_start3A_232] : memref<1000008x300xf32, #tpu.memory_space<hbm>> -> memref<1x300xf32, #tpu.memory_space<hbm>>
        %dma_start3A_234 = arith.constant 0 : i32
        %dma_start3A_235 = tpu.memref_slice %arg8[%add3A_229, %dma_start3A_234] : memref<64x300xf32, #tpu.memory_space<vmem>> -> memref<1x300xf32, #tpu.memory_space<vmem>>
        %dma_start3A_236 = arith.constant 0 : i32
        %dma_start3A_237 = tpu.memref_slice %arg2[%squeeze3A_225, %dma_start3A_236] : memref<1000008x300xf32, #tpu.memory_space<hbm>> -> memref<1x300xf32, #tpu.memory_space<hbm>>
        tpu.enqueue_dma source(%dma_start3A_237 : memref<1x300xf32, #tpu.memory_space<hbm>>) target(%dma_start3A_235 : memref<1x300xf32, #tpu.memory_space<vmem>>) target_semaphore(%arg12 : memref<!tpu.dma_semaphore, #tpu.memory_space<semaphore_mem>>)
        %slice3A_238 = vector.extract_strided_slice %get3A_155 {offsets = [6], sizes = [1], strides = [1]} : vector<16xi32> to vector<1xi32>
        %squeeze3A_239 = vector.extract %slice3A_238[0] : i32 from vector<1xi32>
        %mul3A_240 = arith.constant 16 : i32
        %mul3A_241 = arith.muli %scan3A_148, %mul3A_240 : i32
        %add3A_242 = arith.constant 6 : i32
        %add3A_243 = arith.addi %mul3A_241, %add3A_242 : i32
        %dma_start3A_244 = arith.constant 0 : i32
        %dma_start3A_245 = tpu.memref_slice %arg8[%add3A_243, %dma_start3A_244] : memref<64x300xf32, #tpu.memory_space<vmem>> -> memref<1x300xf32, #tpu.memory_space<vmem>>
        %dma_start3A_246 = arith.constant 0 : i32
        %dma_start3A_247 = tpu.memref_slice %arg2[%squeeze3A_239, %dma_start3A_246] : memref<1000008x300xf32, #tpu.memory_space<hbm>> -> memref<1x300xf32, #tpu.memory_space<hbm>>
        %dma_start3A_248 = arith.constant 0 : i32
        %dma_start3A_249 = tpu.memref_slice %arg8[%add3A_243, %dma_start3A_248] : memref<64x300xf32, #tpu.memory_space<vmem>> -> memref<1x300xf32, #tpu.memory_space<vmem>>
        %dma_start3A_250 = arith.constant 0 : i32
        %dma_start3A_251 = tpu.memref_slice %arg2[%squeeze3A_239, %dma_start3A_250] : memref<1000008x300xf32, #tpu.memory_space<hbm>> -> memref<1x300xf32, #tpu.memory_space<hbm>>
        tpu.enqueue_dma source(%dma_start3A_251 : memref<1x300xf32, #tpu.memory_space<hbm>>) target(%dma_start3A_249 : memref<1x300xf32, #tpu.memory_space<vmem>>) target_semaphore(%arg12 : memref<!tpu.dma_semaphore, #tpu.memory_space<semaphore_mem>>)
        %slice3A_252 = vector.extract_strided_slice %get3A_155 {offsets = [7], sizes = [1], strides = [1]} : vector<16xi32> to vector<1xi32>
        %squeeze3A_253 = vector.extract %slice3A_252[0] : i32 from vector<1xi32>
        %mul3A_254 = arith.constant 16 : i32
        %mul3A_255 = arith.muli %scan3A_148, %mul3A_254 : i32
        %add3A_256 = arith.constant 7 : i32
        %add3A_257 = arith.addi %mul3A_255, %add3A_256 : i32
        %dma_start3A_258 = arith.constant 0 : i32
        %dma_start3A_259 = tpu.memref_slice %arg8[%add3A_257, %dma_start3A_258] : memref<64x300xf32, #tpu.memory_space<vmem>> -> memref<1x300xf32, #tpu.memory_space<vmem>>
        %dma_start3A_260 = arith.constant 0 : i32
        %dma_start3A_261 = tpu.memref_slice %arg2[%squeeze3A_253, %dma_start3A_260] : memref<1000008x300xf32, #tpu.memory_space<hbm>> -> memref<1x300xf32, #tpu.memory_space<hbm>>
        %dma_start3A_262 = arith.constant 0 : i32
        %dma_start3A_263 = tpu.memref_slice %arg8[%add3A_257, %dma_start3A_262] : memref<64x300xf32, #tpu.memory_space<vmem>> -> memref<1x300xf32, #tpu.memory_space<vmem>>
        %dma_start3A_264 = arith.constant 0 : i32
        %dma_start3A_265 = tpu.memref_slice %arg2[%squeeze3A_253, %dma_start3A_264] : memref<1000008x300xf32, #tpu.memory_space<hbm>> -> memref<1x300xf32, #tpu.memory_space<hbm>>
        tpu.enqueue_dma source(%dma_start3A_265 : memref<1x300xf32, #tpu.memory_space<hbm>>) target(%dma_start3A_263 : memref<1x300xf32, #tpu.memory_space<vmem>>) target_semaphore(%arg12 : memref<!tpu.dma_semaphore, #tpu.memory_space<semaphore_mem>>)
        %slice3A_266 = vector.extract_strided_slice %get3A_155 {offsets = [8], sizes = [1], strides = [1]} : vector<16xi32> to vector<1xi32>
        %squeeze3A_267 = vector.extract %slice3A_266[0] : i32 from vector<1xi32>
        %mul3A_268 = arith.constant 16 : i32
        %mul3A_269 = arith.muli %scan3A_148, %mul3A_268 : i32
        %add3A_270 = arith.constant 8 : i32
        %add3A_271 = arith.addi %mul3A_269, %add3A_270 : i32
        %dma_start3A_272 = arith.constant 0 : i32
        %dma_start3A_273 = tpu.memref_slice %arg8[%add3A_271, %dma_start3A_272] : memref<64x300xf32, #tpu.memory_space<vmem>> -> memref<1x300xf32, #tpu.memory_space<vmem>>
        %dma_start3A_274 = arith.constant 0 : i32
        %dma_start3A_275 = tpu.memref_slice %arg2[%squeeze3A_267, %dma_start3A_274] : memref<1000008x300xf32, #tpu.memory_space<hbm>> -> memref<1x300xf32, #tpu.memory_space<hbm>>
        %dma_start3A_276 = arith.constant 0 : i32
        %dma_start3A_277 = tpu.memref_slice %arg8[%add3A_271, %dma_start3A_276] : memref<64x300xf32, #tpu.memory_space<vmem>> -> memref<1x300xf32, #tpu.memory_space<vmem>>
        %dma_start3A_278 = arith.constant 0 : i32
        %dma_start3A_279 = tpu.memref_slice %arg2[%squeeze3A_267, %dma_start3A_278] : memref<1000008x300xf32, #tpu.memory_space<hbm>> -> memref<1x300xf32, #tpu.memory_space<hbm>>
        tpu.enqueue_dma source(%dma_start3A_279 : memref<1x300xf32, #tpu.memory_space<hbm>>) target(%dma_start3A_277 : memref<1x300xf32, #tpu.memory_space<vmem>>) target_semaphore(%arg12 : memref<!tpu.dma_semaphore, #tpu.memory_space<semaphore_mem>>)
        %slice3A_280 = vector.extract_strided_slice %get3A_155 {offsets = [9], sizes = [1], strides = [1]} : vector<16xi32> to vector<1xi32>
        %squeeze3A_281 = vector.extract %slice3A_280[0] : i32 from vector<1xi32>
        %mul3A_282 = arith.constant 16 : i32
        %mul3A_283 = arith.muli %scan3A_148, %mul3A_282 : i32
        %add3A_284 = arith.constant 9 : i32
        %add3A_285 = arith.addi %mul3A_283, %add3A_284 : i32
        %dma_start3A_286 = arith.constant 0 : i32
        %dma_start3A_287 = tpu.memref_slice %arg8[%add3A_285, %dma_start3A_286] : memref<64x300xf32, #tpu.memory_space<vmem>> -> memref<1x300xf32, #tpu.memory_space<vmem>>
        %dma_start3A_288 = arith.constant 0 : i32
        %dma_start3A_289 = tpu.memref_slice %arg2[%squeeze3A_281, %dma_start3A_288] : memref<1000008x300xf32, #tpu.memory_space<hbm>> -> memref<1x300xf32, #tpu.memory_space<hbm>>
        %dma_start3A_290 = arith.constant 0 : i32
        %dma_start3A_291 = tpu.memref_slice %arg8[%add3A_285, %dma_start3A_290] : memref<64x300xf32, #tpu.memory_space<vmem>> -> memref<1x300xf32, #tpu.memory_space<vmem>>
        %dma_start3A_292 = arith.constant 0 : i32
        %dma_start3A_293 = tpu.memref_slice %arg2[%squeeze3A_281, %dma_start3A_292] : memref<1000008x300xf32, #tpu.memory_space<hbm>> -> memref<1x300xf32, #tpu.memory_space<hbm>>
        tpu.enqueue_dma source(%dma_start3A_293 : memref<1x300xf32, #tpu.memory_space<hbm>>) target(%dma_start3A_291 : memref<1x300xf32, #tpu.memory_space<vmem>>) target_semaphore(%arg12 : memref<!tpu.dma_semaphore, #tpu.memory_space<semaphore_mem>>)
        %slice3A_294 = vector.extract_strided_slice %get3A_155 {offsets = [10], sizes = [1], strides = [1]} : vector<16xi32> to vector<1xi32>
        %squeeze3A_295 = vector.extract %slice3A_294[0] : i32 from vector<1xi32>
        %mul3A_296 = arith.constant 16 : i32
        %mul3A_297 = arith.muli %scan3A_148, %mul3A_296 : i32
        %add3A_298 = arith.constant 10 : i32
        %add3A_299 = arith.addi %mul3A_297, %add3A_298 : i32
        %dma_start3A_300 = arith.constant 0 : i32
        %dma_start3A_301 = tpu.memref_slice %arg8[%add3A_299, %dma_start3A_300] : memref<64x300xf32, #tpu.memory_space<vmem>> -> memref<1x300xf32, #tpu.memory_space<vmem>>
        %dma_start3A_302 = arith.constant 0 : i32
        %dma_start3A_303 = tpu.memref_slice %arg2[%squeeze3A_295, %dma_start3A_302] : memref<1000008x300xf32, #tpu.memory_space<hbm>> -> memref<1x300xf32, #tpu.memory_space<hbm>>
        %dma_start3A_304 = arith.constant 0 : i32
        %dma_start3A_305 = tpu.memref_slice %arg8[%add3A_299, %dma_start3A_304] : memref<64x300xf32, #tpu.memory_space<vmem>> -> memref<1x300xf32, #tpu.memory_space<vmem>>
        %dma_start3A_306 = arith.constant 0 : i32
        %dma_start3A_307 = tpu.memref_slice %arg2[%squeeze3A_295, %dma_start3A_306] : memref<1000008x300xf32, #tpu.memory_space<hbm>> -> memref<1x300xf32, #tpu.memory_space<hbm>>
        tpu.enqueue_dma source(%dma_start3A_307 : memref<1x300xf32, #tpu.memory_space<hbm>>) target(%dma_start3A_305 : memref<1x300xf32, #tpu.memory_space<vmem>>) target_semaphore(%arg12 : memref<!tpu.dma_semaphore, #tpu.memory_space<semaphore_mem>>)
        %slice3A_308 = vector.extract_strided_slice %get3A_155 {offsets = [11], sizes = [1], strides = [1]} : vector<16xi32> to vector<1xi32>
        %squeeze3A_309 = vector.extract %slice3A_308[0] : i32 from vector<1xi32>
        %mul3A_310 = arith.constant 16 : i32
        %mul3A_311 = arith.muli %scan3A_148, %mul3A_310 : i32
        %add3A_312 = arith.constant 11 : i32
        %add3A_313 = arith.addi %mul3A_311, %add3A_312 : i32
        %dma_start3A_314 = arith.constant 0 : i32
        %dma_start3A_315 = tpu.memref_slice %arg8[%add3A_313, %dma_start3A_314] : memref<64x300xf32, #tpu.memory_space<vmem>> -> memref<1x300xf32, #tpu.memory_space<vmem>>
        %dma_start3A_316 = arith.constant 0 : i32
        %dma_start3A_317 = tpu.memref_slice %arg2[%squeeze3A_309, %dma_start3A_316] : memref<1000008x300xf32, #tpu.memory_space<hbm>> -> memref<1x300xf32, #tpu.memory_space<hbm>>
        %dma_start3A_318 = arith.constant 0 : i32
        %dma_start3A_319 = tpu.memref_slice %arg8[%add3A_313, %dma_start3A_318] : memref<64x300xf32, #tpu.memory_space<vmem>> -> memref<1x300xf32, #tpu.memory_space<vmem>>
        %dma_start3A_320 = arith.constant 0 : i32
        %dma_start3A_321 = tpu.memref_slice %arg2[%squeeze3A_309, %dma_start3A_320] : memref<1000008x300xf32, #tpu.memory_space<hbm>> -> memref<1x300xf32, #tpu.memory_space<hbm>>
        tpu.enqueue_dma source(%dma_start3A_321 : memref<1x300xf32, #tpu.memory_space<hbm>>) target(%dma_start3A_319 : memref<1x300xf32, #tpu.memory_space<vmem>>) target_semaphore(%arg12 : memref<!tpu.dma_semaphore, #tpu.memory_space<semaphore_mem>>)
        %slice3A_322 = vector.extract_strided_slice %get3A_155 {offsets = [12], sizes = [1], strides = [1]} : vector<16xi32> to vector<1xi32>
        %squeeze3A_323 = vector.extract %slice3A_322[0] : i32 from vector<1xi32>
        %mul3A_324 = arith.constant 16 : i32
        %mul3A_325 = arith.muli %scan3A_148, %mul3A_324 : i32
        %add3A_326 = arith.constant 12 : i32
        %add3A_327 = arith.addi %mul3A_325, %add3A_326 : i32
        %dma_start3A_328 = arith.constant 0 : i32
        %dma_start3A_329 = tpu.memref_slice %arg8[%add3A_327, %dma_start3A_328] : memref<64x300xf32, #tpu.memory_space<vmem>> -> memref<1x300xf32, #tpu.memory_space<vmem>>
        %dma_start3A_330 = arith.constant 0 : i32
        %dma_start3A_331 = tpu.memref_slice %arg2[%squeeze3A_323, %dma_start3A_330] : memref<1000008x300xf32, #tpu.memory_space<hbm>> -> memref<1x300xf32, #tpu.memory_space<hbm>>
        %dma_start3A_332 = arith.constant 0 : i32
        %dma_start3A_333 = tpu.memref_slice %arg8[%add3A_327, %dma_start3A_332] : memref<64x300xf32, #tpu.memory_space<vmem>> -> memref<1x300xf32, #tpu.memory_space<vmem>>
        %dma_start3A_334 = arith.constant 0 : i32
        %dma_start3A_335 = tpu.memref_slice %arg2[%squeeze3A_323, %dma_start3A_334] : memref<1000008x300xf32, #tpu.memory_space<hbm>> -> memref<1x300xf32, #tpu.memory_space<hbm>>
        tpu.enqueue_dma source(%dma_start3A_335 : memref<1x300xf32, #tpu.memory_space<hbm>>) target(%dma_start3A_333 : memref<1x300xf32, #tpu.memory_space<vmem>>) target_semaphore(%arg12 : memref<!tpu.dma_semaphore, #tpu.memory_space<semaphore_mem>>)
        %slice3A_336 = vector.extract_strided_slice %get3A_155 {offsets = [13], sizes = [1], strides = [1]} : vector<16xi32> to vector<1xi32>
        %squeeze3A_337 = vector.extract %slice3A_336[0] : i32 from vector<1xi32>
        %mul3A_338 = arith.constant 16 : i32
        %mul3A_339 = arith.muli %scan3A_148, %mul3A_338 : i32
        %add3A_340 = arith.constant 13 : i32
        %add3A_341 = arith.addi %mul3A_339, %add3A_340 : i32
        %dma_start3A_342 = arith.constant 0 : i32
        %dma_start3A_343 = tpu.memref_slice %arg8[%add3A_341, %dma_start3A_342] : memref<64x300xf32, #tpu.memory_space<vmem>> -> memref<1x300xf32, #tpu.memory_space<vmem>>
        %dma_start3A_344 = arith.constant 0 : i32
        %dma_start3A_345 = tpu.memref_slice %arg2[%squeeze3A_337, %dma_start3A_344] : memref<1000008x300xf32, #tpu.memory_space<hbm>> -> memref<1x300xf32, #tpu.memory_space<hbm>>
        %dma_start3A_346 = arith.constant 0 : i32
        %dma_start3A_347 = tpu.memref_slice %arg8[%add3A_341, %dma_start3A_346] : memref<64x300xf32, #tpu.memory_space<vmem>> -> memref<1x300xf32, #tpu.memory_space<vmem>>
        %dma_start3A_348 = arith.constant 0 : i32
        %dma_start3A_349 = tpu.memref_slice %arg2[%squeeze3A_337, %dma_start3A_348] : memref<1000008x300xf32, #tpu.memory_space<hbm>> -> memref<1x300xf32, #tpu.memory_space<hbm>>
        tpu.enqueue_dma source(%dma_start3A_349 : memref<1x300xf32, #tpu.memory_space<hbm>>) target(%dma_start3A_347 : memref<1x300xf32, #tpu.memory_space<vmem>>) target_semaphore(%arg12 : memref<!tpu.dma_semaphore, #tpu.memory_space<semaphore_mem>>)
        %slice3A_350 = vector.extract_strided_slice %get3A_155 {offsets = [14], sizes = [1], strides = [1]} : vector<16xi32> to vector<1xi32>
        %squeeze3A_351 = vector.extract %slice3A_350[0] : i32 from vector<1xi32>
        %mul3A_352 = arith.constant 16 : i32
        %mul3A_353 = arith.muli %scan3A_148, %mul3A_352 : i32
        %add3A_354 = arith.constant 14 : i32
        %add3A_355 = arith.addi %mul3A_353, %add3A_354 : i32
        %dma_start3A_356 = arith.constant 0 : i32
        %dma_start3A_357 = tpu.memref_slice %arg8[%add3A_355, %dma_start3A_356] : memref<64x300xf32, #tpu.memory_space<vmem>> -> memref<1x300xf32, #tpu.memory_space<vmem>>
        %dma_start3A_358 = arith.constant 0 : i32
        %dma_start3A_359 = tpu.memref_slice %arg2[%squeeze3A_351, %dma_start3A_358] : memref<1000008x300xf32, #tpu.memory_space<hbm>> -> memref<1x300xf32, #tpu.memory_space<hbm>>
        %dma_start3A_360 = arith.constant 0 : i32
        %dma_start3A_361 = tpu.memref_slice %arg8[%add3A_355, %dma_start3A_360] : memref<64x300xf32, #tpu.memory_space<vmem>> -> memref<1x300xf32, #tpu.memory_space<vmem>>
        %dma_start3A_362 = arith.constant 0 : i32
        %dma_start3A_363 = tpu.memref_slice %arg2[%squeeze3A_351, %dma_start3A_362] : memref<1000008x300xf32, #tpu.memory_space<hbm>> -> memref<1x300xf32, #tpu.memory_space<hbm>>
        tpu.enqueue_dma source(%dma_start3A_363 : memref<1x300xf32, #tpu.memory_space<hbm>>) target(%dma_start3A_361 : memref<1x300xf32, #tpu.memory_space<vmem>>) target_semaphore(%arg12 : memref<!tpu.dma_semaphore, #tpu.memory_space<semaphore_mem>>)
        %slice3A_364 = vector.extract_strided_slice %get3A_155 {offsets = [15], sizes = [1], strides = [1]} : vector<16xi32> to vector<1xi32>
        %squeeze3A_365 = vector.extract %slice3A_364[0] : i32 from vector<1xi32>
        %mul3A_366 = arith.constant 16 : i32
        %mul3A_367 = arith.muli %scan3A_148, %mul3A_366 : i32
        %add3A_368 = arith.constant 15 : i32
        %add3A_369 = arith.addi %mul3A_367, %add3A_368 : i32
        %dma_start3A_370 = arith.constant 0 : i32
        %dma_start3A_371 = tpu.memref_slice %arg8[%add3A_369, %dma_start3A_370] : memref<64x300xf32, #tpu.memory_space<vmem>> -> memref<1x300xf32, #tpu.memory_space<vmem>>
        %dma_start3A_372 = arith.constant 0 : i32
        %dma_start3A_373 = tpu.memref_slice %arg2[%squeeze3A_365, %dma_start3A_372] : memref<1000008x300xf32, #tpu.memory_space<hbm>> -> memref<1x300xf32, #tpu.memory_space<hbm>>
        %dma_start3A_374 = arith.constant 0 : i32
        %dma_start3A_375 = tpu.memref_slice %arg8[%add3A_369, %dma_start3A_374] : memref<64x300xf32, #tpu.memory_space<vmem>> -> memref<1x300xf32, #tpu.memory_space<vmem>>
        %dma_start3A_376 = arith.constant 0 : i32
        %dma_start3A_377 = tpu.memref_slice %arg2[%squeeze3A_365, %dma_start3A_376] : memref<1000008x300xf32, #tpu.memory_space<hbm>> -> memref<1x300xf32, #tpu.memory_space<hbm>>
        tpu.enqueue_dma source(%dma_start3A_377 : memref<1x300xf32, #tpu.memory_space<hbm>>) target(%dma_start3A_375 : memref<1x300xf32, #tpu.memory_space<vmem>>) target_semaphore(%arg12 : memref<!tpu.dma_semaphore, #tpu.memory_space<semaphore_mem>>)
      }
      %scan3A_104 = arith.constant 4 : i32
      %dma_wait3A_105 = arith.constant 0 : i32
      %dma_wait3A_106 = arith.constant 0 : i32
      %dma_wait3A_107 = tpu.memref_slice %arg2[%dma_wait3A_105, %dma_wait3A_106] : memref<1000008x300xf32, #tpu.memory_space<hbm>> -> memref<64x300xf32, #tpu.memory_space<hbm>>
      %dma_wait3A_108 = arith.constant 0 : i32
      %dma_wait3A_109 = arith.constant 0 : i32
      %dma_wait3A_110 = tpu.memref_slice %arg2[%dma_wait3A_108, %dma_wait3A_109] : memref<1000008x300xf32, #tpu.memory_space<hbm>> -> memref<64x300xf32, #tpu.memory_space<hbm>>
      tpu.wait_dma2 semaphore(%arg11 : memref<!tpu.dma_semaphore, #tpu.memory_space<semaphore_mem>>) src(%dma_wait3A_110 : memref<64x300xf32, #tpu.memory_space<hbm>>) dst(%arg7 : memref<64x300xf32, #tpu.memory_space<vmem>>)
      %sub3A_111 = arith.constant 1 : i32
      %sub3A_112 = arith.subi %add3A_95, %sub3A_111 : i32
      %add3A_113 = arith.addi %mul3A_2, %sub3A_112 : i32
      %mul3A_114 = arith.constant 64 : i32
      %mul3A_115 = arith.muli %add3A_113, %mul3A_114 : i32
      %dma_start3A_116 = arith.constant 0 : i32
      %dma_start3A_117 = tpu.memref_slice %arg4[%mul3A_115, %dma_start3A_116] : memref<819200x300xf32, #tpu.memory_space<hbm>> -> memref<64x300xf32, #tpu.memory_space<hbm>>
      %dma_start3A_118 = arith.constant 0 : i32
      %dma_start3A_119 = tpu.memref_slice %arg4[%mul3A_115, %dma_start3A_118] : memref<819200x300xf32, #tpu.memory_space<hbm>> -> memref<64x300xf32, #tpu.memory_space<hbm>>
      tpu.enqueue_dma source(%arg7 : memref<64x300xf32, #tpu.memory_space<vmem>>) target(%dma_start3A_119 : memref<64x300xf32, #tpu.memory_space<hbm>>) target_semaphore(%arg15 : memref<!tpu.dma_semaphore, #tpu.memory_space<semaphore_mem>>)
      %mul3A_120 = arith.constant 4 : i32
      %mul3A_121 = arith.muli %scan3A_46, %mul3A_120 : i32
      %add3A_122 = arith.constant 3 : i32
      %add3A_123 = arith.addi %mul3A_121, %add3A_122 : i32
      %convert_element_type3A_124 = arith.extui %gt3A_47 : i1 to i32
      %cond3A_125 = arith.constant 0 : i32
      %cond3A_126 = arith.cmpi ne, %convert_element_type3A_124, %cond3A_125 : i32
      scf.if %cond3A_126 {
        %dma_wait3A_148 = arith.constant 0 : i32
        %dma_wait3A_149 = arith.constant 0 : i32
        %dma_wait3A_150 = tpu.memref_slice %arg4[%dma_wait3A_148, %dma_wait3A_149] : memref<819200x300xf32, #tpu.memory_space<hbm>> -> memref<64x300xf32, #tpu.memory_space<hbm>>
        %dma_wait3A_151 = arith.constant 0 : i32
        %dma_wait3A_152 = arith.constant 0 : i32
        %dma_wait3A_153 = tpu.memref_slice %arg4[%dma_wait3A_151, %dma_wait3A_152] : memref<819200x300xf32, #tpu.memory_space<hbm>> -> memref<64x300xf32, #tpu.memory_space<hbm>>
        tpu.wait_dma2 semaphore(%arg17 : memref<!tpu.dma_semaphore, #tpu.memory_space<semaphore_mem>>) src(%arg9 : memref<64x300xf32, #tpu.memory_space<vmem>>) dst(%dma_wait3A_153 : memref<64x300xf32, #tpu.memory_space<hbm>>)
      } else {
      }
      %scan3A_127 = arith.constant 0 : i32
      %scan3A_128 = arith.constant 0 : i32
      %scan3A_129 = arith.constant 4 : i32
      %scan3A_130 = arith.addi %scan3A_128, %scan3A_129 : i32
      %scan3A_131 = arith.constant 1 : i32
      scf.for %scan3A_148 = %scan3A_128 to %scan3A_130 step %scan3A_131  : i32 {
        %mul3A_149 = arith.constant 64 : i32
        %mul3A_150 = arith.muli %add3A_123, %mul3A_149 : i32
        %mul3A_151 = arith.constant 16 : i32
        %mul3A_152 = arith.muli %scan3A_148, %mul3A_151 : i32
        %add3A_153 = arith.addi %mul3A_150, %mul3A_152 : i32
        %get3A = arith.index_cast %add3A_153 : i32 to index
        %get3A_154 = tpu.vector_load %arg5[%get3A] {strides = array<i32>} : memref<25600xi32, #tpu.memory_space<vmem>>, vector<16xi32>,
        %get3A_155 = vector.shape_cast %get3A_154 : vector<16xi32> to vector<16xi32>
        %slice3A = vector.extract_strided_slice %get3A_155 {offsets = [0], sizes = [1], strides = [1]} : vector<16xi32> to vector<1xi32>
        %squeeze3A = vector.extract %slice3A[0] : i32 from vector<1xi32>
        %mul3A_156 = arith.constant 16 : i32
        %mul3A_157 = arith.muli %scan3A_148, %mul3A_156 : i32
        %add3A_158 = arith.constant 0 : i32
        %add3A_159 = arith.addi %mul3A_157, %add3A_158 : i32
        %dma_start3A_160 = arith.constant 0 : i32
        %dma_start3A_161 = tpu.memref_slice %arg9[%add3A_159, %dma_start3A_160] : memref<64x300xf32, #tpu.memory_space<vmem>> -> memref<1x300xf32, #tpu.memory_space<vmem>>
        %dma_start3A_162 = arith.constant 0 : i32
        %dma_start3A_163 = tpu.memref_slice %arg2[%squeeze3A, %dma_start3A_162] : memref<1000008x300xf32, #tpu.memory_space<hbm>> -> memref<1x300xf32, #tpu.memory_space<hbm>>
        %dma_start3A_164 = arith.constant 0 : i32
        %dma_start3A_165 = tpu.memref_slice %arg9[%add3A_159, %dma_start3A_164] : memref<64x300xf32, #tpu.memory_space<vmem>> -> memref<1x300xf32, #tpu.memory_space<vmem>>
        %dma_start3A_166 = arith.constant 0 : i32
        %dma_start3A_167 = tpu.memref_slice %arg2[%squeeze3A, %dma_start3A_166] : memref<1000008x300xf32, #tpu.memory_space<hbm>> -> memref<1x300xf32, #tpu.memory_space<hbm>>
        tpu.enqueue_dma source(%dma_start3A_167 : memref<1x300xf32, #tpu.memory_space<hbm>>) target(%dma_start3A_165 : memref<1x300xf32, #tpu.memory_space<vmem>>) target_semaphore(%arg13 : memref<!tpu.dma_semaphore, #tpu.memory_space<semaphore_mem>>)
        %slice3A_168 = vector.extract_strided_slice %get3A_155 {offsets = [1], sizes = [1], strides = [1]} : vector<16xi32> to vector<1xi32>
        %squeeze3A_169 = vector.extract %slice3A_168[0] : i32 from vector<1xi32>
        %mul3A_170 = arith.constant 16 : i32
        %mul3A_171 = arith.muli %scan3A_148, %mul3A_170 : i32
        %add3A_172 = arith.constant 1 : i32
        %add3A_173 = arith.addi %mul3A_171, %add3A_172 : i32
        %dma_start3A_174 = arith.constant 0 : i32
        %dma_start3A_175 = tpu.memref_slice %arg9[%add3A_173, %dma_start3A_174] : memref<64x300xf32, #tpu.memory_space<vmem>> -> memref<1x300xf32, #tpu.memory_space<vmem>>
        %dma_start3A_176 = arith.constant 0 : i32
        %dma_start3A_177 = tpu.memref_slice %arg2[%squeeze3A_169, %dma_start3A_176] : memref<1000008x300xf32, #tpu.memory_space<hbm>> -> memref<1x300xf32, #tpu.memory_space<hbm>>
        %dma_start3A_178 = arith.constant 0 : i32
        %dma_start3A_179 = tpu.memref_slice %arg9[%add3A_173, %dma_start3A_178] : memref<64x300xf32, #tpu.memory_space<vmem>> -> memref<1x300xf32, #tpu.memory_space<vmem>>
        %dma_start3A_180 = arith.constant 0 : i32
        %dma_start3A_181 = tpu.memref_slice %arg2[%squeeze3A_169, %dma_start3A_180] : memref<1000008x300xf32, #tpu.memory_space<hbm>> -> memref<1x300xf32, #tpu.memory_space<hbm>>
        tpu.enqueue_dma source(%dma_start3A_181 : memref<1x300xf32, #tpu.memory_space<hbm>>) target(%dma_start3A_179 : memref<1x300xf32, #tpu.memory_space<vmem>>) target_semaphore(%arg13 : memref<!tpu.dma_semaphore, #tpu.memory_space<semaphore_mem>>)
        %slice3A_182 = vector.extract_strided_slice %get3A_155 {offsets = [2], sizes = [1], strides = [1]} : vector<16xi32> to vector<1xi32>
        %squeeze3A_183 = vector.extract %slice3A_182[0] : i32 from vector<1xi32>
        %mul3A_184 = arith.constant 16 : i32
        %mul3A_185 = arith.muli %scan3A_148, %mul3A_184 : i32
        %add3A_186 = arith.constant 2 : i32
        %add3A_187 = arith.addi %mul3A_185, %add3A_186 : i32
        %dma_start3A_188 = arith.constant 0 : i32
        %dma_start3A_189 = tpu.memref_slice %arg9[%add3A_187, %dma_start3A_188] : memref<64x300xf32, #tpu.memory_space<vmem>> -> memref<1x300xf32, #tpu.memory_space<vmem>>
        %dma_start3A_190 = arith.constant 0 : i32
        %dma_start3A_191 = tpu.memref_slice %arg2[%squeeze3A_183, %dma_start3A_190] : memref<1000008x300xf32, #tpu.memory_space<hbm>> -> memref<1x300xf32, #tpu.memory_space<hbm>>
        %dma_start3A_192 = arith.constant 0 : i32
        %dma_start3A_193 = tpu.memref_slice %arg9[%add3A_187, %dma_start3A_192] : memref<64x300xf32, #tpu.memory_space<vmem>> -> memref<1x300xf32, #tpu.memory_space<vmem>>
        %dma_start3A_194 = arith.constant 0 : i32
        %dma_start3A_195 = tpu.memref_slice %arg2[%squeeze3A_183, %dma_start3A_194] : memref<1000008x300xf32, #tpu.memory_space<hbm>> -> memref<1x300xf32, #tpu.memory_space<hbm>>
        tpu.enqueue_dma source(%dma_start3A_195 : memref<1x300xf32, #tpu.memory_space<hbm>>) target(%dma_start3A_193 : memref<1x300xf32, #tpu.memory_space<vmem>>) target_semaphore(%arg13 : memref<!tpu.dma_semaphore, #tpu.memory_space<semaphore_mem>>)
        %slice3A_196 = vector.extract_strided_slice %get3A_155 {offsets = [3], sizes = [1], strides = [1]} : vector<16xi32> to vector<1xi32>
        %squeeze3A_197 = vector.extract %slice3A_196[0] : i32 from vector<1xi32>
        %mul3A_198 = arith.constant 16 : i32
        %mul3A_199 = arith.muli %scan3A_148, %mul3A_198 : i32
        %add3A_200 = arith.constant 3 : i32
        %add3A_201 = arith.addi %mul3A_199, %add3A_200 : i32
        %dma_start3A_202 = arith.constant 0 : i32
        %dma_start3A_203 = tpu.memref_slice %arg9[%add3A_201, %dma_start3A_202] : memref<64x300xf32, #tpu.memory_space<vmem>> -> memref<1x300xf32, #tpu.memory_space<vmem>>
        %dma_start3A_204 = arith.constant 0 : i32
        %dma_start3A_205 = tpu.memref_slice %arg2[%squeeze3A_197, %dma_start3A_204] : memref<1000008x300xf32, #tpu.memory_space<hbm>> -> memref<1x300xf32, #tpu.memory_space<hbm>>
        %dma_start3A_206 = arith.constant 0 : i32
        %dma_start3A_207 = tpu.memref_slice %arg9[%add3A_201, %dma_start3A_206] : memref<64x300xf32, #tpu.memory_space<vmem>> -> memref<1x300xf32, #tpu.memory_space<vmem>>
        %dma_start3A_208 = arith.constant 0 : i32
        %dma_start3A_209 = tpu.memref_slice %arg2[%squeeze3A_197, %dma_start3A_208] : memref<1000008x300xf32, #tpu.memory_space<hbm>> -> memref<1x300xf32, #tpu.memory_space<hbm>>
        tpu.enqueue_dma source(%dma_start3A_209 : memref<1x300xf32, #tpu.memory_space<hbm>>) target(%dma_start3A_207 : memref<1x300xf32, #tpu.memory_space<vmem>>) target_semaphore(%arg13 : memref<!tpu.dma_semaphore, #tpu.memory_space<semaphore_mem>>)
        %slice3A_210 = vector.extract_strided_slice %get3A_155 {offsets = [4], sizes = [1], strides = [1]} : vector<16xi32> to vector<1xi32>
        %squeeze3A_211 = vector.extract %slice3A_210[0] : i32 from vector<1xi32>
        %mul3A_212 = arith.constant 16 : i32
        %mul3A_213 = arith.muli %scan3A_148, %mul3A_212 : i32
        %add3A_214 = arith.constant 4 : i32
        %add3A_215 = arith.addi %mul3A_213, %add3A_214 : i32
        %dma_start3A_216 = arith.constant 0 : i32
        %dma_start3A_217 = tpu.memref_slice %arg9[%add3A_215, %dma_start3A_216] : memref<64x300xf32, #tpu.memory_space<vmem>> -> memref<1x300xf32, #tpu.memory_space<vmem>>
        %dma_start3A_218 = arith.constant 0 : i32
        %dma_start3A_219 = tpu.memref_slice %arg2[%squeeze3A_211, %dma_start3A_218] : memref<1000008x300xf32, #tpu.memory_space<hbm>> -> memref<1x300xf32, #tpu.memory_space<hbm>>
        %dma_start3A_220 = arith.constant 0 : i32
        %dma_start3A_221 = tpu.memref_slice %arg9[%add3A_215, %dma_start3A_220] : memref<64x300xf32, #tpu.memory_space<vmem>> -> memref<1x300xf32, #tpu.memory_space<vmem>>
        %dma_start3A_222 = arith.constant 0 : i32
        %dma_start3A_223 = tpu.memref_slice %arg2[%squeeze3A_211, %dma_start3A_222] : memref<1000008x300xf32, #tpu.memory_space<hbm>> -> memref<1x300xf32, #tpu.memory_space<hbm>>
        tpu.enqueue_dma source(%dma_start3A_223 : memref<1x300xf32, #tpu.memory_space<hbm>>) target(%dma_start3A_221 : memref<1x300xf32, #tpu.memory_space<vmem>>) target_semaphore(%arg13 : memref<!tpu.dma_semaphore, #tpu.memory_space<semaphore_mem>>)
        %slice3A_224 = vector.extract_strided_slice %get3A_155 {offsets = [5], sizes = [1], strides = [1]} : vector<16xi32> to vector<1xi32>
        %squeeze3A_225 = vector.extract %slice3A_224[0] : i32 from vector<1xi32>
        %mul3A_226 = arith.constant 16 : i32
        %mul3A_227 = arith.muli %scan3A_148, %mul3A_226 : i32
        %add3A_228 = arith.constant 5 : i32
        %add3A_229 = arith.addi %mul3A_227, %add3A_228 : i32
        %dma_start3A_230 = arith.constant 0 : i32
        %dma_start3A_231 = tpu.memref_slice %arg9[%add3A_229, %dma_start3A_230] : memref<64x300xf32, #tpu.memory_space<vmem>> -> memref<1x300xf32, #tpu.memory_space<vmem>>
        %dma_start3A_232 = arith.constant 0 : i32
        %dma_start3A_233 = tpu.memref_slice %arg2[%squeeze3A_225, %dma_start3A_232] : memref<1000008x300xf32, #tpu.memory_space<hbm>> -> memref<1x300xf32, #tpu.memory_space<hbm>>
        %dma_start3A_234 = arith.constant 0 : i32
        %dma_start3A_235 = tpu.memref_slice %arg9[%add3A_229, %dma_start3A_234] : memref<64x300xf32, #tpu.memory_space<vmem>> -> memref<1x300xf32, #tpu.memory_space<vmem>>
        %dma_start3A_236 = arith.constant 0 : i32
        %dma_start3A_237 = tpu.memref_slice %arg2[%squeeze3A_225, %dma_start3A_236] : memref<1000008x300xf32, #tpu.memory_space<hbm>> -> memref<1x300xf32, #tpu.memory_space<hbm>>
        tpu.enqueue_dma source(%dma_start3A_237 : memref<1x300xf32, #tpu.memory_space<hbm>>) target(%dma_start3A_235 : memref<1x300xf32, #tpu.memory_space<vmem>>) target_semaphore(%arg13 : memref<!tpu.dma_semaphore, #tpu.memory_space<semaphore_mem>>)
        %slice3A_238 = vector.extract_strided_slice %get3A_155 {offsets = [6], sizes = [1], strides = [1]} : vector<16xi32> to vector<1xi32>
        %squeeze3A_239 = vector.extract %slice3A_238[0] : i32 from vector<1xi32>
        %mul3A_240 = arith.constant 16 : i32
        %mul3A_241 = arith.muli %scan3A_148, %mul3A_240 : i32
        %add3A_242 = arith.constant 6 : i32
        %add3A_243 = arith.addi %mul3A_241, %add3A_242 : i32
        %dma_start3A_244 = arith.constant 0 : i32
        %dma_start3A_245 = tpu.memref_slice %arg9[%add3A_243, %dma_start3A_244] : memref<64x300xf32, #tpu.memory_space<vmem>> -> memref<1x300xf32, #tpu.memory_space<vmem>>
        %dma_start3A_246 = arith.constant 0 : i32
        %dma_start3A_247 = tpu.memref_slice %arg2[%squeeze3A_239, %dma_start3A_246] : memref<1000008x300xf32, #tpu.memory_space<hbm>> -> memref<1x300xf32, #tpu.memory_space<hbm>>
        %dma_start3A_248 = arith.constant 0 : i32
        %dma_start3A_249 = tpu.memref_slice %arg9[%add3A_243, %dma_start3A_248] : memref<64x300xf32, #tpu.memory_space<vmem>> -> memref<1x300xf32, #tpu.memory_space<vmem>>
        %dma_start3A_250 = arith.constant 0 : i32
        %dma_start3A_251 = tpu.memref_slice %arg2[%squeeze3A_239, %dma_start3A_250] : memref<1000008x300xf32, #tpu.memory_space<hbm>> -> memref<1x300xf32, #tpu.memory_space<hbm>>
        tpu.enqueue_dma source(%dma_start3A_251 : memref<1x300xf32, #tpu.memory_space<hbm>>) target(%dma_start3A_249 : memref<1x300xf32, #tpu.memory_space<vmem>>) target_semaphore(%arg13 : memref<!tpu.dma_semaphore, #tpu.memory_space<semaphore_mem>>)
        %slice3A_252 = vector.extract_strided_slice %get3A_155 {offsets = [7], sizes = [1], strides = [1]} : vector<16xi32> to vector<1xi32>
        %squeeze3A_253 = vector.extract %slice3A_252[0] : i32 from vector<1xi32>
        %mul3A_254 = arith.constant 16 : i32
        %mul3A_255 = arith.muli %scan3A_148, %mul3A_254 : i32
        %add3A_256 = arith.constant 7 : i32
        %add3A_257 = arith.addi %mul3A_255, %add3A_256 : i32
        %dma_start3A_258 = arith.constant 0 : i32
        %dma_start3A_259 = tpu.memref_slice %arg9[%add3A_257, %dma_start3A_258] : memref<64x300xf32, #tpu.memory_space<vmem>> -> memref<1x300xf32, #tpu.memory_space<vmem>>
        %dma_start3A_260 = arith.constant 0 : i32
        %dma_start3A_261 = tpu.memref_slice %arg2[%squeeze3A_253, %dma_start3A_260] : memref<1000008x300xf32, #tpu.memory_space<hbm>> -> memref<1x300xf32, #tpu.memory_space<hbm>>
        %dma_start3A_262 = arith.constant 0 : i32
        %dma_start3A_263 = tpu.memref_slice %arg9[%add3A_257, %dma_start3A_262] : memref<64x300xf32, #tpu.memory_space<vmem>> -> memref<1x300xf32, #tpu.memory_space<vmem>>
        %dma_start3A_264 = arith.constant 0 : i32
        %dma_start3A_265 = tpu.memref_slice %arg2[%squeeze3A_253, %dma_start3A_264] : memref<1000008x300xf32, #tpu.memory_space<hbm>> -> memref<1x300xf32, #tpu.memory_space<hbm>>
        tpu.enqueue_dma source(%dma_start3A_265 : memref<1x300xf32, #tpu.memory_space<hbm>>) target(%dma_start3A_263 : memref<1x300xf32, #tpu.memory_space<vmem>>) target_semaphore(%arg13 : memref<!tpu.dma_semaphore, #tpu.memory_space<semaphore_mem>>)
        %slice3A_266 = vector.extract_strided_slice %get3A_155 {offsets = [8], sizes = [1], strides = [1]} : vector<16xi32> to vector<1xi32>
        %squeeze3A_267 = vector.extract %slice3A_266[0] : i32 from vector<1xi32>
        %mul3A_268 = arith.constant 16 : i32
        %mul3A_269 = arith.muli %scan3A_148, %mul3A_268 : i32
        %add3A_270 = arith.constant 8 : i32
        %add3A_271 = arith.addi %mul3A_269, %add3A_270 : i32
        %dma_start3A_272 = arith.constant 0 : i32
        %dma_start3A_273 = tpu.memref_slice %arg9[%add3A_271, %dma_start3A_272] : memref<64x300xf32, #tpu.memory_space<vmem>> -> memref<1x300xf32, #tpu.memory_space<vmem>>
        %dma_start3A_274 = arith.constant 0 : i32
        %dma_start3A_275 = tpu.memref_slice %arg2[%squeeze3A_267, %dma_start3A_274] : memref<1000008x300xf32, #tpu.memory_space<hbm>> -> memref<1x300xf32, #tpu.memory_space<hbm>>
        %dma_start3A_276 = arith.constant 0 : i32
        %dma_start3A_277 = tpu.memref_slice %arg9[%add3A_271, %dma_start3A_276] : memref<64x300xf32, #tpu.memory_space<vmem>> -> memref<1x300xf32, #tpu.memory_space<vmem>>
        %dma_start3A_278 = arith.constant 0 : i32
        %dma_start3A_279 = tpu.memref_slice %arg2[%squeeze3A_267, %dma_start3A_278] : memref<1000008x300xf32, #tpu.memory_space<hbm>> -> memref<1x300xf32, #tpu.memory_space<hbm>>
        tpu.enqueue_dma source(%dma_start3A_279 : memref<1x300xf32, #tpu.memory_space<hbm>>) target(%dma_start3A_277 : memref<1x300xf32, #tpu.memory_space<vmem>>) target_semaphore(%arg13 : memref<!tpu.dma_semaphore, #tpu.memory_space<semaphore_mem>>)
        %slice3A_280 = vector.extract_strided_slice %get3A_155 {offsets = [9], sizes = [1], strides = [1]} : vector<16xi32> to vector<1xi32>
        %squeeze3A_281 = vector.extract %slice3A_280[0] : i32 from vector<1xi32>
        %mul3A_282 = arith.constant 16 : i32
        %mul3A_283 = arith.muli %scan3A_148, %mul3A_282 : i32
        %add3A_284 = arith.constant 9 : i32
        %add3A_285 = arith.addi %mul3A_283, %add3A_284 : i32
        %dma_start3A_286 = arith.constant 0 : i32
        %dma_start3A_287 = tpu.memref_slice %arg9[%add3A_285, %dma_start3A_286] : memref<64x300xf32, #tpu.memory_space<vmem>> -> memref<1x300xf32, #tpu.memory_space<vmem>>
        %dma_start3A_288 = arith.constant 0 : i32
        %dma_start3A_289 = tpu.memref_slice %arg2[%squeeze3A_281, %dma_start3A_288] : memref<1000008x300xf32, #tpu.memory_space<hbm>> -> memref<1x300xf32, #tpu.memory_space<hbm>>
        %dma_start3A_290 = arith.constant 0 : i32
        %dma_start3A_291 = tpu.memref_slice %arg9[%add3A_285, %dma_start3A_290] : memref<64x300xf32, #tpu.memory_space<vmem>> -> memref<1x300xf32, #tpu.memory_space<vmem>>
        %dma_start3A_292 = arith.constant 0 : i32
        %dma_start3A_293 = tpu.memref_slice %arg2[%squeeze3A_281, %dma_start3A_292] : memref<1000008x300xf32, #tpu.memory_space<hbm>> -> memref<1x300xf32, #tpu.memory_space<hbm>>
        tpu.enqueue_dma source(%dma_start3A_293 : memref<1x300xf32, #tpu.memory_space<hbm>>) target(%dma_start3A_291 : memref<1x300xf32, #tpu.memory_space<vmem>>) target_semaphore(%arg13 : memref<!tpu.dma_semaphore, #tpu.memory_space<semaphore_mem>>)
        %slice3A_294 = vector.extract_strided_slice %get3A_155 {offsets = [10], sizes = [1], strides = [1]} : vector<16xi32> to vector<1xi32>
        %squeeze3A_295 = vector.extract %slice3A_294[0] : i32 from vector<1xi32>
        %mul3A_296 = arith.constant 16 : i32
        %mul3A_297 = arith.muli %scan3A_148, %mul3A_296 : i32
        %add3A_298 = arith.constant 10 : i32
        %add3A_299 = arith.addi %mul3A_297, %add3A_298 : i32
        %dma_start3A_300 = arith.constant 0 : i32
        %dma_start3A_301 = tpu.memref_slice %arg9[%add3A_299, %dma_start3A_300] : memref<64x300xf32, #tpu.memory_space<vmem>> -> memref<1x300xf32, #tpu.memory_space<vmem>>
        %dma_start3A_302 = arith.constant 0 : i32
        %dma_start3A_303 = tpu.memref_slice %arg2[%squeeze3A_295, %dma_start3A_302] : memref<1000008x300xf32, #tpu.memory_space<hbm>> -> memref<1x300xf32, #tpu.memory_space<hbm>>
        %dma_start3A_304 = arith.constant 0 : i32
        %dma_start3A_305 = tpu.memref_slice %arg9[%add3A_299, %dma_start3A_304] : memref<64x300xf32, #tpu.memory_space<vmem>> -> memref<1x300xf32, #tpu.memory_space<vmem>>
        %dma_start3A_306 = arith.constant 0 : i32
        %dma_start3A_307 = tpu.memref_slice %arg2[%squeeze3A_295, %dma_start3A_306] : memref<1000008x300xf32, #tpu.memory_space<hbm>> -> memref<1x300xf32, #tpu.memory_space<hbm>>
        tpu.enqueue_dma source(%dma_start3A_307 : memref<1x300xf32, #tpu.memory_space<hbm>>) target(%dma_start3A_305 : memref<1x300xf32, #tpu.memory_space<vmem>>) target_semaphore(%arg13 : memref<!tpu.dma_semaphore, #tpu.memory_space<semaphore_mem>>)
        %slice3A_308 = vector.extract_strided_slice %get3A_155 {offsets = [11], sizes = [1], strides = [1]} : vector<16xi32> to vector<1xi32>
        %squeeze3A_309 = vector.extract %slice3A_308[0] : i32 from vector<1xi32>
        %mul3A_310 = arith.constant 16 : i32
        %mul3A_311 = arith.muli %scan3A_148, %mul3A_310 : i32
        %add3A_312 = arith.constant 11 : i32
        %add3A_313 = arith.addi %mul3A_311, %add3A_312 : i32
        %dma_start3A_314 = arith.constant 0 : i32
        %dma_start3A_315 = tpu.memref_slice %arg9[%add3A_313, %dma_start3A_314] : memref<64x300xf32, #tpu.memory_space<vmem>> -> memref<1x300xf32, #tpu.memory_space<vmem>>
        %dma_start3A_316 = arith.constant 0 : i32
        %dma_start3A_317 = tpu.memref_slice %arg2[%squeeze3A_309, %dma_start3A_316] : memref<1000008x300xf32, #tpu.memory_space<hbm>> -> memref<1x300xf32, #tpu.memory_space<hbm>>
        %dma_start3A_318 = arith.constant 0 : i32
        %dma_start3A_319 = tpu.memref_slice %arg9[%add3A_313, %dma_start3A_318] : memref<64x300xf32, #tpu.memory_space<vmem>> -> memref<1x300xf32, #tpu.memory_space<vmem>>
        %dma_start3A_320 = arith.constant 0 : i32
        %dma_start3A_321 = tpu.memref_slice %arg2[%squeeze3A_309, %dma_start3A_320] : memref<1000008x300xf32, #tpu.memory_space<hbm>> -> memref<1x300xf32, #tpu.memory_space<hbm>>
        tpu.enqueue_dma source(%dma_start3A_321 : memref<1x300xf32, #tpu.memory_space<hbm>>) target(%dma_start3A_319 : memref<1x300xf32, #tpu.memory_space<vmem>>) target_semaphore(%arg13 : memref<!tpu.dma_semaphore, #tpu.memory_space<semaphore_mem>>)
        %slice3A_322 = vector.extract_strided_slice %get3A_155 {offsets = [12], sizes = [1], strides = [1]} : vector<16xi32> to vector<1xi32>
        %squeeze3A_323 = vector.extract %slice3A_322[0] : i32 from vector<1xi32>
        %mul3A_324 = arith.constant 16 : i32
        %mul3A_325 = arith.muli %scan3A_148, %mul3A_324 : i32
        %add3A_326 = arith.constant 12 : i32
        %add3A_327 = arith.addi %mul3A_325, %add3A_326 : i32
        %dma_start3A_328 = arith.constant 0 : i32
        %dma_start3A_329 = tpu.memref_slice %arg9[%add3A_327, %dma_start3A_328] : memref<64x300xf32, #tpu.memory_space<vmem>> -> memref<1x300xf32, #tpu.memory_space<vmem>>
        %dma_start3A_330 = arith.constant 0 : i32
        %dma_start3A_331 = tpu.memref_slice %arg2[%squeeze3A_323, %dma_start3A_330] : memref<1000008x300xf32, #tpu.memory_space<hbm>> -> memref<1x300xf32, #tpu.memory_space<hbm>>
        %dma_start3A_332 = arith.constant 0 : i32
        %dma_start3A_333 = tpu.memref_slice %arg9[%add3A_327, %dma_start3A_332] : memref<64x300xf32, #tpu.memory_space<vmem>> -> memref<1x300xf32, #tpu.memory_space<vmem>>
        %dma_start3A_334 = arith.constant 0 : i32
        %dma_start3A_335 = tpu.memref_slice %arg2[%squeeze3A_323, %dma_start3A_334] : memref<1000008x300xf32, #tpu.memory_space<hbm>> -> memref<1x300xf32, #tpu.memory_space<hbm>>
        tpu.enqueue_dma source(%dma_start3A_335 : memref<1x300xf32, #tpu.memory_space<hbm>>) target(%dma_start3A_333 : memref<1x300xf32, #tpu.memory_space<vmem>>) target_semaphore(%arg13 : memref<!tpu.dma_semaphore, #tpu.memory_space<semaphore_mem>>)
        %slice3A_336 = vector.extract_strided_slice %get3A_155 {offsets = [13], sizes = [1], strides = [1]} : vector<16xi32> to vector<1xi32>
        %squeeze3A_337 = vector.extract %slice3A_336[0] : i32 from vector<1xi32>
        %mul3A_338 = arith.constant 16 : i32
        %mul3A_339 = arith.muli %scan3A_148, %mul3A_338 : i32
        %add3A_340 = arith.constant 13 : i32
        %add3A_341 = arith.addi %mul3A_339, %add3A_340 : i32
        %dma_start3A_342 = arith.constant 0 : i32
        %dma_start3A_343 = tpu.memref_slice %arg9[%add3A_341, %dma_start3A_342] : memref<64x300xf32, #tpu.memory_space<vmem>> -> memref<1x300xf32, #tpu.memory_space<vmem>>
        %dma_start3A_344 = arith.constant 0 : i32
        %dma_start3A_345 = tpu.memref_slice %arg2[%squeeze3A_337, %dma_start3A_344] : memref<1000008x300xf32, #tpu.memory_space<hbm>> -> memref<1x300xf32, #tpu.memory_space<hbm>>
        %dma_start3A_346 = arith.constant 0 : i32
        %dma_start3A_347 = tpu.memref_slice %arg9[%add3A_341, %dma_start3A_346] : memref<64x300xf32, #tpu.memory_space<vmem>> -> memref<1x300xf32, #tpu.memory_space<vmem>>
        %dma_start3A_348 = arith.constant 0 : i32
        %dma_start3A_349 = tpu.memref_slice %arg2[%squeeze3A_337, %dma_start3A_348] : memref<1000008x300xf32, #tpu.memory_space<hbm>> -> memref<1x300xf32, #tpu.memory_space<hbm>>
        tpu.enqueue_dma source(%dma_start3A_349 : memref<1x300xf32, #tpu.memory_space<hbm>>) target(%dma_start3A_347 : memref<1x300xf32, #tpu.memory_space<vmem>>) target_semaphore(%arg13 : memref<!tpu.dma_semaphore, #tpu.memory_space<semaphore_mem>>)
        %slice3A_350 = vector.extract_strided_slice %get3A_155 {offsets = [14], sizes = [1], strides = [1]} : vector<16xi32> to vector<1xi32>
        %squeeze3A_351 = vector.extract %slice3A_350[0] : i32 from vector<1xi32>
        %mul3A_352 = arith.constant 16 : i32
        %mul3A_353 = arith.muli %scan3A_148, %mul3A_352 : i32
        %add3A_354 = arith.constant 14 : i32
        %add3A_355 = arith.addi %mul3A_353, %add3A_354 : i32
        %dma_start3A_356 = arith.constant 0 : i32
        %dma_start3A_357 = tpu.memref_slice %arg9[%add3A_355, %dma_start3A_356] : memref<64x300xf32, #tpu.memory_space<vmem>> -> memref<1x300xf32, #tpu.memory_space<vmem>>
        %dma_start3A_358 = arith.constant 0 : i32
        %dma_start3A_359 = tpu.memref_slice %arg2[%squeeze3A_351, %dma_start3A_358] : memref<1000008x300xf32, #tpu.memory_space<hbm>> -> memref<1x300xf32, #tpu.memory_space<hbm>>
        %dma_start3A_360 = arith.constant 0 : i32
        %dma_start3A_361 = tpu.memref_slice %arg9[%add3A_355, %dma_start3A_360] : memref<64x300xf32, #tpu.memory_space<vmem>> -> memref<1x300xf32, #tpu.memory_space<vmem>>
        %dma_start3A_362 = arith.constant 0 : i32
        %dma_start3A_363 = tpu.memref_slice %arg2[%squeeze3A_351, %dma_start3A_362] : memref<1000008x300xf32, #tpu.memory_space<hbm>> -> memref<1x300xf32, #tpu.memory_space<hbm>>
        tpu.enqueue_dma source(%dma_start3A_363 : memref<1x300xf32, #tpu.memory_space<hbm>>) target(%dma_start3A_361 : memref<1x300xf32, #tpu.memory_space<vmem>>) target_semaphore(%arg13 : memref<!tpu.dma_semaphore, #tpu.memory_space<semaphore_mem>>)
        %slice3A_364 = vector.extract_strided_slice %get3A_155 {offsets = [15], sizes = [1], strides = [1]} : vector<16xi32> to vector<1xi32>
        %squeeze3A_365 = vector.extract %slice3A_364[0] : i32 from vector<1xi32>
        %mul3A_366 = arith.constant 16 : i32
        %mul3A_367 = arith.muli %scan3A_148, %mul3A_366 : i32
        %add3A_368 = arith.constant 15 : i32
        %add3A_369 = arith.addi %mul3A_367, %add3A_368 : i32
        %dma_start3A_370 = arith.constant 0 : i32
        %dma_start3A_371 = tpu.memref_slice %arg9[%add3A_369, %dma_start3A_370] : memref<64x300xf32, #tpu.memory_space<vmem>> -> memref<1x300xf32, #tpu.memory_space<vmem>>
        %dma_start3A_372 = arith.constant 0 : i32
        %dma_start3A_373 = tpu.memref_slice %arg2[%squeeze3A_365, %dma_start3A_372] : memref<1000008x300xf32, #tpu.memory_space<hbm>> -> memref<1x300xf32, #tpu.memory_space<hbm>>
        %dma_start3A_374 = arith.constant 0 : i32
        %dma_start3A_375 = tpu.memref_slice %arg9[%add3A_369, %dma_start3A_374] : memref<64x300xf32, #tpu.memory_space<vmem>> -> memref<1x300xf32, #tpu.memory_space<vmem>>
        %dma_start3A_376 = arith.constant 0 : i32
        %dma_start3A_377 = tpu.memref_slice %arg2[%squeeze3A_365, %dma_start3A_376] : memref<1000008x300xf32, #tpu.memory_space<hbm>> -> memref<1x300xf32, #tpu.memory_space<hbm>>
        tpu.enqueue_dma source(%dma_start3A_377 : memref<1x300xf32, #tpu.memory_space<hbm>>) target(%dma_start3A_375 : memref<1x300xf32, #tpu.memory_space<vmem>>) target_semaphore(%arg13 : memref<!tpu.dma_semaphore, #tpu.memory_space<semaphore_mem>>)
      }
      %scan3A_132 = arith.constant 4 : i32
      %dma_wait3A_133 = arith.constant 0 : i32
      %dma_wait3A_134 = arith.constant 0 : i32
      %dma_wait3A_135 = tpu.memref_slice %arg2[%dma_wait3A_133, %dma_wait3A_134] : memref<1000008x300xf32, #tpu.memory_space<hbm>> -> memref<64x300xf32, #tpu.memory_space<hbm>>
      %dma_wait3A_136 = arith.constant 0 : i32
      %dma_wait3A_137 = arith.constant 0 : i32
      %dma_wait3A_138 = tpu.memref_slice %arg2[%dma_wait3A_136, %dma_wait3A_137] : memref<1000008x300xf32, #tpu.memory_space<hbm>> -> memref<64x300xf32, #tpu.memory_space<hbm>>
      tpu.wait_dma2 semaphore(%arg12 : memref<!tpu.dma_semaphore, #tpu.memory_space<semaphore_mem>>) src(%dma_wait3A_138 : memref<64x300xf32, #tpu.memory_space<hbm>>) dst(%arg8 : memref<64x300xf32, #tpu.memory_space<vmem>>)
      %sub3A_139 = arith.constant 1 : i32
      %sub3A_140 = arith.subi %add3A_123, %sub3A_139 : i32
      %add3A_141 = arith.addi %mul3A_2, %sub3A_140 : i32
      %mul3A_142 = arith.constant 64 : i32
      %mul3A_143 = arith.muli %add3A_141, %mul3A_142 : i32
      %dma_start3A_144 = arith.constant 0 : i32
      %dma_start3A_145 = tpu.memref_slice %arg4[%mul3A_143, %dma_start3A_144] : memref<819200x300xf32, #tpu.memory_space<hbm>> -> memref<64x300xf32, #tpu.memory_space<hbm>>
      %dma_start3A_146 = arith.constant 0 : i32
      %dma_start3A_147 = tpu.memref_slice %arg4[%mul3A_143, %dma_start3A_146] : memref<819200x300xf32, #tpu.memory_space<hbm>> -> memref<64x300xf32, #tpu.memory_space<hbm>>
      tpu.enqueue_dma source(%arg8 : memref<64x300xf32, #tpu.memory_space<vmem>>) target(%dma_start3A_147 : memref<64x300xf32, #tpu.memory_space<hbm>>) target_semaphore(%arg16 : memref<!tpu.dma_semaphore, #tpu.memory_space<semaphore_mem>>)
    }
    %scan3A_9 = arith.constant 100 : i32
    %dma_wait3A = arith.constant 0 : i32
    %dma_wait3A_10 = arith.constant 0 : i32
    %dma_wait3A_11 = tpu.memref_slice %arg2[%dma_wait3A, %dma_wait3A_10] : memref<1000008x300xf32, #tpu.memory_space<hbm>> -> memref<64x300xf32, #tpu.memory_space<hbm>>
    %dma_wait3A_12 = arith.constant 0 : i32
    %dma_wait3A_13 = arith.constant 0 : i32
    %dma_wait3A_14 = tpu.memref_slice %arg2[%dma_wait3A_12, %dma_wait3A_13] : memref<1000008x300xf32, #tpu.memory_space<hbm>> -> memref<64x300xf32, #tpu.memory_space<hbm>>
    tpu.wait_dma2 semaphore(%arg13 : memref<!tpu.dma_semaphore, #tpu.memory_space<semaphore_mem>>) src(%dma_wait3A_14 : memref<64x300xf32, #tpu.memory_space<hbm>>) dst(%arg9 : memref<64x300xf32, #tpu.memory_space<vmem>>)
    %add3A_15 = arith.constant 399 : i32
    %add3A_16 = arith.addi %mul3A_2, %add3A_15 : i32
    %mul3A_17 = arith.constant 64 : i32
    %mul3A_18 = arith.muli %add3A_16, %mul3A_17 : i32
    %dma_start3A = arith.constant 0 : i32
    %dma_start3A_19 = tpu.memref_slice %arg4[%mul3A_18, %dma_start3A] : memref<819200x300xf32, #tpu.memory_space<hbm>> -> memref<64x300xf32, #tpu.memory_space<hbm>>
    %dma_start3A_20 = arith.constant 0 : i32
    %dma_start3A_21 = tpu.memref_slice %arg4[%mul3A_18, %dma_start3A_20] : memref<819200x300xf32, #tpu.memory_space<hbm>> -> memref<64x300xf32, #tpu.memory_space<hbm>>
    tpu.enqueue_dma source(%arg9 : memref<64x300xf32, #tpu.memory_space<vmem>>) target(%dma_start3A_21 : memref<64x300xf32, #tpu.memory_space<hbm>>) target_semaphore(%arg17 : memref<!tpu.dma_semaphore, #tpu.memory_space<semaphore_mem>>)
    %dma_wait3A_22 = arith.constant 0 : i32
    %dma_wait3A_23 = arith.constant 0 : i32
    %dma_wait3A_24 = tpu.memref_slice %arg4[%dma_wait3A_22, %dma_wait3A_23] : memref<819200x300xf32, #tpu.memory_space<hbm>> -> memref<64x300xf32, #tpu.memory_space<hbm>>
    %dma_wait3A_25 = arith.constant 0 : i32
    %dma_wait3A_26 = arith.constant 0 : i32
    %dma_wait3A_27 = tpu.memref_slice %arg4[%dma_wait3A_25, %dma_wait3A_26] : memref<819200x300xf32, #tpu.memory_space<hbm>> -> memref<64x300xf32, #tpu.memory_space<hbm>>
    tpu.wait_dma2 semaphore(%arg14 : memref<!tpu.dma_semaphore, #tpu.memory_space<semaphore_mem>>) src(%arg6 : memref<64x300xf32, #tpu.memory_space<vmem>>) dst(%dma_wait3A_27 : memref<64x300xf32, #tpu.memory_space<hbm>>)
    %dma_wait3A_28 = arith.constant 0 : i32
    %dma_wait3A_29 = arith.constant 0 : i32
    %dma_wait3A_30 = tpu.memref_slice %arg4[%dma_wait3A_28, %dma_wait3A_29] : memref<819200x300xf32, #tpu.memory_space<hbm>> -> memref<64x300xf32, #tpu.memory_space<hbm>>
    %dma_wait3A_31 = arith.constant 0 : i32
    %dma_wait3A_32 = arith.constant 0 : i32
    %dma_wait3A_33 = tpu.memref_slice %arg4[%dma_wait3A_31, %dma_wait3A_32] : memref<819200x300xf32, #tpu.memory_space<hbm>> -> memref<64x300xf32, #tpu.memory_space<hbm>>
    tpu.wait_dma2 semaphore(%arg15 : memref<!tpu.dma_semaphore, #tpu.memory_space<semaphore_mem>>) src(%arg7 : memref<64x300xf32, #tpu.memory_space<vmem>>) dst(%dma_wait3A_33 : memref<64x300xf32, #tpu.memory_space<hbm>>)
    %dma_wait3A_34 = arith.constant 0 : i32
    %dma_wait3A_35 = arith.constant 0 : i32
    %dma_wait3A_36 = tpu.memref_slice %arg4[%dma_wait3A_34, %dma_wait3A_35] : memref<819200x300xf32, #tpu.memory_space<hbm>> -> memref<64x300xf32, #tpu.memory_space<hbm>>
    %dma_wait3A_37 = arith.constant 0 : i32
    %dma_wait3A_38 = arith.constant 0 : i32
    %dma_wait3A_39 = tpu.memref_slice %arg4[%dma_wait3A_37, %dma_wait3A_38] : memref<819200x300xf32, #tpu.memory_space<hbm>> -> memref<64x300xf32, #tpu.memory_space<hbm>>
    tpu.wait_dma2 semaphore(%arg16 : memref<!tpu.dma_semaphore, #tpu.memory_space<semaphore_mem>>) src(%arg8 : memref<64x300xf32, #tpu.memory_space<vmem>>) dst(%dma_wait3A_39 : memref<64x300xf32, #tpu.memory_space<hbm>>)
    %dma_wait3A_40 = arith.constant 0 : i32
    %dma_wait3A_41 = arith.constant 0 : i32
    %dma_wait3A_42 = tpu.memref_slice %arg4[%dma_wait3A_40, %dma_wait3A_41] : memref<819200x300xf32, #tpu.memory_space<hbm>> -> memref<64x300xf32, #tpu.memory_space<hbm>>
    %dma_wait3A_43 = arith.constant 0 : i32
    %dma_wait3A_44 = arith.constant 0 : i32
    %dma_wait3A_45 = tpu.memref_slice %arg4[%dma_wait3A_43, %dma_wait3A_44] : memref<819200x300xf32, #tpu.memory_space<hbm>> -> memref<64x300xf32, #tpu.memory_space<hbm>>
    tpu.wait_dma2 semaphore(%arg17 : memref<!tpu.dma_semaphore, #tpu.memory_space<semaphore_mem>>) src(%arg9 : memref<64x300xf32, #tpu.memory_space<vmem>>) dst(%dma_wait3A_45 : memref<64x300xf32, #tpu.memory_space<hbm>>)
    return
  }
}

</mosaic_0001>

<sc_bundles>
// kernel: _gather.3.cloned.1.call-start
scs
__scs_entry_jumppad:
0x0: {  	(pc) =	sbr.rel $0x88, $3  }
0x1: {  	(tag) =	ssettag $0x0;
	lr =	simm.s32 $0x1  }
0x2: {  	[smem:$0x3F9F] =	sst lr;
	_ =	strace $0xD0000000  }
0x3: {  	_ = 	snop  }
0x4: {  	_ = 	snop  }
0x5: {  	_ = 	snop  }
0x6: {  	_ = 	snop  }
0x7: {  	_ = 	snop  }
__scs_overlays_trampoline_lowered:
0x8: {  	[smem:$0x3FAE] =	sst s0  }
0x9: {  	[smem:$0x3FAF] =	sst s1  }
0xa: {  	[smem:$0x3FB0] =	sst s2  }
0xb: {  	[smem:$0x3FB1] =	sst s3  }
0xc: {  	[smem:$0x3FB2] =	sst s4  }
0xd: {  	[smem:$0x3FB3] =	sst s5  }
0xe: {  	[smem:$0x3FB4] =	sst s6  }
0xf: {  	[smem:$0x3FB5] =	sst s7  }
0x10: {  	[smem:$0x3FB6] =	sst s8  }
0x11: {  	[smem:$0x3FB7] =	sst s9;
	s0 =	simm.s32 @!p0 $0x0  }
0x12: {  	s1 =	sld [smem:$0x3F9D];
	s0 =	simm.s32 @p0 $0x1  }
0x13: {  	[smem:$0x3FB8] =	sst s0;
	s0 =	simm.s32 @!p1 $0x0  }
0x14: {  	s2 =	sld [smem:$0x3F9C];
	s0 =	simm.s32 @p1 $0x1  }
0x15: {  	[smem:$0x3FB9] =	sst s0;
	s0 =	simm.s32 @!p2 $0x0  }
0x16: {  	s3 =	sld [smem:$0x3FDB];
	s0 =	simm.s32 @p2 $0x1  }
0x17: {  	s4 =	simm.s32 $0x1BF5;
	[smem:$0x3FBB] =	sst s0  }
0x18: {  	s0 =	sld [smem:$0x3F9E];
	_ =	swait.ge [sflag:s4], $0x0  }
0x19: {  	s7 =	sld [smem:$0x3F9F]  }
0x1a: {  	s8 =	sadd.s32 $0xFFFFE003, lr  }
0x1b: {  	s9 =	sadd.s32 $0xFFFFFEF7, lr;
	s5 =	simm.s32 $0xFFFFFFFF;
	p2 =	slt.u32 s8, $0xFFFFF086  }
0x1c: {  	p1 =	slt.u32 s9, $0xF7A;
	s5 =	simm.s32 @!p2 $0x0  }
0x1d: {  	s5 =	simm.s32 @p1 $0x1;
	p0 =	seq.s32 s7, s2  }
0x1e: {  	s7 =	smul.u32 @!p0 $0xF7A, s2;
	p2 =	seq.s32 @!p0 s5, $0x0  }
0x1f: {  	s9 =	smul.u32 $0xF7A, s1;
	s8 =	simm.s32 @!p0 $0x1BF5;
	p2 =	por !p2, p0  }
0x20: {  	[sflag:s8] =	ssyncset.s32 @!p0 $0xFFFFF086;
	s6 =	sadd.s32 @!p0 s3, s7;
	s7 =	simm.s32 @!p0 $0x108  }
0x21: {  	s3 =	sadd.s32 s3, s9;
	s6 =	sadd.s32 @!p0 $0x88, s6;
	s7 =	simm.s32 @p2 $0x1082  }
0x22: {  	[simem:s7], [sflag:s8] =	dma.local @!p0 [hbm:s6], $0xF7A  }
0x23: {  	s9 =	sor.u32 $0xD0000000, s2;
	s6 =	simm.s32 $0x108;
	_ =	swait.ge @!p0 [sflag:s8], $0x0  }
0x24: {  	s3 =	sadd.s32 $0x88, s3;
	s6 =	simm.s32 @!p1 $0x1082;
	[sflag:s4] =	ssyncset.s32 $0xFFFFF086  }
0x25: {  	[simem:s6], [sflag:s4] =	dma.local [hbm:s3], $0xF7A  }
0x26: {  	[smem:$0x3F9F] =	sst s1;
	(tag) =	ssettag s2;
	_ =	strace s9  }
0x27: {  	s1 =	sld [smem:$0x3FAF]  }
0x28: {  	s2 =	sld [smem:$0x3FB0]  }
0x29: {  	s4 =	sld [smem:$0x3FB2]  }
0x2a: {  	p0 =	seq.s32 s5, $0x0;
	s5 =	sld [smem:$0x3FB3]  }
0x2b: {  	s6 =	sld [smem:$0x3FB4]  }
0x2c: {  	s7 =	sld [smem:$0x3FB5]  }
0x2d: {  	s3 =	simm.s32 $0x108;
	s8 =	sld [smem:$0x3FB6]  }
0x2e: {  	s3 =	simm.s32 @!p0 $0x1082;
	s9 =	sld [smem:$0x3FB7]  }
0x2f: {  	lr =	sadd.s32 s0, s3;
	s0 =	sld [smem:$0x3FAE]  }
0x30: {  	s3 =	sld [smem:$0x3FB1]  }
0x31: {  	[smem:$0x3FBA] =	sst s10  }
0x32: {  	s10 =	sld [smem:$0x3FB8];
	_ =	sdelay $0x3  }
0x33: {  	p0 =	seq.s32 s10, $0x1;
	s10 =	sld [smem:$0x3FBA];
	_ =	sdelay $0x3  }
0x34: {  	[smem:$0x3FBA] =	sst s10  }
0x35: {  	s10 =	sld [smem:$0x3FB9];
	_ =	sdelay $0x3  }
0x36: {  	p1 =	seq.s32 s10, $0x1;
	s10 =	sld [smem:$0x3FBA];
	_ =	sdelay $0x3  }
0x37: {  	[smem:$0x3FBA] =	sst s10  }
0x38: {  	s10 =	sld [smem:$0x3FBB]  }
0x39: {  	_ = 	snop;
	(pc) =	sbr.ind lr, $3  }
0x3a: {  	_ = 	snop  }
0x3b: {  	_ = 	snop  }
0x3c: {  	p2 =	seq.s32 s10, $0x1;
	s10 =	sld [smem:$0x3FBA]  }
0x3d: {  	_ =	shalt  }
0x3e: {  	_ =	shalt  }
0x3f: {  	_ =	shalt  }
0x40: {  	_ =	shalt  }
0x41: {  	_ =	shalt  }
0x42: {  	_ =	shalt  }
0x43: {  	_ =	shalt  }
0x44: {  	_ =	shalt  }
0x45: {  	_ =	shalt  }
0x46: {  	_ =	shalt  }
0x47: {  	_ =	shalt  }
0x48: {  	_ =	shalt  }
0x49: {  	_ =	shalt  }
0x4a: {  	_ =	shalt  }
0x4b: {  	_ =	shalt  }
0x4c: {  	_ =	shalt  }
0x4d: {  	_ =	shalt  }
0x4e: {  	_ =	shalt  }
0x4f: {  	_ =	shalt  }
0x50: {  	_ =	shalt  }
0x51: {  	_ =	shalt  }
0x52: {  	_ =	shalt  }
0x53: {  	_ =	shalt  }
0x54: {  	_ =	shalt  }
0x55: {  	_ =	shalt  }
0x56: {  	_ =	shalt  }
0x57: {  	_ =	shalt  }
0x58: {  	_ =	shalt  }
0x59: {  	_ =	shalt  }
0x5a: {  	_ =	shalt  }
0x5b: {  	_ =	shalt  }
0x5c: {  	_ =	shalt  }
0x5d: {  	_ =	shalt  }
0x5e: {  	_ =	shalt  }
0x5f: {  	_ =	shalt  }
0x60: {  	_ =	shalt  }
0x61: {  	_ =	shalt  }
0x62: {  	_ =	shalt  }
0x63: {  	_ =	shalt  }
0x64: {  	_ =	shalt  }
0x65: {  	_ =	shalt  }
0x66: {  	_ =	shalt  }
0x67: {  	_ =	shalt  }
0x68: {  	_ =	shalt  }
0x69: {  	_ =	shalt  }
0x6a: {  	_ =	shalt  }
0x6b: {  	_ =	shalt  }
0x6c: {  	_ =	shalt  }
0x6d: {  	_ =	shalt  }
0x6e: {  	_ =	shalt  }
0x6f: {  	_ =	shalt  }
0x70: {  	_ =	shalt  }
0x71: {  	_ =	shalt  }
0x72: {  	_ =	shalt  }
0x73: {  	_ =	shalt  }
0x74: {  	_ =	shalt  }
0x75: {  	_ =	shalt  }
0x76: {  	_ =	shalt  }
0x77: {  	_ =	shalt  }
0x78: {  	_ =	shalt  }
0x79: {  	_ =	shalt  }
0x7a: {  	_ =	shalt  }
0x7b: {  	_ =	shalt  }
0x7c: {  	_ =	shalt  }
0x7d: {  	_ =	shalt  }
0x7e: {  	_ =	shalt  }
0x7f: {  	_ =	shalt  }
0x80: {  	_ =	shalt  }
0x81: {  	_ =	shalt  }
0x82: {  	_ =	shalt  }
0x83: {  	_ =	shalt  }
0x84: {  	_ =	shalt  }
0x85: {  	_ =	shalt  }
0x86: {  	_ =	shalt  }
0x87: {  	_ =	shalt  }
.Lfunc_end0:
.L_simem_size_0:
called_computation_lowered:
.L_overlay_start_0:
0x88: {  	s2 =	sld [smem:$0x3FD9]  }
0x89: {  	s3 =	sld [smem:$0x3FFE];
	_ =	sdelay $0x1  }
0x8a: {  	s1 =	srdreg.scid  }
0x8b: {  	s0 =	sand.u32 $0x1, s1  }
0x8c: {  	s17 =	sshll.u32 s0, $0xA;
	s2 =	sadd.s32 s3, s2  }
0x8d: {  	s2 =	sadd.s32 s2, s17  }
0x8e: {  	[smem:$0x3FC6] =	sst s2  }
0x8f: {  	_ = 	snop  }
0x90: {  	s2 =	sld [smem:$0x3FC8];
	(tm) =	ssettm $0x1  }
0x91: {  	s18 =	sld [smem:$0x3FFB];
	_ =	sdelay $0x3  }
0x92: {  	_ =	strace s18  }
0x93: {  	s3 =	sld [smem:$0x3FFC];
	_ =	sdelay $0x3  }
0x94: {  	_ =	strace s3  }
0x95: {  	s3 =	sld [smem:$0x3FFD];
	_ =	sdelay $0x3  }
0x96: {  	_ =	strace s3  }
0x97: {  	_ =	strace $0x8FFFFFFF  }
0x98: {  	s19 =	sld [smem:$0x3FDB];
	_ =	sdelay $0x1  }
0x99: {  	s4 =	simm.s32 $_scs_section_size  }
0x9a: {  	s5 =	simm.s32 $_size__tile_overlayer_lowered;
	s6 =	simm.s32 $_tile_overlayer_lowered  }
0x9b: {  	s22 =	simm.s32 $0x1BFF;
	s21 =	sshll.u32 s6, $0x1;
	s3 =	sadd.s32 s4, s19  }
0x9c: {  	s7 =	simm.s32 $0x0;
	s20 =	sshll.u32 s5, $0x1;
	s5 =	sadd.s32 s21, s3  }
0x9d: {  	[timem:s7], [sflag:s22] =	dma.local [hbm:s5], s20  }
0x9e: {  	_ =	swait.ge [sflag:s22], s20  }
0x9f: {  	s4 =	ssub.s32 $0x0, s20;
	[sflag:s22] =	ssyncset.done $0x0  }
0xa0: {  	[sflag:s22] =	ssyncadd.s32 s4;
	_ =	sdelay $0x1  }
0xa1: {  	s23 =	simm.s32 $0x1B8B  }
0xa2: {  	_ =	swait.ge [sflag:s23], $0x1  }
0xa3: {  	[sflag:s23] =	ssyncset.done $0x0  }
0xa4: {  	s25 =	simm.s32 $0x1B8E;
	s24 =	sld [smem:$0x3FFE];
	[sflag:s23] =	ssyncadd.s32 $0xFFFFFFFF  }
0xa5: {  	s26 =	simm.s32 $execute0_lowered;
	[smem:$0x3FD2] =	sst s25  }
0xa6: {  	s5 =	sshll.u32 s26, $0x1;
	_ =	strace $0x80000046;
	[dreg:$0x1] =	wrdreg $0xFFFFFFFF  }
0xa7: {  	s28 =	simm.s32 $_size_execute0_lowered;
	s3 =	sadd.s32 s3, s5;
	[dreg:$0x0] =	wrdreg $0x0  }
0xa8: {  	s5 =	sshll.u32 s28, $0x1;
	[dreg:$0x2] =	wrdreg s3  }
0xa9: {  	[dreg:$0x3] =	wrdreg s5  }
0xaa: {  	[dreg:$0x4] =	wrdreg $0xC0  }
0xab: {  	_ =	task [dreg:s7], $0x5FFFF  }
0xac: {  	[dreg:$0x1] =	wrdreg $0xFFFFFFFF  }
0xad: {  	[dreg:$0x0] =	wrdreg $0x60  }
0xae: {  	[dreg:$0x2] =	wrdreg s24  }
0xaf: {  	[dreg:$0x3] =	wrdreg s2  }
0xb0: {  	[dreg:$0x4] =	wrdreg $0x9  }
0xb1: {  	_ =	task.clear_ibuf [dreg:s7], $0x5FFFF;
	_ =	strace $0x90000046  }
0xb2: {  	s29 =	simm.s32 $0x9;
	_ =	strace $0x80000048  }
0xb3: {  	_ =	swait.ge [sflag:s29], $0x1  }
0xb4: {  	[sflag:s29] =	ssyncadd.s32 $0xFFFFFFFF  }
0xb5: {  	_ =	strace $0x90000048  }
0xb6: {  	_ =	sfence  }
0xb7: {  	s30 =	sld [smem:$0x0];
	_ =	sdelay $0x2  }
0xb8: {  	s31 =	sshll.u32 s1, $0xD;
	s1 =	sshrl.u32 s1, $0x2  }
0xb9: {  	s3 =	sand.u32 $0x4000, s31;
	s1 =	sadd.s32 s1, s30  }
0xba: {  	s0 =	sor.u32 s3, s0;
	s1 =	sshll.u32 s1, $0x11  }
0xbb: {  	s0 =	sor.u32 s1, s0  }
0xbc: {  	s0 =	sadd.s32 $0x8F2B, s0  }
0xbd: {  	[sflag:s0] =	ssyncadd.remote.s32 $0x1  }
0xbe: {  	_ =	sfence.sel $0xFFFF  }
0xbf: {  	[dreg:$0x0] =	wrdreg $0xFFFFFFFF;
	(pc) =	sbr.abs _section_cstart, $3  }
0xc0: {  	[dreg:$0x1] =	wrdreg $0xFFFFFFFF  }
0xc1: {  	_ =	task.clear_ibuf [dreg:s7], $0x2FFFF;
	_ =	strace $0x9FFFFFFF  }
0xc2: {  	(tm) =	ssettm $0x7FFFFFFF  }
0xc3: {  	_ =	shalt  }
tec
execute0_lowered:
.L_overlay_start_1:
0x0: {  	(tag) =	ssettag $0x1  }
0x1: {  	s0 =	srdreg.scid;
	s5 =	rddreg [dreg:$0x0]  }
0x2: {  	s1 =	stileid.u32;
	s6 =	rddreg [dreg:$0x1]  }
0x3: {  	s2 =	simm.s32 $0x0;
	s10 =	simm.s32 $0x9;
	s11 =	simm.s32 $0x1  }
0x4: {  	s12 =	simm.s32 $0x6400;
	s13 =	simm.s32 $0x2;
	s14 =	simm.s32 $0xC400  }
0x5: {  	s15 =	simm.s32 $0x3;
	s0 =	sand.u32 $0x1, s0;
	s1 =	sshll.u32 s1, $0x1  }
0x6: {  	s16 =	simm.s32 $0x12400;
	s17 =	simm.s32 $0x4;
	s1 =	sor.u32 s0, s1  }
0x7: {  	s19 =	simm.s32 $0x5;
	s20 =	simm.s32 $0x6;
	s4 =	smul.u32 $0x6400, s1  }
0x8: {  	s21 =	simm.s32 $0x7;
	s22 =	simm.s32 $0x8;
	s3 =	smul.u32 $0x190, s1  }
0x9: {  	s23 =	simm.s32 $0x0;
	s1 =	smul.u32 $0xC80, s1;
	s4 =	sshrl.u32 s4, $0x3  }
0xa: {  	[smem:$0x7FF] =	sst s2;
	s0 =	ssub.s32 $0x2, s0;
	s7 =	smul.u32 $0x180, s4  }
0xb: {  	_ =	strace $0x80000047;
	s8 =	sshrl.u32 s0, $0x1;
	s4 =	sadd.s32 $0x2DC7200, s5  }
0xc: {  	s0 =	ssub.s32 s0, s8;
	s1 =	sadd.s32 s6, s1;
	s30 =	sadd.s32 s4, s7  }
0xd: {  	s9 =	smax.u32 s0, $0x1;
	[dreg:$0x3] =	wrdreg s1;
	s31 =	sadd.s32 $0x12B400, s30  }
0xe: {  	s5 =	sadd.s32 $0x400, s5;
	s7 =	sadd.s32 $0x3FFFFFF, s3;
	[dreg:$0x4] =	wrdreg s31  }
.LBB2_1:
0xf: {  	s0 =	rddreg [dreg:$0x3]  }
0x10: {  	[tilespmem:s2], [sflag:$0x9] =	stream.linear.gather [hbm4b:s0+s2], $0x6400, $0x38;
	[tilespmem:$0x1E400] =	vst v63  }
0x11: {  	_ =	swait.ge [sflag:s10], $0x6400  }
0x12: {  	s24 =	simm.s32 $0x80;
	s25 =	simm.s32 $0xC0;
	[sflag:s10] =	ssyncset.done $0x0  }
0x13: {  	s26 =	simm.s32 $0x0;
	s28 =	simm.s32 $0x0;
	[sflag:s10] =	ssyncadd.s32 $0xFFFF9C00  }
.LBB2_2:
0x14: {  	p0 =	seq.s32 s28, $0x0  }
0x15: {  	s0 =	simm.s32 @!p0 $0x5  }
0x16: {  	_ =	swait.ge @!p0 [sflag:s0], $0x6000  }
0x17: {  	s29 =	sshll.u32 s28, $0x2;
	[sflag:s0] =	ssyncset.done @!p0 $0x0  }
0x18: {  	s30 =	simm.s32 $0x0;
	s31 =	smov.u32 s26;
	[sflag:s0] =	ssyncadd.s32 @!p0 $0xFFFFA000  }
.LBB2_3:
0x19: {  	v0 =	vld [tilespmem:s31+$0x0];
	_ =	sdelay $0x4  }
0x1a: {  	(v2sf) =	vpush v0, $0x0;
	_ =	sdelay $0x9  }
0x1b: {  	(v2sf) =	vpush v0, $0x1;
	_ =	sdelay $0x4  }
0x1c: {  	s0 =	spop (v2sf)  }
0x1d: {  	s1 =	sshrl.u32 s0, $0x3  }
0x1e: {  	s0 =	sshll.u32 s0, $0x7;
	s1 =	smul.u32 $0xC00, s1  }
0x1f: {  	s0 =	sand.u32 $0x380, s0  }
0x20: {  	s0 =	sor.u32 s0, s1  }
0x21: {  	s1 =	sshra.s32 s30, $0x2;
	s0 =	sshrl.u32 s0, $0x3  }
0x22: {  	(v2sf) =	vpush v0, $0x2;
	s18 =	sadd.s32 $0x6400, s1;
	s0 =	sadd.s32 s5, s0  }
0x23: {  	[tilespmem:s18], [sflag:$0x1] =	stream.linear.gather [hbm4b:s0+s2], $0x80, $0x38;
	[tilespmem:$0x1E400] =	vst v63  }
0x24: {  	s6 =	sadd.s32 $0x6800, s1;
	s8 =	sadd.s32 $0x80, s0  }
0x25: {  	[tilespmem:s6], [sflag:$0x1] =	stream.linear.gather [hbm4b:s8+s2], $0x80, $0x38;
	[tilespmem:$0x1E400] =	vst v63  }
0x26: {  	s0 =	sadd.s32 $0x100, s0;
	s18 =	sadd.s32 $0x6C00, s1;
	s8 =	spop (v2sf)  }
0x27: {  	[tilespmem:s18], [sflag:$0x1] =	stream.linear.gather [hbm4b:s0+s2], $0x80, $0x38;
	[tilespmem:$0x1E400] =	vst v63  }
0x28: {  	s18 =	sshrl.u32 s8, $0x3  }
0x29: {  	s0 =	sshll.u32 s8, $0x7;
	s6 =	smul.u32 $0xC00, s18  }
0x2a: {  	s0 =	sand.u32 $0x380, s0  }
0x2b: {  	s0 =	sor.u32 s0, s6  }
0x2c: {  	s0 =	sshrl.u32 s0, $0x3  }
0x2d: {  	(v2sf) =	vpush v0, $0x3;
	s8 =	sadd.s32 $0x6480, s1;
	s0 =	sadd.s32 s5, s0  }
0x2e: {  	[tilespmem:s8], [sflag:$0x1] =	stream.linear.gather [hbm4b:s0+s2], $0x80, $0x38;
	[tilespmem:$0x1E400] =	vst v63  }
0x2f: {  	s18 =	sadd.s32 $0x80, s0;
	s8 =	sadd.s32 $0x6880, s1  }
0x30: {  	[tilespmem:s8], [sflag:$0x1] =	stream.linear.gather [hbm4b:s18+s2], $0x80, $0x38;
	[tilespmem:$0x1E400] =	vst v63  }
0x31: {  	s0 =	sadd.s32 $0x100, s0;
	s18 =	sadd.s32 $0x6C80, s1;
	s8 =	spop (v2sf)  }
0x32: {  	[tilespmem:s18], [sflag:$0x1] =	stream.linear.gather [hbm4b:s0+s2], $0x80, $0x38;
	[tilespmem:$0x1E400] =	vst v63  }
0x33: {  	s18 =	sshrl.u32 s8, $0x3  }
0x34: {  	s0 =	sshll.u32 s8, $0x7;
	s6 =	smul.u32 $0xC00, s18  }
0x35: {  	s0 =	sand.u32 $0x380, s0  }
0x36: {  	s0 =	sor.u32 s0, s6  }
0x37: {  	s0 =	sshrl.u32 s0, $0x3  }
0x38: {  	(v2sf) =	vpush v0, $0x4;
	s8 =	sadd.s32 $0x6500, s1;
	s0 =	sadd.s32 s5, s0  }
0x39: {  	[tilespmem:s8], [sflag:$0x1] =	stream.linear.gather [hbm4b:s0+s2], $0x80, $0x38;
	[tilespmem:$0x1E400] =	vst v63  }
0x3a: {  	s18 =	sadd.s32 $0x80, s0;
	s8 =	sadd.s32 $0x6900, s1  }
0x3b: {  	[tilespmem:s8], [sflag:$0x1] =	stream.linear.gather [hbm4b:s18+s2], $0x80, $0x38;
	[tilespmem:$0x1E400] =	vst v63  }
0x3c: {  	s0 =	sadd.s32 $0x100, s0;
	s18 =	sadd.s32 $0x6D00, s1;
	s8 =	spop (v2sf)  }
0x3d: {  	[tilespmem:s18], [sflag:$0x1] =	stream.linear.gather [hbm4b:s0+s2], $0x80, $0x38;
	[tilespmem:$0x1E400] =	vst v63  }
0x3e: {  	s18 =	sshrl.u32 s8, $0x3  }
0x3f: {  	s0 =	sshll.u32 s8, $0x7;
	s6 =	smul.u32 $0xC00, s18  }
0x40: {  	s0 =	sand.u32 $0x380, s0  }
0x41: {  	s0 =	sor.u32 s0, s6  }
0x42: {  	s0 =	sshrl.u32 s0, $0x3  }
0x43: {  	(v2sf) =	vpush v0, $0x5;
	s8 =	sadd.s32 $0x6580, s1;
	s0 =	sadd.s32 s5, s0  }
0x44: {  	[tilespmem:s8], [sflag:$0x1] =	stream.linear.gather [hbm4b:s0+s2], $0x80, $0x38;
	[tilespmem:$0x1E400] =	vst v63  }
0x45: {  	s18 =	sadd.s32 $0x80, s0;
	s8 =	sadd.s32 $0x6980, s1  }
0x46: {  	[tilespmem:s8], [sflag:$0x1] =	stream.linear.gather [hbm4b:s18+s2], $0x80, $0x38;
	[tilespmem:$0x1E400] =	vst v63  }
0x47: {  	s0 =	sadd.s32 $0x100, s0;
	s18 =	sadd.s32 $0x6D80, s1;
	s8 =	spop (v2sf)  }
0x48: {  	[tilespmem:s18], [sflag:$0x1] =	stream.linear.gather [hbm4b:s0+s2], $0x80, $0x38;
	[tilespmem:$0x1E400] =	vst v63  }
0x49: {  	s18 =	sshrl.u32 s8, $0x3  }
0x4a: {  	s0 =	sshll.u32 s8, $0x7;
	s6 =	smul.u32 $0xC00, s18  }
0x4b: {  	s0 =	sand.u32 $0x380, s0  }
0x4c: {  	s0 =	sor.u32 s0, s6  }
0x4d: {  	s0 =	sshrl.u32 s0, $0x3  }
0x4e: {  	(v2sf) =	vpush v0, $0x6;
	s8 =	sadd.s32 $0x6600, s1;
	s0 =	sadd.s32 s5, s0  }
0x4f: {  	[tilespmem:s8], [sflag:$0x1] =	stream.linear.gather [hbm4b:s0+s2], $0x80, $0x38;
	[tilespmem:$0x1E400] =	vst v63  }
0x50: {  	s18 =	sadd.s32 $0x80, s0;
	s8 =	sadd.s32 $0x6A00, s1  }
0x51: {  	[tilespmem:s8], [sflag:$0x1] =	stream.linear.gather [hbm4b:s18+s2], $0x80, $0x38;
	[tilespmem:$0x1E400] =	vst v63  }
0x52: {  	s0 =	sadd.s32 $0x100, s0;
	s18 =	sadd.s32 $0x6E00, s1;
	s8 =	spop (v2sf)  }
0x53: {  	[tilespmem:s18], [sflag:$0x1] =	stream.linear.gather [hbm4b:s0+s2], $0x80, $0x38;
	[tilespmem:$0x1E400] =	vst v63  }
0x54: {  	s18 =	sshrl.u32 s8, $0x3  }
0x55: {  	s0 =	sshll.u32 s8, $0x7;
	s6 =	smul.u32 $0xC00, s18  }
0x56: {  	s0 =	sand.u32 $0x380, s0  }
0x57: {  	s0 =	sor.u32 s0, s6  }
0x58: {  	s0 =	sshrl.u32 s0, $0x3  }
0x59: {  	(v2sf) =	vpush v0, $0x7;
	s8 =	sadd.s32 $0x6680, s1;
	s0 =	sadd.s32 s5, s0  }
0x5a: {  	[tilespmem:s8], [sflag:$0x1] =	stream.linear.gather [hbm4b:s0+s2], $0x80, $0x38;
	[tilespmem:$0x1E400] =	vst v63  }
0x5b: {  	s18 =	sadd.s32 $0x80, s0;
	s8 =	sadd.s32 $0x6A80, s1  }
0x5c: {  	[tilespmem:s8], [sflag:$0x1] =	stream.linear.gather [hbm4b:s18+s2], $0x80, $0x38;
	[tilespmem:$0x1E400] =	vst v63  }
0x5d: {  	s0 =	sadd.s32 $0x100, s0;
	s18 =	sadd.s32 $0x6E80, s1;
	s8 =	spop (v2sf)  }
0x5e: {  	[tilespmem:s18], [sflag:$0x1] =	stream.linear.gather [hbm4b:s0+s2], $0x80, $0x38;
	[tilespmem:$0x1E400] =	vst v63  }
0x5f: {  	s18 =	sshrl.u32 s8, $0x3  }
0x60: {  	s0 =	sshll.u32 s8, $0x7;
	s6 =	smul.u32 $0xC00, s18  }
0x61: {  	s0 =	sand.u32 $0x380, s0  }
0x62: {  	s0 =	sor.u32 s0, s6  }
0x63: {  	s0 =	sshrl.u32 s0, $0x3  }
0x64: {  	(v2sf) =	vpush v0, $0x8;
	s8 =	sadd.s32 $0x6700, s1;
	s0 =	sadd.s32 s5, s0  }
0x65: {  	[tilespmem:s8], [sflag:$0x1] =	stream.linear.gather [hbm4b:s0+s2], $0x80, $0x38;
	[tilespmem:$0x1E400] =	vst v63  }
0x66: {  	s18 =	sadd.s32 $0x80, s0;
	s8 =	sadd.s32 $0x6B00, s1  }
0x67: {  	[tilespmem:s8], [sflag:$0x1] =	stream.linear.gather [hbm4b:s18+s2], $0x80, $0x38;
	[tilespmem:$0x1E400] =	vst v63  }
0x68: {  	s0 =	sadd.s32 $0x100, s0;
	s18 =	sadd.s32 $0x6F00, s1;
	s8 =	spop (v2sf)  }
0x69: {  	[tilespmem:s18], [sflag:$0x1] =	stream.linear.gather [hbm4b:s0+s2], $0x80, $0x38;
	[tilespmem:$0x1E400] =	vst v63  }
0x6a: {  	s18 =	sshrl.u32 s8, $0x3  }
0x6b: {  	s0 =	sshll.u32 s8, $0x7;
	s6 =	smul.u32 $0xC00, s18  }
0x6c: {  	s0 =	sand.u32 $0x380, s0  }
0x6d: {  	s0 =	sor.u32 s0, s6  }
0x6e: {  	s0 =	sshrl.u32 s0, $0x3  }
0x6f: {  	(v2sf) =	vpush v0, $0x9;
	s8 =	sadd.s32 $0x6780, s1;
	s0 =	sadd.s32 s5, s0  }
0x70: {  	[tilespmem:s8], [sflag:$0x1] =	stream.linear.gather [hbm4b:s0+s2], $0x80, $0x38;
	[tilespmem:$0x1E400] =	vst v63  }
0x71: {  	s18 =	sadd.s32 $0x80, s0;
	s8 =	sadd.s32 $0x6B80, s1  }
0x72: {  	[tilespmem:s8], [sflag:$0x1] =	stream.linear.gather [hbm4b:s18+s2], $0x80, $0x38;
	[tilespmem:$0x1E400] =	vst v63  }
0x73: {  	s0 =	sadd.s32 $0x100, s0;
	s18 =	sadd.s32 $0x6F80, s1;
	s8 =	spop (v2sf)  }
0x74: {  	[tilespmem:s18], [sflag:$0x1] =	stream.linear.gather [hbm4b:s0+s2], $0x80, $0x38;
	[tilespmem:$0x1E400] =	vst v63  }
0x75: {  	s18 =	sshrl.u32 s8, $0x3  }
0x76: {  	s0 =	sshll.u32 s8, $0x7;
	s6 =	smul.u32 $0xC00, s18  }
0x77: {  	s0 =	sand.u32 $0x380, s0  }
0x78: {  	s0 =	sor.u32 s0, s6  }
0x79: {  	s0 =	sshrl.u32 s0, $0x3  }
0x7a: {  	(v2sf) =	vpush v0, $0xA;
	s8 =	sadd.s32 $0x7000, s1;
	s0 =	sadd.s32 s5, s0  }
0x7b: {  	[tilespmem:s8], [sflag:$0x1] =	stream.linear.gather [hbm4b:s0+s2], $0x80, $0x38;
	[tilespmem:$0x1E400] =	vst v63  }
0x7c: {  	s18 =	sadd.s32 $0x80, s0;
	s8 =	sadd.s32 $0x7400, s1  }
0x7d: {  	[tilespmem:s8], [sflag:$0x1] =	stream.linear.gather [hbm4b:s18+s2], $0x80, $0x38;
	[tilespmem:$0x1E400] =	vst v63  }
0x7e: {  	s0 =	sadd.s32 $0x100, s0;
	s18 =	sadd.s32 $0x7800, s1;
	s8 =	spop (v2sf)  }
0x7f: {  	[tilespmem:s18], [sflag:$0x1] =	stream.linear.gather [hbm4b:s0+s2], $0x80, $0x38;
	[tilespmem:$0x1E400] =	vst v63  }
0x80: {  	s18 =	sshrl.u32 s8, $0x3  }
0x81: {  	s0 =	sshll.u32 s8, $0x7;
	s6 =	smul.u32 $0xC00, s18  }
0x82: {  	s0 =	sand.u32 $0x380, s0  }
0x83: {  	s0 =	sor.u32 s0, s6  }
0x84: {  	s0 =	sshrl.u32 s0, $0x3  }
0x85: {  	(v2sf) =	vpush v0, $0xB;
	s8 =	sadd.s32 $0x7080, s1;
	s0 =	sadd.s32 s5, s0  }
0x86: {  	[tilespmem:s8], [sflag:$0x1] =	stream.linear.gather [hbm4b:s0+s2], $0x80, $0x38;
	[tilespmem:$0x1E400] =	vst v63  }
0x87: {  	s18 =	sadd.s32 $0x80, s0;
	s8 =	sadd.s32 $0x7480, s1  }
0x88: {  	[tilespmem:s8], [sflag:$0x1] =	stream.linear.gather [hbm4b:s18+s2], $0x80, $0x38;
	[tilespmem:$0x1E400] =	vst v63  }
0x89: {  	s0 =	sadd.s32 $0x100, s0;
	s18 =	sadd.s32 $0x7880, s1;
	s8 =	spop (v2sf)  }
0x8a: {  	[tilespmem:s18], [sflag:$0x1] =	stream.linear.gather [hbm4b:s0+s2], $0x80, $0x38;
	[tilespmem:$0x1E400] =	vst v63  }
0x8b: {  	s18 =	sshrl.u32 s8, $0x3  }
0x8c: {  	s0 =	sshll.u32 s8, $0x7;
	s6 =	smul.u32 $0xC00, s18  }
0x8d: {  	s0 =	sand.u32 $0x380, s0  }
0x8e: {  	s0 =	sor.u32 s0, s6  }
0x8f: {  	s0 =	sshrl.u32 s0, $0x3  }
0x90: {  	(v2sf) =	vpush v0, $0xC;
	s8 =	sadd.s32 $0x7100, s1;
	s0 =	sadd.s32 s5, s0  }
0x91: {  	[tilespmem:s8], [sflag:$0x1] =	stream.linear.gather [hbm4b:s0+s2], $0x80, $0x38;
	[tilespmem:$0x1E400] =	vst v63  }
0x92: {  	s18 =	sadd.s32 $0x80, s0;
	s8 =	sadd.s32 $0x7500, s1  }
0x93: {  	[tilespmem:s8], [sflag:$0x1] =	stream.linear.gather [hbm4b:s18+s2], $0x80, $0x38;
	[tilespmem:$0x1E400] =	vst v63  }
0x94: {  	s0 =	sadd.s32 $0x100, s0;
	s18 =	sadd.s32 $0x7900, s1;
	s8 =	spop (v2sf)  }
0x95: {  	[tilespmem:s18], [sflag:$0x1] =	stream.linear.gather [hbm4b:s0+s2], $0x80, $0x38;
	[tilespmem:$0x1E400] =	vst v63  }
0x96: {  	s18 =	sshrl.u32 s8, $0x3  }
0x97: {  	s0 =	sshll.u32 s8, $0x7;
	s6 =	smul.u32 $0xC00, s18  }
0x98: {  	s0 =	sand.u32 $0x380, s0  }
0x99: {  	s0 =	sor.u32 s0, s6  }
0x9a: {  	s0 =	sshrl.u32 s0, $0x3  }
0x9b: {  	(v2sf) =	vpush v0, $0xD;
	s8 =	sadd.s32 $0x7180, s1;
	s0 =	sadd.s32 s5, s0  }
0x9c: {  	[tilespmem:s8], [sflag:$0x1] =	stream.linear.gather [hbm4b:s0+s2], $0x80, $0x38;
	[tilespmem:$0x1E400] =	vst v63  }
0x9d: {  	s18 =	sadd.s32 $0x80, s0;
	s8 =	sadd.s32 $0x7580, s1  }
0x9e: {  	[tilespmem:s8], [sflag:$0x1] =	stream.linear.gather [hbm4b:s18+s2], $0x80, $0x38;
	[tilespmem:$0x1E400] =	vst v63  }
0x9f: {  	s0 =	sadd.s32 $0x100, s0;
	s18 =	sadd.s32 $0x7980, s1;
	s8 =	spop (v2sf)  }
0xa0: {  	[tilespmem:s18], [sflag:$0x1] =	stream.linear.gather [hbm4b:s0+s2], $0x80, $0x38;
	[tilespmem:$0x1E400] =	vst v63  }
0xa1: {  	s18 =	sshrl.u32 s8, $0x3  }
0xa2: {  	s0 =	sshll.u32 s8, $0x7;
	s6 =	smul.u32 $0xC00, s18  }
0xa3: {  	s0 =	sand.u32 $0x380, s0  }
0xa4: {  	(v2sf) =	vpush v0, $0xE;
	s0 =	sor.u32 s0, s6  }
0xa5: {  	s0 =	sshrl.u32 s0, $0x3  }
0xa6: {  	s8 =	sadd.s32 $0x7200, s1;
	s0 =	sadd.s32 s5, s0  }
0xa7: {  	[tilespmem:s8], [sflag:$0x1] =	stream.linear.gather [hbm4b:s0+s2], $0x80, $0x38;
	[tilespmem:$0x1E400] =	vst v63  }
0xa8: {  	s18 =	sadd.s32 $0x80, s0;
	s8 =	sadd.s32 $0x7600, s1  }
0xa9: {  	[tilespmem:s8], [sflag:$0x1] =	stream.linear.gather [hbm4b:s18+s2], $0x80, $0x38;
	[tilespmem:$0x1E400] =	vst v63  }
0xaa: {  	s0 =	sadd.s32 $0x100, s0;
	s18 =	sadd.s32 $0x7A00, s1;
	s8 =	spop (v2sf)  }
0xab: {  	[tilespmem:s18], [sflag:$0x1] =	stream.linear.gather [hbm4b:s0+s2], $0x80, $0x38;
	[tilespmem:$0x1E400] =	vst v63  }
0xac: {  	s18 =	sshrl.u32 s8, $0x3  }
0xad: {  	s0 =	sshll.u32 s8, $0x7;
	s6 =	smul.u32 $0xC00, s18  }
0xae: {  	s0 =	sand.u32 $0x380, s0  }
0xaf: {  	s0 =	sor.u32 s0, s6  }
0xb0: {  	(v2sf) =	vpush v0, $0xF;
	s0 =	sshrl.u32 s0, $0x3  }
0xb1: {  	s8 =	sadd.s32 $0x7280, s1;
	s0 =	sadd.s32 s5, s0  }
0xb2: {  	[tilespmem:s8], [sflag:$0x1] =	stream.linear.gather [hbm4b:s0+s2], $0x80, $0x38;
	[tilespmem:$0x1E400] =	vst v63  }
0xb3: {  	s6 =	spop (v2sf);
	s18 =	sadd.s32 $0x80, s0;
	s8 =	sadd.s32 $0x7680, s1  }
0xb4: {  	[tilespmem:s8], [sflag:$0x1] =	stream.linear.gather [hbm4b:s18+s2], $0x80, $0x38;
	[tilespmem:$0x1E400] =	vst v63  }
0xb5: {  	s0 =	sadd.s32 $0x100, s0;
	s8 =	sadd.s32 $0x7A80, s1;
	s18 =	sshrl.u32 s6, $0x3  }
0xb6: {  	[tilespmem:s8], [sflag:$0x1] =	stream.linear.gather [hbm4b:s0+s2], $0x80, $0x38;
	[tilespmem:$0x1E400] =	vst v63  }
0xb7: {  	s6 =	sshll.u32 s6, $0x7;
	s0 =	smul.u32 $0xC00, s18  }
0xb8: {  	s6 =	sand.u32 $0x380, s6  }
0xb9: {  	s0 =	sor.u32 s6, s0  }
0xba: {  	s0 =	sshrl.u32 s0, $0x3  }
0xbb: {  	s8 =	sadd.s32 $0x7300, s1;
	s0 =	sadd.s32 s5, s0  }
0xbc: {  	[tilespmem:s8], [sflag:$0x1] =	stream.linear.gather [hbm4b:s0+s2], $0x80, $0x38;
	[tilespmem:$0x1E400] =	vst v63  }
0xbd: {  	s18 =	sadd.s32 $0x80, s0;
	s8 =	sadd.s32 $0x7700, s1  }
0xbe: {  	[tilespmem:s8], [sflag:$0x1] =	stream.linear.gather [hbm4b:s18+s2], $0x80, $0x38;
	[tilespmem:$0x1E400] =	vst v63  }
0xbf: {  	s0 =	sadd.s32 $0x100, s0;
	s18 =	sadd.s32 $0x7B00, s1;
	s8 =	spop (v2sf)  }
0xc0: {  	[tilespmem:s18], [sflag:$0x1] =	stream.linear.gather [hbm4b:s0+s2], $0x80, $0x38;
	[tilespmem:$0x1E400] =	vst v63  }
0xc1: {  	s18 =	sshrl.u32 s8, $0x3  }
0xc2: {  	s0 =	sshll.u32 s8, $0x7;
	s6 =	smul.u32 $0xC00, s18  }
0xc3: {  	s0 =	sand.u32 $0x380, s0  }
0xc4: {  	s0 =	sor.u32 s0, s6  }
0xc5: {  	s0 =	sshrl.u32 s0, $0x3  }
0xc6: {  	p1 =	sne.s32 s30, $0x12000;
	s8 =	sadd.s32 $0x7380, s1;
	s0 =	sadd.s32 s5, s0  }
0xc7: {  	[tilespmem:s8], [sflag:$0x1] =	stream.linear.gather [hbm4b:s0+s2], $0x80, $0x38;
	[tilespmem:$0x1E400] =	vst v63  }
.Ltmp0:
0xc8: {  	_ = 	snop;
	(pc) =	sbr.rel @p1 .LBB2_3-.Ltmp0, $4  }
0xc9: {  	s31 =	sadd.s32 $0x10, s31;
	s18 =	sadd.s32 $0x80, s0;
	s8 =	sadd.s32 $0x7780, s1  }
0xca: {  	[tilespmem:s8], [sflag:$0x1] =	stream.linear.gather [hbm4b:s18+s2], $0x80, $0x38;
	[tilespmem:$0x1E400] =	vst v63  }
0xcb: {  	s30 =	sadd.s32 $0x6000, s30;
	s0 =	sadd.s32 $0x100, s0;
	s1 =	sadd.s32 $0x7B80, s1  }
0xcc: {  	[tilespmem:s1], [sflag:$0x1] =	stream.linear.gather [hbm4b:s0+s2], $0x80, $0x38;
	[tilespmem:$0x1E400] =	vst v63  }
0xcd: {  	s0 =	simm.s32 @!p0 $0x4;
	s1 =	sadd.s32 @!p0 s29, s7  }
0xce: {  	_ =	swait.ge @!p0 [sflag:s0], $0x6000;
	s1 =	smul.u32 @!p0 $0xC00, s1  }
0xcf: {  	s6 =	simm.s32 @!p0 $0x18400;
	[sflag:s0] =	ssyncset.done @!p0 $0x0  }
0xd0: {  	[sflag:s0] =	ssyncadd.s32 @!p0 $0xFFFFA000;
	s0 =	sadd.s32 @!p0 s4, s1;
	s1 =	simm.s32 @!p0 $0x0  }
0xd1: {  	[hbm4b:s0+s1] =	stream.linear.scatter @!p0 [tilespmem:s6], [sflag:$0x8], $0x6000, $0x38;
	[tilespmem:$0x1E400] =	vst v63  }
0xd2: {  	s30 =	sor.u32 @!p0 $0x1, s29;
	s0 =	simm.s32 @!p0 $0x6  }
0xd3: {  	s30 =	simm.s32 @p0 $0x1;
	_ =	swait.ge @!p0 [sflag:s0], $0x6000  }
0xd4: {  	s18 =	sshll.u32 s30, $0x6;
	[sflag:s0] =	ssyncset.done @!p0 $0x0  }
0xd5: {  	s31 =	sand.u32 $0x3FFFFFC0, s18;
	s1 =	simm.s32 $0x0;
	[sflag:s0] =	ssyncadd.s32 @!p0 $0xFFFFA000  }
.LBB2_5:
0xd6: {  	v0 =	vld [tilespmem:s31+$0x0];
	_ =	sdelay $0x4  }
0xd7: {  	(v2sf) =	vpush v0, $0x0;
	_ =	sdelay $0xb  }
0xd8: {  	(v2sf) =	vpush v0, $0x1;
	_ =	sdelay $0x2  }
0xd9: {  	s0 =	spop (v2sf)  }
0xda: {  	s6 =	sshrl.u32 s0, $0x3  }
0xdb: {  	s0 =	sshll.u32 s0, $0x7;
	s6 =	smul.u32 $0xC00, s6  }
0xdc: {  	s0 =	sand.u32 $0x380, s0  }
0xdd: {  	s0 =	sor.u32 s0, s6  }
0xde: {  	s6 =	sshrl.u32 s0, $0x3;
	s0 =	sshra.s32 s1, $0x2  }
0xdf: {  	s6 =	sadd.s32 s5, s6;
	s18 =	sadd.s32 $0xC400, s0  }
0xe0: {  	[tilespmem:s18], [sflag:$0x2] =	stream.linear.gather [hbm4b:s6+s2], $0x80, $0x38;
	[tilespmem:$0x1E400] =	vst v63  }
0xe1: {  	s8 =	sadd.s32 $0xC800, s0;
	s18 =	sadd.s32 $0x80, s6  }
0xe2: {  	(v2sf) =	vpush v0, $0x2;
	[tilespmem:s8], [sflag:$0x2] =	stream.linear.gather [hbm4b:s18+s2], $0x80, $0x38;
	[tilespmem:$0x1E400] =	vst v63  }
0xe3: {  	s6 =	sadd.s32 $0x100, s6;
	s18 =	sadd.s32 $0xCC00, s0  }
0xe4: {  	[tilespmem:s18], [sflag:$0x2] =	stream.linear.gather [hbm4b:s6+s2], $0x80, $0x38;
	[tilespmem:$0x1E400] =	vst v63  }
0xe5: {  	s6 =	spop (v2sf)  }
0xe6: {  	s18 =	sshrl.u32 s6, $0x3  }
0xe7: {  	s6 =	sshll.u32 s6, $0x7;
	s8 =	smul.u32 $0xC00, s18  }
0xe8: {  	s6 =	sand.u32 $0x380, s6  }
0xe9: {  	s6 =	sor.u32 s6, s8  }
0xea: {  	s6 =	sshrl.u32 s6, $0x3  }
0xeb: {  	s18 =	sadd.s32 $0xC480, s0;
	s6 =	sadd.s32 s5, s6  }
0xec: {  	[tilespmem:s18], [sflag:$0x2] =	stream.linear.gather [hbm4b:s6+s2], $0x80, $0x38;
	[tilespmem:$0x1E400] =	vst v63  }
0xed: {  	s8 =	sadd.s32 $0x80, s6;
	s18 =	sadd.s32 $0xC880, s0  }
0xee: {  	(v2sf) =	vpush v0, $0x3;
	[tilespmem:s18], [sflag:$0x2] =	stream.linear.gather [hbm4b:s8+s2], $0x80, $0x38;
	[tilespmem:$0x1E400] =	vst v63  }
0xef: {  	s6 =	sadd.s32 $0x100, s6;
	s18 =	sadd.s32 $0xCC80, s0  }
0xf0: {  	[tilespmem:s18], [sflag:$0x2] =	stream.linear.gather [hbm4b:s6+s2], $0x80, $0x38;
	[tilespmem:$0x1E400] =	vst v63  }
0xf1: {  	s6 =	spop (v2sf)  }
0xf2: {  	s18 =	sshrl.u32 s6, $0x3  }
0xf3: {  	s6 =	sshll.u32 s6, $0x7;
	s8 =	smul.u32 $0xC00, s18  }
0xf4: {  	s6 =	sand.u32 $0x380, s6  }
0xf5: {  	s6 =	sor.u32 s6, s8  }
0xf6: {  	s6 =	sshrl.u32 s6, $0x3  }
0xf7: {  	s18 =	sadd.s32 $0xC500, s0;
	s6 =	sadd.s32 s5, s6  }
0xf8: {  	[tilespmem:s18], [sflag:$0x2] =	stream.linear.gather [hbm4b:s6+s2], $0x80, $0x38;
	[tilespmem:$0x1E400] =	vst v63  }
0xf9: {  	s8 =	sadd.s32 $0x80, s6;
	s18 =	sadd.s32 $0xC900, s0  }
0xfa: {  	(v2sf) =	vpush v0, $0x4;
	[tilespmem:s18], [sflag:$0x2] =	stream.linear.gather [hbm4b:s8+s2], $0x80, $0x38;
	[tilespmem:$0x1E400] =	vst v63  }
0xfb: {  	s6 =	sadd.s32 $0x100, s6;
	s18 =	sadd.s32 $0xCD00, s0  }
0xfc: {  	[tilespmem:s18], [sflag:$0x2] =	stream.linear.gather [hbm4b:s6+s2], $0x80, $0x38;
	[tilespmem:$0x1E400] =	vst v63  }
0xfd: {  	s6 =	spop (v2sf)  }
0xfe: {  	s18 =	sshrl.u32 s6, $0x3  }
0xff: {  	s6 =	sshll.u32 s6, $0x7;
	s8 =	smul.u32 $0xC00, s18  }
0x100: {  	s6 =	sand.u32 $0x380, s6  }
0x101: {  	s6 =	sor.u32 s6, s8  }
0x102: {  	s6 =	sshrl.u32 s6, $0x3  }
0x103: {  	s18 =	sadd.s32 $0xC580, s0;
	s6 =	sadd.s32 s5, s6  }
0x104: {  	[tilespmem:s18], [sflag:$0x2] =	stream.linear.gather [hbm4b:s6+s2], $0x80, $0x38;
	[tilespmem:$0x1E400] =	vst v63  }
0x105: {  	s8 =	sadd.s32 $0x80, s6;
	s18 =	sadd.s32 $0xC980, s0  }
0x106: {  	(v2sf) =	vpush v0, $0x5;
	[tilespmem:s18], [sflag:$0x2] =	stream.linear.gather [hbm4b:s8+s2], $0x80, $0x38;
	[tilespmem:$0x1E400] =	vst v63  }
0x107: {  	s6 =	sadd.s32 $0x100, s6;
	s18 =	sadd.s32 $0xCD80, s0  }
0x108: {  	[tilespmem:s18], [sflag:$0x2] =	stream.linear.gather [hbm4b:s6+s2], $0x80, $0x38;
	[tilespmem:$0x1E400] =	vst v63  }
0x109: {  	s6 =	spop (v2sf)  }
0x10a: {  	s18 =	sshrl.u32 s6, $0x3  }
0x10b: {  	s6 =	sshll.u32 s6, $0x7;
	s8 =	smul.u32 $0xC00, s18  }
0x10c: {  	s6 =	sand.u32 $0x380, s6  }
0x10d: {  	s6 =	sor.u32 s6, s8  }
0x10e: {  	s6 =	sshrl.u32 s6, $0x3  }
0x10f: {  	s18 =	sadd.s32 $0xC600, s0;
	s6 =	sadd.s32 s5, s6  }
0x110: {  	[tilespmem:s18], [sflag:$0x2] =	stream.linear.gather [hbm4b:s6+s2], $0x80, $0x38;
	[tilespmem:$0x1E400] =	vst v63  }
0x111: {  	s8 =	sadd.s32 $0x80, s6;
	s18 =	sadd.s32 $0xCA00, s0  }
0x112: {  	(v2sf) =	vpush v0, $0x6;
	[tilespmem:s18], [sflag:$0x2] =	stream.linear.gather [hbm4b:s8+s2], $0x80, $0x38;
	[tilespmem:$0x1E400] =	vst v63  }
0x113: {  	s6 =	sadd.s32 $0x100, s6;
	s18 =	sadd.s32 $0xCE00, s0  }
0x114: {  	[tilespmem:s18], [sflag:$0x2] =	stream.linear.gather [hbm4b:s6+s2], $0x80, $0x38;
	[tilespmem:$0x1E400] =	vst v63  }
0x115: {  	s6 =	spop (v2sf)  }
0x116: {  	s18 =	sshrl.u32 s6, $0x3  }
0x117: {  	s6 =	sshll.u32 s6, $0x7;
	s8 =	smul.u32 $0xC00, s18  }
0x118: {  	s6 =	sand.u32 $0x380, s6  }
0x119: {  	s6 =	sor.u32 s6, s8  }
0x11a: {  	s6 =	sshrl.u32 s6, $0x3  }
0x11b: {  	s18 =	sadd.s32 $0xC680, s0;
	s6 =	sadd.s32 s5, s6  }
0x11c: {  	[tilespmem:s18], [sflag:$0x2] =	stream.linear.gather [hbm4b:s6+s2], $0x80, $0x38;
	[tilespmem:$0x1E400] =	vst v63  }
0x11d: {  	s8 =	sadd.s32 $0x80, s6;
	s18 =	sadd.s32 $0xCA80, s0  }
0x11e: {  	(v2sf) =	vpush v0, $0x7;
	[tilespmem:s18], [sflag:$0x2] =	stream.linear.gather [hbm4b:s8+s2], $0x80, $0x38;
	[tilespmem:$0x1E400] =	vst v63  }
0x11f: {  	s6 =	sadd.s32 $0x100, s6;
	s18 =	sadd.s32 $0xCE80, s0  }
0x120: {  	[tilespmem:s18], [sflag:$0x2] =	stream.linear.gather [hbm4b:s6+s2], $0x80, $0x38;
	[tilespmem:$0x1E400] =	vst v63  }
0x121: {  	s6 =	spop (v2sf)  }
0x122: {  	s18 =	sshrl.u32 s6, $0x3  }
0x123: {  	s6 =	sshll.u32 s6, $0x7;
	s8 =	smul.u32 $0xC00, s18  }
0x124: {  	s6 =	sand.u32 $0x380, s6  }
0x125: {  	s6 =	sor.u32 s6, s8  }
0x126: {  	s6 =	sshrl.u32 s6, $0x3  }
0x127: {  	s18 =	sadd.s32 $0xC700, s0;
	s6 =	sadd.s32 s5, s6  }
0x128: {  	[tilespmem:s18], [sflag:$0x2] =	stream.linear.gather [hbm4b:s6+s2], $0x80, $0x38;
	[tilespmem:$0x1E400] =	vst v63  }
0x129: {  	s8 =	sadd.s32 $0x80, s6;
	s18 =	sadd.s32 $0xCB00, s0  }
0x12a: {  	(v2sf) =	vpush v0, $0x8;
	[tilespmem:s18], [sflag:$0x2] =	stream.linear.gather [hbm4b:s8+s2], $0x80, $0x38;
	[tilespmem:$0x1E400] =	vst v63  }
0x12b: {  	s6 =	sadd.s32 $0x100, s6;
	s18 =	sadd.s32 $0xCF00, s0  }
0x12c: {  	[tilespmem:s18], [sflag:$0x2] =	stream.linear.gather [hbm4b:s6+s2], $0x80, $0x38;
	[tilespmem:$0x1E400] =	vst v63  }
0x12d: {  	s6 =	spop (v2sf)  }
0x12e: {  	s18 =	sshrl.u32 s6, $0x3  }
0x12f: {  	s6 =	sshll.u32 s6, $0x7;
	s8 =	smul.u32 $0xC00, s18  }
0x130: {  	s6 =	sand.u32 $0x380, s6  }
0x131: {  	s6 =	sor.u32 s6, s8  }
0x132: {  	s6 =	sshrl.u32 s6, $0x3  }
0x133: {  	s18 =	sadd.s32 $0xC780, s0;
	s6 =	sadd.s32 s5, s6  }
0x134: {  	[tilespmem:s18], [sflag:$0x2] =	stream.linear.gather [hbm4b:s6+s2], $0x80, $0x38;
	[tilespmem:$0x1E400] =	vst v63  }
0x135: {  	s8 =	sadd.s32 $0x80, s6;
	s18 =	sadd.s32 $0xCB80, s0  }
0x136: {  	(v2sf) =	vpush v0, $0x9;
	[tilespmem:s18], [sflag:$0x2] =	stream.linear.gather [hbm4b:s8+s2], $0x80, $0x38;
	[tilespmem:$0x1E400] =	vst v63  }
0x137: {  	s6 =	sadd.s32 $0x100, s6;
	s18 =	sadd.s32 $0xCF80, s0  }
0x138: {  	[tilespmem:s18], [sflag:$0x2] =	stream.linear.gather [hbm4b:s6+s2], $0x80, $0x38;
	[tilespmem:$0x1E400] =	vst v63  }
0x139: {  	s6 =	spop (v2sf)  }
0x13a: {  	s18 =	sshrl.u32 s6, $0x3  }
0x13b: {  	s6 =	sshll.u32 s6, $0x7;
	s8 =	smul.u32 $0xC00, s18  }
0x13c: {  	s6 =	sand.u32 $0x380, s6  }
0x13d: {  	s6 =	sor.u32 s6, s8  }
0x13e: {  	s6 =	sshrl.u32 s6, $0x3  }
0x13f: {  	s18 =	sadd.s32 $0xD000, s0;
	s6 =	sadd.s32 s5, s6  }
0x140: {  	[tilespmem:s18], [sflag:$0x2] =	stream.linear.gather [hbm4b:s6+s2], $0x80, $0x38;
	[tilespmem:$0x1E400] =	vst v63  }
0x141: {  	s8 =	sadd.s32 $0x80, s6;
	s18 =	sadd.s32 $0xD400, s0  }
0x142: {  	(v2sf) =	vpush v0, $0xA;
	[tilespmem:s18], [sflag:$0x2] =	stream.linear.gather [hbm4b:s8+s2], $0x80, $0x38;
	[tilespmem:$0x1E400] =	vst v63  }
0x143: {  	s6 =	sadd.s32 $0x100, s6;
	s18 =	sadd.s32 $0xD800, s0  }
0x144: {  	[tilespmem:s18], [sflag:$0x2] =	stream.linear.gather [hbm4b:s6+s2], $0x80, $0x38;
	[tilespmem:$0x1E400] =	vst v63  }
0x145: {  	s6 =	spop (v2sf)  }
0x146: {  	s18 =	sshrl.u32 s6, $0x3  }
0x147: {  	s6 =	sshll.u32 s6, $0x7;
	s8 =	smul.u32 $0xC00, s18  }
0x148: {  	s6 =	sand.u32 $0x380, s6  }
0x149: {  	s6 =	sor.u32 s6, s8  }
0x14a: {  	s6 =	sshrl.u32 s6, $0x3  }
0x14b: {  	s18 =	sadd.s32 $0xD080, s0;
	s6 =	sadd.s32 s5, s6  }
0x14c: {  	[tilespmem:s18], [sflag:$0x2] =	stream.linear.gather [hbm4b:s6+s2], $0x80, $0x38;
	[tilespmem:$0x1E400] =	vst v63  }
0x14d: {  	s8 =	sadd.s32 $0x80, s6;
	s18 =	sadd.s32 $0xD480, s0  }
0x14e: {  	(v2sf) =	vpush v0, $0xB;
	[tilespmem:s18], [sflag:$0x2] =	stream.linear.gather [hbm4b:s8+s2], $0x80, $0x38;
	[tilespmem:$0x1E400] =	vst v63  }
0x14f: {  	s6 =	sadd.s32 $0x100, s6;
	s18 =	sadd.s32 $0xD880, s0  }
0x150: {  	[tilespmem:s18], [sflag:$0x2] =	stream.linear.gather [hbm4b:s6+s2], $0x80, $0x38;
	[tilespmem:$0x1E400] =	vst v63  }
0x151: {  	s6 =	spop (v2sf)  }
0x152: {  	s18 =	sshrl.u32 s6, $0x3  }
0x153: {  	s6 =	sshll.u32 s6, $0x7;
	s8 =	smul.u32 $0xC00, s18  }
0x154: {  	s6 =	sand.u32 $0x380, s6  }
0x155: {  	s6 =	sor.u32 s6, s8  }
0x156: {  	s6 =	sshrl.u32 s6, $0x3  }
0x157: {  	s18 =	sadd.s32 $0xD100, s0;
	s6 =	sadd.s32 s5, s6  }
0x158: {  	[tilespmem:s18], [sflag:$0x2] =	stream.linear.gather [hbm4b:s6+s2], $0x80, $0x38;
	[tilespmem:$0x1E400] =	vst v63  }
0x159: {  	s8 =	sadd.s32 $0x80, s6;
	s18 =	sadd.s32 $0xD500, s0  }
0x15a: {  	(v2sf) =	vpush v0, $0xC;
	[tilespmem:s18], [sflag:$0x2] =	stream.linear.gather [hbm4b:s8+s2], $0x80, $0x38;
	[tilespmem:$0x1E400] =	vst v63  }
0x15b: {  	s6 =	sadd.s32 $0x100, s6;
	s18 =	sadd.s32 $0xD900, s0  }
0x15c: {  	[tilespmem:s18], [sflag:$0x2] =	stream.linear.gather [hbm4b:s6+s2], $0x80, $0x38;
	[tilespmem:$0x1E400] =	vst v63  }
0x15d: {  	s6 =	spop (v2sf)  }
0x15e: {  	s18 =	sshrl.u32 s6, $0x3  }
0x15f: {  	s6 =	sshll.u32 s6, $0x7;
	s8 =	smul.u32 $0xC00, s18  }
0x160: {  	s6 =	sand.u32 $0x380, s6  }
0x161: {  	s6 =	sor.u32 s6, s8  }
0x162: {  	s6 =	sshrl.u32 s6, $0x3  }
0x163: {  	s18 =	sadd.s32 $0xD180, s0;
	s6 =	sadd.s32 s5, s6  }
0x164: {  	[tilespmem:s18], [sflag:$0x2] =	stream.linear.gather [hbm4b:s6+s2], $0x80, $0x38;
	[tilespmem:$0x1E400] =	vst v63  }
0x165: {  	s8 =	sadd.s32 $0x80, s6;
	s18 =	sadd.s32 $0xD580, s0  }
0x166: {  	(v2sf) =	vpush v0, $0xD;
	[tilespmem:s18], [sflag:$0x2] =	stream.linear.gather [hbm4b:s8+s2], $0x80, $0x38;
	[tilespmem:$0x1E400] =	vst v63  }
0x167: {  	s6 =	sadd.s32 $0x100, s6;
	s18 =	sadd.s32 $0xD980, s0  }
0x168: {  	[tilespmem:s18], [sflag:$0x2] =	stream.linear.gather [hbm4b:s6+s2], $0x80, $0x38;
	[tilespmem:$0x1E400] =	vst v63  }
0x169: {  	s6 =	spop (v2sf)  }
0x16a: {  	s18 =	sshrl.u32 s6, $0x3  }
0x16b: {  	s6 =	sshll.u32 s6, $0x7;
	s8 =	smul.u32 $0xC00, s18  }
0x16c: {  	s6 =	sand.u32 $0x380, s6  }
0x16d: {  	s6 =	sor.u32 s6, s8  }
0x16e: {  	s6 =	sshrl.u32 s6, $0x3  }
0x16f: {  	s18 =	sadd.s32 $0xD200, s0;
	s6 =	sadd.s32 s5, s6  }
0x170: {  	(v2sf) =	vpush v0, $0xE;
	[tilespmem:s18], [sflag:$0x2] =	stream.linear.gather [hbm4b:s6+s2], $0x80, $0x38;
	[tilespmem:$0x1E400] =	vst v63  }
0x171: {  	s8 =	sadd.s32 $0x80, s6;
	s18 =	sadd.s32 $0xD600, s0  }
0x172: {  	[tilespmem:s18], [sflag:$0x2] =	stream.linear.gather [hbm4b:s8+s2], $0x80, $0x38;
	[tilespmem:$0x1E400] =	vst v63  }
0x173: {  	s6 =	sadd.s32 $0x100, s6;
	s18 =	sadd.s32 $0xDA00, s0  }
0x174: {  	[tilespmem:s18], [sflag:$0x2] =	stream.linear.gather [hbm4b:s6+s2], $0x80, $0x38;
	[tilespmem:$0x1E400] =	vst v63  }
0x175: {  	s6 =	spop (v2sf)  }
0x176: {  	s18 =	sshrl.u32 s6, $0x3  }
0x177: {  	s6 =	sshll.u32 s6, $0x7;
	s8 =	smul.u32 $0xC00, s18  }
0x178: {  	s6 =	sand.u32 $0x380, s6  }
0x179: {  	s6 =	sor.u32 s6, s8  }
0x17a: {  	s6 =	sshrl.u32 s6, $0x3  }
0x17b: {  	s18 =	sadd.s32 $0xD280, s0;
	s6 =	sadd.s32 s5, s6  }
0x17c: {  	[tilespmem:s18], [sflag:$0x2] =	stream.linear.gather [hbm4b:s6+s2], $0x80, $0x38;
	[tilespmem:$0x1E400] =	vst v63  }
0x17d: {  	(v2sf) =	vpush v0, $0xF;
	s8 =	sadd.s32 $0x80, s6;
	s18 =	sadd.s32 $0xD680, s0  }
0x17e: {  	[tilespmem:s18], [sflag:$0x2] =	stream.linear.gather [hbm4b:s8+s2], $0x80, $0x38;
	[tilespmem:$0x1E400] =	vst v63  }
0x17f: {  	s6 =	sadd.s32 $0x100, s6;
	s8 =	spop (v2sf);
	s18 =	sadd.s32 $0xDA80, s0  }
0x180: {  	[tilespmem:s18], [sflag:$0x2] =	stream.linear.gather [hbm4b:s6+s2], $0x80, $0x38;
	[tilespmem:$0x1E400] =	vst v63  }
0x181: {  	s18 =	sshrl.u32 s8, $0x3  }
0x182: {  	s8 =	sshll.u32 s8, $0x7;
	s6 =	smul.u32 $0xC00, s18  }
0x183: {  	s8 =	sand.u32 $0x380, s8  }
0x184: {  	s6 =	sor.u32 s8, s6  }
0x185: {  	s6 =	sshrl.u32 s6, $0x3  }
0x186: {  	s18 =	sadd.s32 $0xD300, s0;
	s6 =	sadd.s32 s5, s6  }
0x187: {  	[tilespmem:s18], [sflag:$0x2] =	stream.linear.gather [hbm4b:s6+s2], $0x80, $0x38;
	[tilespmem:$0x1E400] =	vst v63  }
0x188: {  	s8 =	sadd.s32 $0x80, s6;
	s18 =	sadd.s32 $0xD700, s0  }
0x189: {  	[tilespmem:s18], [sflag:$0x2] =	stream.linear.gather [hbm4b:s8+s2], $0x80, $0x38;
	[tilespmem:$0x1E400] =	vst v63  }
0x18a: {  	s6 =	sadd.s32 $0x100, s6;
	s18 =	sadd.s32 $0xDB00, s0  }
0x18b: {  	[tilespmem:s18], [sflag:$0x2] =	stream.linear.gather [hbm4b:s6+s2], $0x80, $0x38;
	[tilespmem:$0x1E400] =	vst v63  }
0x18c: {  	s6 =	spop (v2sf)  }
0x18d: {  	s18 =	sshrl.u32 s6, $0x3  }
0x18e: {  	s6 =	sshll.u32 s6, $0x7;
	s8 =	smul.u32 $0xC00, s18  }
0x18f: {  	s6 =	sand.u32 $0x380, s6  }
0x190: {  	s6 =	sor.u32 s6, s8  }
0x191: {  	s6 =	sshrl.u32 s6, $0x3  }
0x192: {  	p1 =	sne.s32 s1, $0x12000;
	s18 =	sadd.s32 $0xD380, s0;
	s6 =	sadd.s32 s5, s6  }
0x193: {  	[tilespmem:s18], [sflag:$0x2] =	stream.linear.gather [hbm4b:s6+s2], $0x80, $0x38;
	[tilespmem:$0x1E400] =	vst v63  }
.Ltmp1:
0x194: {  	_ = 	snop;
	(pc) =	sbr.rel @p1 .LBB2_5-.Ltmp1, $4  }
0x195: {  	s31 =	sadd.s32 $0x10, s31;
	s8 =	sadd.s32 $0x80, s6;
	s18 =	sadd.s32 $0xD780, s0  }
0x196: {  	[tilespmem:s18], [sflag:$0x2] =	stream.linear.gather [hbm4b:s8+s2], $0x80, $0x38;
	[tilespmem:$0x1E400] =	vst v63  }
0x197: {  	s1 =	sadd.s32 $0x6000, s1;
	s6 =	sadd.s32 $0x100, s6;
	s0 =	sadd.s32 $0xDB80, s0  }
0x198: {  	[tilespmem:s0], [sflag:$0x2] =	stream.linear.gather [hbm4b:s6+s2], $0x80, $0x38;
	[tilespmem:$0x1E400] =	vst v63  }
0x199: {  	s0 =	sadd.s32 s3, s29  }
0x19a: {  	_ =	swait.ge [sflag:s11], $0x6000;
	s0 =	smul.u32 $0xC00, s0  }
0x19b: {  	[sflag:s11] =	ssyncset.done $0x0  }
0x19c: {  	[sflag:s11] =	ssyncadd.s32 $0xFFFFA000;
	s0 =	sadd.s32 s4, s0  }
0x19d: {  	[hbm4b:s0+s2] =	stream.linear.scatter [tilespmem:s12], [sflag:$0x5], $0x6000, $0x38;
	[tilespmem:$0x1E400] =	vst v63  }
0x19e: {  	s0 =	simm.s32 @!p0 $0x7  }
0x19f: {  	_ =	swait.ge @!p0 [sflag:s0], $0x6000  }
0x1a0: {  	s29 =	sor.u32 $0x2, s29;
	[sflag:s0] =	ssyncset.done @!p0 $0x0  }
0x1a1: {  	s31 =	simm.s32 $0x0;
	s1 =	smov.u32 s24;
	[sflag:s0] =	ssyncadd.s32 @!p0 $0xFFFFA000  }
.LBB2_7:
0x1a2: {  	v0 =	vld [tilespmem:s1+$0x0];
	_ =	sdelay $0x4  }
0x1a3: {  	(v2sf) =	vpush v0, $0x0;
	_ =	sdelay $0xb  }
0x1a4: {  	(v2sf) =	vpush v0, $0x1;
	_ =	sdelay $0x2  }
0x1a5: {  	s0 =	spop (v2sf)  }
0x1a6: {  	s6 =	sshrl.u32 s0, $0x3  }
0x1a7: {  	s0 =	sshll.u32 s0, $0x7;
	s6 =	smul.u32 $0xC00, s6  }
0x1a8: {  	s0 =	sand.u32 $0x380, s0  }
0x1a9: {  	s0 =	sor.u32 s0, s6  }
0x1aa: {  	s6 =	sshrl.u32 s0, $0x3;
	s0 =	sshra.s32 s31, $0x2  }
0x1ab: {  	s6 =	sadd.s32 s5, s6;
	s8 =	sadd.s32 $0x12400, s0  }
0x1ac: {  	[tilespmem:s8], [sflag:$0x3] =	stream.linear.gather [hbm4b:s6+s2], $0x80, $0x38;
	[tilespmem:$0x1E400] =	vst v63  }
0x1ad: {  	s18 =	sadd.s32 $0x12800, s0;
	s8 =	sadd.s32 $0x80, s6  }
0x1ae: {  	(v2sf) =	vpush v0, $0x2;
	[tilespmem:s18], [sflag:$0x3] =	stream.linear.gather [hbm4b:s8+s2], $0x80, $0x38;
	[tilespmem:$0x1E400] =	vst v63  }
0x1af: {  	s6 =	sadd.s32 $0x100, s6;
	s18 =	sadd.s32 $0x12C00, s0  }
0x1b0: {  	[tilespmem:s18], [sflag:$0x3] =	stream.linear.gather [hbm4b:s6+s2], $0x80, $0x38;
	[tilespmem:$0x1E400] =	vst v63  }
0x1b1: {  	s6 =	spop (v2sf)  }
0x1b2: {  	s18 =	sshrl.u32 s6, $0x3  }
0x1b3: {  	s6 =	sshll.u32 s6, $0x7;
	s8 =	smul.u32 $0xC00, s18  }
0x1b4: {  	s6 =	sand.u32 $0x380, s6  }
0x1b5: {  	s6 =	sor.u32 s6, s8  }
0x1b6: {  	s6 =	sshrl.u32 s6, $0x3  }
0x1b7: {  	s18 =	sadd.s32 $0x12480, s0;
	s6 =	sadd.s32 s5, s6  }
0x1b8: {  	[tilespmem:s18], [sflag:$0x3] =	stream.linear.gather [hbm4b:s6+s2], $0x80, $0x38;
	[tilespmem:$0x1E400] =	vst v63  }
0x1b9: {  	s8 =	sadd.s32 $0x80, s6;
	s18 =	sadd.s32 $0x12880, s0  }
0x1ba: {  	(v2sf) =	vpush v0, $0x3;
	[tilespmem:s18], [sflag:$0x3] =	stream.linear.gather [hbm4b:s8+s2], $0x80, $0x38;
	[tilespmem:$0x1E400] =	vst v63  }
0x1bb: {  	s6 =	sadd.s32 $0x100, s6;
	s18 =	sadd.s32 $0x12C80, s0  }
0x1bc: {  	[tilespmem:s18], [sflag:$0x3] =	stream.linear.gather [hbm4b:s6+s2], $0x80, $0x38;
	[tilespmem:$0x1E400] =	vst v63  }
0x1bd: {  	s6 =	spop (v2sf)  }
0x1be: {  	s18 =	sshrl.u32 s6, $0x3  }
0x1bf: {  	s6 =	sshll.u32 s6, $0x7;
	s8 =	smul.u32 $0xC00, s18  }
0x1c0: {  	s6 =	sand.u32 $0x380, s6  }
0x1c1: {  	s6 =	sor.u32 s6, s8  }
0x1c2: {  	s6 =	sshrl.u32 s6, $0x3  }
0x1c3: {  	s18 =	sadd.s32 $0x12500, s0;
	s6 =	sadd.s32 s5, s6  }
0x1c4: {  	[tilespmem:s18], [sflag:$0x3] =	stream.linear.gather [hbm4b:s6+s2], $0x80, $0x38;
	[tilespmem:$0x1E400] =	vst v63  }
0x1c5: {  	s8 =	sadd.s32 $0x80, s6;
	s18 =	sadd.s32 $0x12900, s0  }
0x1c6: {  	(v2sf) =	vpush v0, $0x4;
	[tilespmem:s18], [sflag:$0x3] =	stream.linear.gather [hbm4b:s8+s2], $0x80, $0x38;
	[tilespmem:$0x1E400] =	vst v63  }
0x1c7: {  	s6 =	sadd.s32 $0x100, s6;
	s18 =	sadd.s32 $0x12D00, s0  }
0x1c8: {  	[tilespmem:s18], [sflag:$0x3] =	stream.linear.gather [hbm4b:s6+s2], $0x80, $0x38;
	[tilespmem:$0x1E400] =	vst v63  }
0x1c9: {  	s6 =	spop (v2sf)  }
0x1ca: {  	s18 =	sshrl.u32 s6, $0x3  }
0x1cb: {  	s6 =	sshll.u32 s6, $0x7;
	s8 =	smul.u32 $0xC00, s18  }
0x1cc: {  	s6 =	sand.u32 $0x380, s6  }
0x1cd: {  	s6 =	sor.u32 s6, s8  }
0x1ce: {  	s6 =	sshrl.u32 s6, $0x3  }
0x1cf: {  	s18 =	sadd.s32 $0x12580, s0;
	s6 =	sadd.s32 s5, s6  }
0x1d0: {  	[tilespmem:s18], [sflag:$0x3] =	stream.linear.gather [hbm4b:s6+s2], $0x80, $0x38;
	[tilespmem:$0x1E400] =	vst v63  }
0x1d1: {  	s8 =	sadd.s32 $0x80, s6;
	s18 =	sadd.s32 $0x12980, s0  }
0x1d2: {  	(v2sf) =	vpush v0, $0x5;
	[tilespmem:s18], [sflag:$0x3] =	stream.linear.gather [hbm4b:s8+s2], $0x80, $0x38;
	[tilespmem:$0x1E400] =	vst v63  }
0x1d3: {  	s6 =	sadd.s32 $0x100, s6;
	s18 =	sadd.s32 $0x12D80, s0  }
0x1d4: {  	[tilespmem:s18], [sflag:$0x3] =	stream.linear.gather [hbm4b:s6+s2], $0x80, $0x38;
	[tilespmem:$0x1E400] =	vst v63  }
0x1d5: {  	s6 =	spop (v2sf)  }
0x1d6: {  	s18 =	sshrl.u32 s6, $0x3  }
0x1d7: {  	s6 =	sshll.u32 s6, $0x7;
	s8 =	smul.u32 $0xC00, s18  }
0x1d8: {  	s6 =	sand.u32 $0x380, s6  }
0x1d9: {  	s6 =	sor.u32 s6, s8  }
0x1da: {  	s6 =	sshrl.u32 s6, $0x3  }
0x1db: {  	s18 =	sadd.s32 $0x12600, s0;
	s6 =	sadd.s32 s5, s6  }
0x1dc: {  	[tilespmem:s18], [sflag:$0x3] =	stream.linear.gather [hbm4b:s6+s2], $0x80, $0x38;
	[tilespmem:$0x1E400] =	vst v63  }
0x1dd: {  	s8 =	sadd.s32 $0x80, s6;
	s18 =	sadd.s32 $0x12A00, s0  }
0x1de: {  	(v2sf) =	vpush v0, $0x6;
	[tilespmem:s18], [sflag:$0x3] =	stream.linear.gather [hbm4b:s8+s2], $0x80, $0x38;
	[tilespmem:$0x1E400] =	vst v63  }
0x1df: {  	s6 =	sadd.s32 $0x100, s6;
	s18 =	sadd.s32 $0x12E00, s0  }
0x1e0: {  	[tilespmem:s18], [sflag:$0x3] =	stream.linear.gather [hbm4b:s6+s2], $0x80, $0x38;
	[tilespmem:$0x1E400] =	vst v63  }
0x1e1: {  	s6 =	spop (v2sf)  }
0x1e2: {  	s18 =	sshrl.u32 s6, $0x3  }
0x1e3: {  	s6 =	sshll.u32 s6, $0x7;
	s8 =	smul.u32 $0xC00, s18  }
0x1e4: {  	s6 =	sand.u32 $0x380, s6  }
0x1e5: {  	s6 =	sor.u32 s6, s8  }
0x1e6: {  	s6 =	sshrl.u32 s6, $0x3  }
0x1e7: {  	s18 =	sadd.s32 $0x12680, s0;
	s6 =	sadd.s32 s5, s6  }
0x1e8: {  	[tilespmem:s18], [sflag:$0x3] =	stream.linear.gather [hbm4b:s6+s2], $0x80, $0x38;
	[tilespmem:$0x1E400] =	vst v63  }
0x1e9: {  	s8 =	sadd.s32 $0x80, s6;
	s18 =	sadd.s32 $0x12A80, s0  }
0x1ea: {  	(v2sf) =	vpush v0, $0x7;
	[tilespmem:s18], [sflag:$0x3] =	stream.linear.gather [hbm4b:s8+s2], $0x80, $0x38;
	[tilespmem:$0x1E400] =	vst v63  }
0x1eb: {  	s6 =	sadd.s32 $0x100, s6;
	s18 =	sadd.s32 $0x12E80, s0  }
0x1ec: {  	[tilespmem:s18], [sflag:$0x3] =	stream.linear.gather [hbm4b:s6+s2], $0x80, $0x38;
	[tilespmem:$0x1E400] =	vst v63  }
0x1ed: {  	s6 =	spop (v2sf)  }
0x1ee: {  	s18 =	sshrl.u32 s6, $0x3  }
0x1ef: {  	s6 =	sshll.u32 s6, $0x7;
	s8 =	smul.u32 $0xC00, s18  }
0x1f0: {  	s6 =	sand.u32 $0x380, s6  }
0x1f1: {  	s6 =	sor.u32 s6, s8  }
0x1f2: {  	s6 =	sshrl.u32 s6, $0x3  }
0x1f3: {  	s18 =	sadd.s32 $0x12700, s0;
	s6 =	sadd.s32 s5, s6  }
0x1f4: {  	[tilespmem:s18], [sflag:$0x3] =	stream.linear.gather [hbm4b:s6+s2], $0x80, $0x38;
	[tilespmem:$0x1E400] =	vst v63  }
0x1f5: {  	s8 =	sadd.s32 $0x80, s6;
	s18 =	sadd.s32 $0x12B00, s0  }
0x1f6: {  	(v2sf) =	vpush v0, $0x8;
	[tilespmem:s18], [sflag:$0x3] =	stream.linear.gather [hbm4b:s8+s2], $0x80, $0x38;
	[tilespmem:$0x1E400] =	vst v63  }
0x1f7: {  	s6 =	sadd.s32 $0x100, s6;
	s18 =	sadd.s32 $0x12F00, s0  }
0x1f8: {  	[tilespmem:s18], [sflag:$0x3] =	stream.linear.gather [hbm4b:s6+s2], $0x80, $0x38;
	[tilespmem:$0x1E400] =	vst v63  }
0x1f9: {  	s6 =	spop (v2sf)  }
0x1fa: {  	s18 =	sshrl.u32 s6, $0x3  }
0x1fb: {  	s6 =	sshll.u32 s6, $0x7;
	s8 =	smul.u32 $0xC00, s18  }
0x1fc: {  	s6 =	sand.u32 $0x380, s6  }
0x1fd: {  	s6 =	sor.u32 s6, s8  }
0x1fe: {  	s6 =	sshrl.u32 s6, $0x3  }
0x1ff: {  	s18 =	sadd.s32 $0x12780, s0;
	s6 =	sadd.s32 s5, s6  }
0x200: {  	[tilespmem:s18], [sflag:$0x3] =	stream.linear.gather [hbm4b:s6+s2], $0x80, $0x38;
	[tilespmem:$0x1E400] =	vst v63  }
0x201: {  	s8 =	sadd.s32 $0x80, s6;
	s18 =	sadd.s32 $0x12B80, s0  }
0x202: {  	(v2sf) =	vpush v0, $0x9;
	[tilespmem:s18], [sflag:$0x3] =	stream.linear.gather [hbm4b:s8+s2], $0x80, $0x38;
	[tilespmem:$0x1E400] =	vst v63  }
0x203: {  	s6 =	sadd.s32 $0x100, s6;
	s18 =	sadd.s32 $0x12F80, s0  }
0x204: {  	[tilespmem:s18], [sflag:$0x3] =	stream.linear.gather [hbm4b:s6+s2], $0x80, $0x38;
	[tilespmem:$0x1E400] =	vst v63  }
0x205: {  	s6 =	spop (v2sf)  }
0x206: {  	s18 =	sshrl.u32 s6, $0x3  }
0x207: {  	s6 =	sshll.u32 s6, $0x7;
	s8 =	smul.u32 $0xC00, s18  }
0x208: {  	s6 =	sand.u32 $0x380, s6  }
0x209: {  	s6 =	sor.u32 s6, s8  }
0x20a: {  	s6 =	sshrl.u32 s6, $0x3  }
0x20b: {  	s18 =	sadd.s32 $0x13000, s0;
	s6 =	sadd.s32 s5, s6  }
0x20c: {  	[tilespmem:s18], [sflag:$0x3] =	stream.linear.gather [hbm4b:s6+s2], $0x80, $0x38;
	[tilespmem:$0x1E400] =	vst v63  }
0x20d: {  	s8 =	sadd.s32 $0x80, s6;
	s18 =	sadd.s32 $0x13400, s0  }
0x20e: {  	(v2sf) =	vpush v0, $0xA;
	[tilespmem:s18], [sflag:$0x3] =	stream.linear.gather [hbm4b:s8+s2], $0x80, $0x38;
	[tilespmem:$0x1E400] =	vst v63  }
0x20f: {  	s6 =	sadd.s32 $0x100, s6;
	s18 =	sadd.s32 $0x13800, s0  }
0x210: {  	[tilespmem:s18], [sflag:$0x3] =	stream.linear.gather [hbm4b:s6+s2], $0x80, $0x38;
	[tilespmem:$0x1E400] =	vst v63  }
0x211: {  	s6 =	spop (v2sf)  }
0x212: {  	s18 =	sshrl.u32 s6, $0x3  }
0x213: {  	s6 =	sshll.u32 s6, $0x7;
	s8 =	smul.u32 $0xC00, s18  }
0x214: {  	s6 =	sand.u32 $0x380, s6  }
0x215: {  	s6 =	sor.u32 s6, s8  }
0x216: {  	s6 =	sshrl.u32 s6, $0x3  }
0x217: {  	s18 =	sadd.s32 $0x13080, s0;
	s6 =	sadd.s32 s5, s6  }
0x218: {  	[tilespmem:s18], [sflag:$0x3] =	stream.linear.gather [hbm4b:s6+s2], $0x80, $0x38;
	[tilespmem:$0x1E400] =	vst v63  }
0x219: {  	s8 =	sadd.s32 $0x80, s6;
	s18 =	sadd.s32 $0x13480, s0  }
0x21a: {  	(v2sf) =	vpush v0, $0xB;
	[tilespmem:s18], [sflag:$0x3] =	stream.linear.gather [hbm4b:s8+s2], $0x80, $0x38;
	[tilespmem:$0x1E400] =	vst v63  }
0x21b: {  	s6 =	sadd.s32 $0x100, s6;
	s18 =	sadd.s32 $0x13880, s0  }
0x21c: {  	[tilespmem:s18], [sflag:$0x3] =	stream.linear.gather [hbm4b:s6+s2], $0x80, $0x38;
	[tilespmem:$0x1E400] =	vst v63  }
0x21d: {  	s6 =	spop (v2sf)  }
0x21e: {  	s18 =	sshrl.u32 s6, $0x3  }
0x21f: {  	s6 =	sshll.u32 s6, $0x7;
	s8 =	smul.u32 $0xC00, s18  }
0x220: {  	s6 =	sand.u32 $0x380, s6  }
0x221: {  	s6 =	sor.u32 s6, s8  }
0x222: {  	s6 =	sshrl.u32 s6, $0x3  }
0x223: {  	s18 =	sadd.s32 $0x13100, s0;
	s6 =	sadd.s32 s5, s6  }
0x224: {  	[tilespmem:s18], [sflag:$0x3] =	stream.linear.gather [hbm4b:s6+s2], $0x80, $0x38;
	[tilespmem:$0x1E400] =	vst v63  }
0x225: {  	s8 =	sadd.s32 $0x80, s6;
	s18 =	sadd.s32 $0x13500, s0  }
0x226: {  	(v2sf) =	vpush v0, $0xC;
	[tilespmem:s18], [sflag:$0x3] =	stream.linear.gather [hbm4b:s8+s2], $0x80, $0x38;
	[tilespmem:$0x1E400] =	vst v63  }
0x227: {  	s6 =	sadd.s32 $0x100, s6;
	s18 =	sadd.s32 $0x13900, s0  }
0x228: {  	[tilespmem:s18], [sflag:$0x3] =	stream.linear.gather [hbm4b:s6+s2], $0x80, $0x38;
	[tilespmem:$0x1E400] =	vst v63  }
0x229: {  	s6 =	spop (v2sf)  }
0x22a: {  	s18 =	sshrl.u32 s6, $0x3  }
0x22b: {  	s6 =	sshll.u32 s6, $0x7;
	s8 =	smul.u32 $0xC00, s18  }
0x22c: {  	s6 =	sand.u32 $0x380, s6  }
0x22d: {  	s6 =	sor.u32 s6, s8  }
0x22e: {  	s6 =	sshrl.u32 s6, $0x3  }
0x22f: {  	s18 =	sadd.s32 $0x13180, s0;
	s6 =	sadd.s32 s5, s6  }
0x230: {  	[tilespmem:s18], [sflag:$0x3] =	stream.linear.gather [hbm4b:s6+s2], $0x80, $0x38;
	[tilespmem:$0x1E400] =	vst v63  }
0x231: {  	s8 =	sadd.s32 $0x80, s6;
	s18 =	sadd.s32 $0x13580, s0  }
0x232: {  	(v2sf) =	vpush v0, $0xD;
	[tilespmem:s18], [sflag:$0x3] =	stream.linear.gather [hbm4b:s8+s2], $0x80, $0x38;
	[tilespmem:$0x1E400] =	vst v63  }
0x233: {  	s6 =	sadd.s32 $0x100, s6;
	s18 =	sadd.s32 $0x13980, s0  }
0x234: {  	[tilespmem:s18], [sflag:$0x3] =	stream.linear.gather [hbm4b:s6+s2], $0x80, $0x38;
	[tilespmem:$0x1E400] =	vst v63  }
0x235: {  	s6 =	spop (v2sf)  }
0x236: {  	s18 =	sshrl.u32 s6, $0x3  }
0x237: {  	s6 =	sshll.u32 s6, $0x7;
	s8 =	smul.u32 $0xC00, s18  }
0x238: {  	s6 =	sand.u32 $0x380, s6  }
0x239: {  	s6 =	sor.u32 s6, s8  }
0x23a: {  	s6 =	sshrl.u32 s6, $0x3  }
0x23b: {  	s18 =	sadd.s32 $0x13200, s0;
	s6 =	sadd.s32 s5, s6  }
0x23c: {  	(v2sf) =	vpush v0, $0xE;
	[tilespmem:s18], [sflag:$0x3] =	stream.linear.gather [hbm4b:s6+s2], $0x80, $0x38;
	[tilespmem:$0x1E400] =	vst v63  }
0x23d: {  	s8 =	sadd.s32 $0x80, s6;
	s18 =	sadd.s32 $0x13600, s0  }
0x23e: {  	[tilespmem:s18], [sflag:$0x3] =	stream.linear.gather [hbm4b:s8+s2], $0x80, $0x38;
	[tilespmem:$0x1E400] =	vst v63  }
0x23f: {  	s6 =	sadd.s32 $0x100, s6;
	s18 =	sadd.s32 $0x13A00, s0  }
0x240: {  	[tilespmem:s18], [sflag:$0x3] =	stream.linear.gather [hbm4b:s6+s2], $0x80, $0x38;
	[tilespmem:$0x1E400] =	vst v63  }
0x241: {  	s6 =	spop (v2sf)  }
0x242: {  	s18 =	sshrl.u32 s6, $0x3  }
0x243: {  	s6 =	sshll.u32 s6, $0x7;
	s8 =	smul.u32 $0xC00, s18  }
0x244: {  	s6 =	sand.u32 $0x380, s6  }
0x245: {  	s6 =	sor.u32 s6, s8  }
0x246: {  	s6 =	sshrl.u32 s6, $0x3  }
0x247: {  	s18 =	sadd.s32 $0x13280, s0;
	s6 =	sadd.s32 s5, s6  }
0x248: {  	[tilespmem:s18], [sflag:$0x3] =	stream.linear.gather [hbm4b:s6+s2], $0x80, $0x38;
	[tilespmem:$0x1E400] =	vst v63  }
0x249: {  	(v2sf) =	vpush v0, $0xF;
	s8 =	sadd.s32 $0x80, s6;
	s18 =	sadd.s32 $0x13680, s0  }
0x24a: {  	[tilespmem:s18], [sflag:$0x3] =	stream.linear.gather [hbm4b:s8+s2], $0x80, $0x38;
	[tilespmem:$0x1E400] =	vst v63  }
0x24b: {  	s6 =	sadd.s32 $0x100, s6;
	s8 =	spop (v2sf);
	s18 =	sadd.s32 $0x13A80, s0  }
0x24c: {  	[tilespmem:s18], [sflag:$0x3] =	stream.linear.gather [hbm4b:s6+s2], $0x80, $0x38;
	[tilespmem:$0x1E400] =	vst v63  }
0x24d: {  	s18 =	sshrl.u32 s8, $0x3  }
0x24e: {  	s8 =	sshll.u32 s8, $0x7;
	s6 =	smul.u32 $0xC00, s18  }
0x24f: {  	s8 =	sand.u32 $0x380, s8  }
0x250: {  	s6 =	sor.u32 s8, s6  }
0x251: {  	s6 =	sshrl.u32 s6, $0x3  }
0x252: {  	s18 =	sadd.s32 $0x13300, s0;
	s6 =	sadd.s32 s5, s6  }
0x253: {  	[tilespmem:s18], [sflag:$0x3] =	stream.linear.gather [hbm4b:s6+s2], $0x80, $0x38;
	[tilespmem:$0x1E400] =	vst v63  }
0x254: {  	s8 =	sadd.s32 $0x80, s6;
	s18 =	sadd.s32 $0x13700, s0  }
0x255: {  	[tilespmem:s18], [sflag:$0x3] =	stream.linear.gather [hbm4b:s8+s2], $0x80, $0x38;
	[tilespmem:$0x1E400] =	vst v63  }
0x256: {  	s6 =	sadd.s32 $0x100, s6;
	s18 =	sadd.s32 $0x13B00, s0  }
0x257: {  	[tilespmem:s18], [sflag:$0x3] =	stream.linear.gather [hbm4b:s6+s2], $0x80, $0x38;
	[tilespmem:$0x1E400] =	vst v63  }
0x258: {  	s6 =	spop (v2sf)  }
0x259: {  	s18 =	sshrl.u32 s6, $0x3  }
0x25a: {  	s6 =	sshll.u32 s6, $0x7;
	s8 =	smul.u32 $0xC00, s18  }
0x25b: {  	s6 =	sand.u32 $0x380, s6  }
0x25c: {  	s6 =	sor.u32 s6, s8  }
0x25d: {  	s6 =	sshrl.u32 s6, $0x3  }
0x25e: {  	p1 =	sne.s32 s31, $0x12000;
	s18 =	sadd.s32 $0x13380, s0;
	s6 =	sadd.s32 s5, s6  }
0x25f: {  	[tilespmem:s18], [sflag:$0x3] =	stream.linear.gather [hbm4b:s6+s2], $0x80, $0x38;
	[tilespmem:$0x1E400] =	vst v63  }
.Ltmp2:
0x260: {  	_ = 	snop;
	(pc) =	sbr.rel @p1 .LBB2_7-.Ltmp2, $4  }
0x261: {  	s1 =	sadd.s32 $0x10, s1;
	s8 =	sadd.s32 $0x80, s6;
	s18 =	sadd.s32 $0x13780, s0  }
0x262: {  	[tilespmem:s18], [sflag:$0x3] =	stream.linear.gather [hbm4b:s8+s2], $0x80, $0x38;
	[tilespmem:$0x1E400] =	vst v63  }
0x263: {  	s31 =	sadd.s32 $0x6000, s31;
	s6 =	sadd.s32 $0x100, s6;
	s0 =	sadd.s32 $0x13B80, s0  }
0x264: {  	[tilespmem:s0], [sflag:$0x3] =	stream.linear.gather [hbm4b:s6+s2], $0x80, $0x38;
	[tilespmem:$0x1E400] =	vst v63  }
0x265: {  	s0 =	sadd.s32 s3, s30  }
0x266: {  	s0 =	sshll.u32 s0, $0x3  }
0x267: {  	s0 =	sand.u32 $0x1FFFFE8, s0  }
0x268: {  	_ =	swait.ge [sflag:s13], $0x6000;
	s0 =	smul.u32 $0x180, s0  }
0x269: {  	[sflag:s13] =	ssyncset.done $0x0  }
0x26a: {  	[sflag:s13] =	ssyncadd.s32 $0xFFFFA000;
	s0 =	sadd.s32 s4, s0  }
0x26b: {  	[hbm4b:s0+s2] =	stream.linear.scatter [tilespmem:s14], [sflag:$0x6], $0x6000, $0x38;
	[tilespmem:$0x1E400] =	vst v63  }
0x26c: {  	s0 =	simm.s32 @!p0 $0x8  }
0x26d: {  	_ =	swait.ge @!p0 [sflag:s0], $0x6000  }
0x26e: {  	[sflag:s0] =	ssyncset.done @!p0 $0x0  }
0x26f: {  	s30 =	simm.s32 $0x0;
	s1 =	smov.u32 s25;
	[sflag:s0] =	ssyncadd.s32 @!p0 $0xFFFFA000  }
.LBB2_9:
0x270: {  	v0 =	vld [tilespmem:s1+$0x0];
	_ =	sdelay $0x4  }
0x271: {  	(v2sf) =	vpush v0, $0x0;
	_ =	sdelay $0x9  }
0x272: {  	(v2sf) =	vpush v0, $0x1;
	_ =	sdelay $0x4  }
0x273: {  	s0 =	spop (v2sf)  }
0x274: {  	s6 =	sshrl.u32 s0, $0x3  }
0x275: {  	s0 =	sshll.u32 s0, $0x7;
	s6 =	smul.u32 $0xC00, s6  }
0x276: {  	s0 =	sand.u32 $0x380, s0  }
0x277: {  	s0 =	sor.u32 s0, s6  }
0x278: {  	s6 =	sshrl.u32 s0, $0x3;
	s0 =	sshra.s32 s30, $0x2  }
0x279: {  	(v2sf) =	vpush v0, $0x2;
	s6 =	sadd.s32 s5, s6;
	s8 =	sadd.s32 $0x18400, s0  }
0x27a: {  	[tilespmem:s8], [sflag:$0x4] =	stream.linear.gather [hbm4b:s6+s2], $0x80, $0x38;
	[tilespmem:$0x1E400] =	vst v63  }
0x27b: {  	s18 =	sadd.s32 $0x18800, s0;
	s31 =	sadd.s32 $0x80, s6  }
0x27c: {  	[tilespmem:s18], [sflag:$0x4] =	stream.linear.gather [hbm4b:s31+s2], $0x80, $0x38;
	[tilespmem:$0x1E400] =	vst v63  }
0x27d: {  	s6 =	sadd.s32 $0x100, s6;
	s18 =	sadd.s32 $0x18C00, s0;
	s31 =	spop (v2sf)  }
0x27e: {  	[tilespmem:s18], [sflag:$0x4] =	stream.linear.gather [hbm4b:s6+s2], $0x80, $0x38;
	[tilespmem:$0x1E400] =	vst v63  }
0x27f: {  	s18 =	sshrl.u32 s31, $0x3  }
0x280: {  	s6 =	sshll.u32 s31, $0x7;
	s8 =	smul.u32 $0xC00, s18  }
0x281: {  	s6 =	sand.u32 $0x380, s6  }
0x282: {  	s6 =	sor.u32 s6, s8  }
0x283: {  	s6 =	sshrl.u32 s6, $0x3  }
0x284: {  	(v2sf) =	vpush v0, $0x3;
	s31 =	sadd.s32 $0x18480, s0;
	s6 =	sadd.s32 s5, s6  }
0x285: {  	[tilespmem:s31], [sflag:$0x4] =	stream.linear.gather [hbm4b:s6+s2], $0x80, $0x38;
	[tilespmem:$0x1E400] =	vst v63  }
0x286: {  	s18 =	sadd.s32 $0x80, s6;
	s31 =	sadd.s32 $0x18880, s0  }
0x287: {  	[tilespmem:s31], [sflag:$0x4] =	stream.linear.gather [hbm4b:s18+s2], $0x80, $0x38;
	[tilespmem:$0x1E400] =	vst v63  }
0x288: {  	s6 =	sadd.s32 $0x100, s6;
	s18 =	sadd.s32 $0x18C80, s0;
	s31 =	spop (v2sf)  }
0x289: {  	[tilespmem:s18], [sflag:$0x4] =	stream.linear.gather [hbm4b:s6+s2], $0x80, $0x38;
	[tilespmem:$0x1E400] =	vst v63  }
0x28a: {  	s18 =	sshrl.u32 s31, $0x3  }
0x28b: {  	s6 =	sshll.u32 s31, $0x7;
	s8 =	smul.u32 $0xC00, s18  }
0x28c: {  	s6 =	sand.u32 $0x380, s6  }
0x28d: {  	s6 =	sor.u32 s6, s8  }
0x28e: {  	s6 =	sshrl.u32 s6, $0x3  }
0x28f: {  	(v2sf) =	vpush v0, $0x4;
	s31 =	sadd.s32 $0x18500, s0;
	s6 =	sadd.s32 s5, s6  }
0x290: {  	[tilespmem:s31], [sflag:$0x4] =	stream.linear.gather [hbm4b:s6+s2], $0x80, $0x38;
	[tilespmem:$0x1E400] =	vst v63  }
0x291: {  	s18 =	sadd.s32 $0x80, s6;
	s31 =	sadd.s32 $0x18900, s0  }
0x292: {  	[tilespmem:s31], [sflag:$0x4] =	stream.linear.gather [hbm4b:s18+s2], $0x80, $0x38;
	[tilespmem:$0x1E400] =	vst v63  }
0x293: {  	s6 =	sadd.s32 $0x100, s6;
	s18 =	sadd.s32 $0x18D00, s0;
	s31 =	spop (v2sf)  }
0x294: {  	[tilespmem:s18], [sflag:$0x4] =	stream.linear.gather [hbm4b:s6+s2], $0x80, $0x38;
	[tilespmem:$0x1E400] =	vst v63  }
0x295: {  	s18 =	sshrl.u32 s31, $0x3  }
0x296: {  	s6 =	sshll.u32 s31, $0x7;
	s8 =	smul.u32 $0xC00, s18  }
0x297: {  	s6 =	sand.u32 $0x380, s6  }
0x298: {  	s6 =	sor.u32 s6, s8  }
0x299: {  	s6 =	sshrl.u32 s6, $0x3  }
0x29a: {  	(v2sf) =	vpush v0, $0x5;
	s31 =	sadd.s32 $0x18580, s0;
	s6 =	sadd.s32 s5, s6  }
0x29b: {  	[tilespmem:s31], [sflag:$0x4] =	stream.linear.gather [hbm4b:s6+s2], $0x80, $0x38;
	[tilespmem:$0x1E400] =	vst v63  }
0x29c: {  	s18 =	sadd.s32 $0x80, s6;
	s31 =	sadd.s32 $0x18980, s0  }
0x29d: {  	[tilespmem:s31], [sflag:$0x4] =	stream.linear.gather [hbm4b:s18+s2], $0x80, $0x38;
	[tilespmem:$0x1E400] =	vst v63  }
0x29e: {  	s6 =	sadd.s32 $0x100, s6;
	s18 =	sadd.s32 $0x18D80, s0;
	s31 =	spop (v2sf)  }
0x29f: {  	[tilespmem:s18], [sflag:$0x4] =	stream.linear.gather [hbm4b:s6+s2], $0x80, $0x38;
	[tilespmem:$0x1E400] =	vst v63  }
0x2a0: {  	s18 =	sshrl.u32 s31, $0x3  }
0x2a1: {  	s6 =	sshll.u32 s31, $0x7;
	s8 =	smul.u32 $0xC00, s18  }
0x2a2: {  	s6 =	sand.u32 $0x380, s6  }
0x2a3: {  	s6 =	sor.u32 s6, s8  }
0x2a4: {  	s6 =	sshrl.u32 s6, $0x3  }
0x2a5: {  	(v2sf) =	vpush v0, $0x6;
	s31 =	sadd.s32 $0x18600, s0;
	s6 =	sadd.s32 s5, s6  }
0x2a6: {  	[tilespmem:s31], [sflag:$0x4] =	stream.linear.gather [hbm4b:s6+s2], $0x80, $0x38;
	[tilespmem:$0x1E400] =	vst v63  }
0x2a7: {  	s18 =	sadd.s32 $0x80, s6;
	s31 =	sadd.s32 $0x18A00, s0  }
0x2a8: {  	[tilespmem:s31], [sflag:$0x4] =	stream.linear.gather [hbm4b:s18+s2], $0x80, $0x38;
	[tilespmem:$0x1E400] =	vst v63  }
0x2a9: {  	s6 =	sadd.s32 $0x100, s6;
	s18 =	sadd.s32 $0x18E00, s0;
	s31 =	spop (v2sf)  }
0x2aa: {  	[tilespmem:s18], [sflag:$0x4] =	stream.linear.gather [hbm4b:s6+s2], $0x80, $0x38;
	[tilespmem:$0x1E400] =	vst v63  }
0x2ab: {  	s18 =	sshrl.u32 s31, $0x3  }
0x2ac: {  	s6 =	sshll.u32 s31, $0x7;
	s8 =	smul.u32 $0xC00, s18  }
0x2ad: {  	s6 =	sand.u32 $0x380, s6  }
0x2ae: {  	s6 =	sor.u32 s6, s8  }
0x2af: {  	s6 =	sshrl.u32 s6, $0x3  }
0x2b0: {  	(v2sf) =	vpush v0, $0x7;
	s31 =	sadd.s32 $0x18680, s0;
	s6 =	sadd.s32 s5, s6  }
0x2b1: {  	[tilespmem:s31], [sflag:$0x4] =	stream.linear.gather [hbm4b:s6+s2], $0x80, $0x38;
	[tilespmem:$0x1E400] =	vst v63  }
0x2b2: {  	s18 =	sadd.s32 $0x80, s6;
	s31 =	sadd.s32 $0x18A80, s0  }
0x2b3: {  	[tilespmem:s31], [sflag:$0x4] =	stream.linear.gather [hbm4b:s18+s2], $0x80, $0x38;
	[tilespmem:$0x1E400] =	vst v63  }
0x2b4: {  	s6 =	sadd.s32 $0x100, s6;
	s18 =	sadd.s32 $0x18E80, s0;
	s31 =	spop (v2sf)  }
0x2b5: {  	[tilespmem:s18], [sflag:$0x4] =	stream.linear.gather [hbm4b:s6+s2], $0x80, $0x38;
	[tilespmem:$0x1E400] =	vst v63  }
0x2b6: {  	s18 =	sshrl.u32 s31, $0x3  }
0x2b7: {  	s6 =	sshll.u32 s31, $0x7;
	s8 =	smul.u32 $0xC00, s18  }
0x2b8: {  	s6 =	sand.u32 $0x380, s6  }
0x2b9: {  	s6 =	sor.u32 s6, s8  }
0x2ba: {  	s6 =	sshrl.u32 s6, $0x3  }
0x2bb: {  	(v2sf) =	vpush v0, $0x8;
	s31 =	sadd.s32 $0x18700, s0;
	s6 =	sadd.s32 s5, s6  }
0x2bc: {  	[tilespmem:s31], [sflag:$0x4] =	stream.linear.gather [hbm4b:s6+s2], $0x80, $0x38;
	[tilespmem:$0x1E400] =	vst v63  }
0x2bd: {  	s18 =	sadd.s32 $0x80, s6;
	s31 =	sadd.s32 $0x18B00, s0  }
0x2be: {  	[tilespmem:s31], [sflag:$0x4] =	stream.linear.gather [hbm4b:s18+s2], $0x80, $0x38;
	[tilespmem:$0x1E400] =	vst v63  }
0x2bf: {  	s6 =	sadd.s32 $0x100, s6;
	s18 =	sadd.s32 $0x18F00, s0;
	s31 =	spop (v2sf)  }
0x2c0: {  	[tilespmem:s18], [sflag:$0x4] =	stream.linear.gather [hbm4b:s6+s2], $0x80, $0x38;
	[tilespmem:$0x1E400] =	vst v63  }
0x2c1: {  	s18 =	sshrl.u32 s31, $0x3  }
0x2c2: {  	s6 =	sshll.u32 s31, $0x7;
	s8 =	smul.u32 $0xC00, s18  }
0x2c3: {  	s6 =	sand.u32 $0x380, s6  }
0x2c4: {  	s6 =	sor.u32 s6, s8  }
0x2c5: {  	s6 =	sshrl.u32 s6, $0x3  }
0x2c6: {  	(v2sf) =	vpush v0, $0x9;
	s31 =	sadd.s32 $0x18780, s0;
	s6 =	sadd.s32 s5, s6  }
0x2c7: {  	[tilespmem:s31], [sflag:$0x4] =	stream.linear.gather [hbm4b:s6+s2], $0x80, $0x38;
	[tilespmem:$0x1E400] =	vst v63  }
0x2c8: {  	s18 =	sadd.s32 $0x80, s6;
	s31 =	sadd.s32 $0x18B80, s0  }
0x2c9: {  	[tilespmem:s31], [sflag:$0x4] =	stream.linear.gather [hbm4b:s18+s2], $0x80, $0x38;
	[tilespmem:$0x1E400] =	vst v63  }
0x2ca: {  	s6 =	sadd.s32 $0x100, s6;
	s18 =	sadd.s32 $0x18F80, s0;
	s31 =	spop (v2sf)  }
0x2cb: {  	[tilespmem:s18], [sflag:$0x4] =	stream.linear.gather [hbm4b:s6+s2], $0x80, $0x38;
	[tilespmem:$0x1E400] =	vst v63  }
0x2cc: {  	s18 =	sshrl.u32 s31, $0x3  }
0x2cd: {  	s6 =	sshll.u32 s31, $0x7;
	s8 =	smul.u32 $0xC00, s18  }
0x2ce: {  	s6 =	sand.u32 $0x380, s6  }
0x2cf: {  	s6 =	sor.u32 s6, s8  }
0x2d0: {  	s6 =	sshrl.u32 s6, $0x3  }
0x2d1: {  	(v2sf) =	vpush v0, $0xA;
	s31 =	sadd.s32 $0x19000, s0;
	s6 =	sadd.s32 s5, s6  }
0x2d2: {  	[tilespmem:s31], [sflag:$0x4] =	stream.linear.gather [hbm4b:s6+s2], $0x80, $0x38;
	[tilespmem:$0x1E400] =	vst v63  }
0x2d3: {  	s18 =	sadd.s32 $0x80, s6;
	s31 =	sadd.s32 $0x19400, s0  }
0x2d4: {  	[tilespmem:s31], [sflag:$0x4] =	stream.linear.gather [hbm4b:s18+s2], $0x80, $0x38;
	[tilespmem:$0x1E400] =	vst v63  }
0x2d5: {  	s6 =	sadd.s32 $0x100, s6;
	s18 =	sadd.s32 $0x19800, s0;
	s31 =	spop (v2sf)  }
0x2d6: {  	[tilespmem:s18], [sflag:$0x4] =	stream.linear.gather [hbm4b:s6+s2], $0x80, $0x38;
	[tilespmem:$0x1E400] =	vst v63  }
0x2d7: {  	s18 =	sshrl.u32 s31, $0x3  }
0x2d8: {  	s6 =	sshll.u32 s31, $0x7;
	s8 =	smul.u32 $0xC00, s18  }
0x2d9: {  	s6 =	sand.u32 $0x380, s6  }
0x2da: {  	s6 =	sor.u32 s6, s8  }
0x2db: {  	s6 =	sshrl.u32 s6, $0x3  }
0x2dc: {  	(v2sf) =	vpush v0, $0xB;
	s31 =	sadd.s32 $0x19080, s0;
	s6 =	sadd.s32 s5, s6  }
0x2dd: {  	[tilespmem:s31], [sflag:$0x4] =	stream.linear.gather [hbm4b:s6+s2], $0x80, $0x38;
	[tilespmem:$0x1E400] =	vst v63  }
0x2de: {  	s18 =	sadd.s32 $0x80, s6;
	s31 =	sadd.s32 $0x19480, s0  }
0x2df: {  	[tilespmem:s31], [sflag:$0x4] =	stream.linear.gather [hbm4b:s18+s2], $0x80, $0x38;
	[tilespmem:$0x1E400] =	vst v63  }
0x2e0: {  	s6 =	sadd.s32 $0x100, s6;
	s18 =	sadd.s32 $0x19880, s0;
	s31 =	spop (v2sf)  }
0x2e1: {  	[tilespmem:s18], [sflag:$0x4] =	stream.linear.gather [hbm4b:s6+s2], $0x80, $0x38;
	[tilespmem:$0x1E400] =	vst v63  }
0x2e2: {  	s18 =	sshrl.u32 s31, $0x3  }
0x2e3: {  	s6 =	sshll.u32 s31, $0x7;
	s8 =	smul.u32 $0xC00, s18  }
0x2e4: {  	s6 =	sand.u32 $0x380, s6  }
0x2e5: {  	s6 =	sor.u32 s6, s8  }
0x2e6: {  	s6 =	sshrl.u32 s6, $0x3  }
0x2e7: {  	(v2sf) =	vpush v0, $0xC;
	s31 =	sadd.s32 $0x19100, s0;
	s6 =	sadd.s32 s5, s6  }
0x2e8: {  	[tilespmem:s31], [sflag:$0x4] =	stream.linear.gather [hbm4b:s6+s2], $0x80, $0x38;
	[tilespmem:$0x1E400] =	vst v63  }
0x2e9: {  	s18 =	sadd.s32 $0x80, s6;
	s31 =	sadd.s32 $0x19500, s0  }
0x2ea: {  	[tilespmem:s31], [sflag:$0x4] =	stream.linear.gather [hbm4b:s18+s2], $0x80, $0x38;
	[tilespmem:$0x1E400] =	vst v63  }
0x2eb: {  	s6 =	sadd.s32 $0x100, s6;
	s18 =	sadd.s32 $0x19900, s0;
	s31 =	spop (v2sf)  }
0x2ec: {  	[tilespmem:s18], [sflag:$0x4] =	stream.linear.gather [hbm4b:s6+s2], $0x80, $0x38;
	[tilespmem:$0x1E400] =	vst v63  }
0x2ed: {  	s18 =	sshrl.u32 s31, $0x3  }
0x2ee: {  	s6 =	sshll.u32 s31, $0x7;
	s8 =	smul.u32 $0xC00, s18  }
0x2ef: {  	s6 =	sand.u32 $0x380, s6  }
0x2f0: {  	s6 =	sor.u32 s6, s8  }
0x2f1: {  	s6 =	sshrl.u32 s6, $0x3  }
0x2f2: {  	(v2sf) =	vpush v0, $0xD;
	s31 =	sadd.s32 $0x19180, s0;
	s6 =	sadd.s32 s5, s6  }
0x2f3: {  	[tilespmem:s31], [sflag:$0x4] =	stream.linear.gather [hbm4b:s6+s2], $0x80, $0x38;
	[tilespmem:$0x1E400] =	vst v63  }
0x2f4: {  	s18 =	sadd.s32 $0x80, s6;
	s31 =	sadd.s32 $0x19580, s0  }
0x2f5: {  	[tilespmem:s31], [sflag:$0x4] =	stream.linear.gather [hbm4b:s18+s2], $0x80, $0x38;
	[tilespmem:$0x1E400] =	vst v63  }
0x2f6: {  	s6 =	sadd.s32 $0x100, s6;
	s18 =	sadd.s32 $0x19980, s0;
	s31 =	spop (v2sf)  }
0x2f7: {  	[tilespmem:s18], [sflag:$0x4] =	stream.linear.gather [hbm4b:s6+s2], $0x80, $0x38;
	[tilespmem:$0x1E400] =	vst v63  }
0x2f8: {  	s18 =	sshrl.u32 s31, $0x3  }
0x2f9: {  	s6 =	sshll.u32 s31, $0x7;
	s8 =	smul.u32 $0xC00, s18  }
0x2fa: {  	s6 =	sand.u32 $0x380, s6  }
0x2fb: {  	(v2sf) =	vpush v0, $0xE;
	s6 =	sor.u32 s6, s8  }
0x2fc: {  	s6 =	sshrl.u32 s6, $0x3  }
0x2fd: {  	s31 =	sadd.s32 $0x19200, s0;
	s6 =	sadd.s32 s5, s6  }
0x2fe: {  	[tilespmem:s31], [sflag:$0x4] =	stream.linear.gather [hbm4b:s6+s2], $0x80, $0x38;
	[tilespmem:$0x1E400] =	vst v63  }
0x2ff: {  	s18 =	sadd.s32 $0x80, s6;
	s31 =	sadd.s32 $0x19600, s0  }
0x300: {  	[tilespmem:s31], [sflag:$0x4] =	stream.linear.gather [hbm4b:s18+s2], $0x80, $0x38;
	[tilespmem:$0x1E400] =	vst v63  }
0x301: {  	s6 =	sadd.s32 $0x100, s6;
	s18 =	sadd.s32 $0x19A00, s0;
	s31 =	spop (v2sf)  }
0x302: {  	[tilespmem:s18], [sflag:$0x4] =	stream.linear.gather [hbm4b:s6+s2], $0x80, $0x38;
	[tilespmem:$0x1E400] =	vst v63  }
0x303: {  	s18 =	sshrl.u32 s31, $0x3  }
0x304: {  	s6 =	sshll.u32 s31, $0x7;
	s8 =	smul.u32 $0xC00, s18  }
0x305: {  	s6 =	sand.u32 $0x380, s6  }
0x306: {  	s6 =	sor.u32 s6, s8  }
0x307: {  	(v2sf) =	vpush v0, $0xF;
	s6 =	sshrl.u32 s6, $0x3  }
0x308: {  	s31 =	sadd.s32 $0x19280, s0;
	s6 =	sadd.s32 s5, s6  }
0x309: {  	[tilespmem:s31], [sflag:$0x4] =	stream.linear.gather [hbm4b:s6+s2], $0x80, $0x38;
	[tilespmem:$0x1E400] =	vst v63  }
0x30a: {  	s8 =	spop (v2sf);
	s18 =	sadd.s32 $0x80, s6;
	s31 =	sadd.s32 $0x19680, s0  }
0x30b: {  	[tilespmem:s31], [sflag:$0x4] =	stream.linear.gather [hbm4b:s18+s2], $0x80, $0x38;
	[tilespmem:$0x1E400] =	vst v63  }
0x30c: {  	s6 =	sadd.s32 $0x100, s6;
	s31 =	sadd.s32 $0x19A80, s0;
	s18 =	sshrl.u32 s8, $0x3  }
0x30d: {  	[tilespmem:s31], [sflag:$0x4] =	stream.linear.gather [hbm4b:s6+s2], $0x80, $0x38;
	[tilespmem:$0x1E400] =	vst v63  }
0x30e: {  	s8 =	sshll.u32 s8, $0x7;
	s6 =	smul.u32 $0xC00, s18  }
0x30f: {  	s8 =	sand.u32 $0x380, s8  }
0x310: {  	s6 =	sor.u32 s8, s6  }
0x311: {  	s6 =	sshrl.u32 s6, $0x3  }
0x312: {  	s31 =	sadd.s32 $0x19300, s0;
	s6 =	sadd.s32 s5, s6  }
0x313: {  	[tilespmem:s31], [sflag:$0x4] =	stream.linear.gather [hbm4b:s6+s2], $0x80, $0x38;
	[tilespmem:$0x1E400] =	vst v63  }
0x314: {  	s18 =	sadd.s32 $0x80, s6;
	s31 =	sadd.s32 $0x19700, s0  }
0x315: {  	[tilespmem:s31], [sflag:$0x4] =	stream.linear.gather [hbm4b:s18+s2], $0x80, $0x38;
	[tilespmem:$0x1E400] =	vst v63  }
0x316: {  	s6 =	sadd.s32 $0x100, s6;
	s18 =	sadd.s32 $0x19B00, s0;
	s31 =	spop (v2sf)  }
0x317: {  	[tilespmem:s18], [sflag:$0x4] =	stream.linear.gather [hbm4b:s6+s2], $0x80, $0x38;
	[tilespmem:$0x1E400] =	vst v63  }
0x318: {  	s18 =	sshrl.u32 s31, $0x3  }
0x319: {  	s6 =	sshll.u32 s31, $0x7;
	s8 =	smul.u32 $0xC00, s18  }
0x31a: {  	s6 =	sand.u32 $0x380, s6  }
0x31b: {  	s6 =	sor.u32 s6, s8  }
0x31c: {  	s6 =	sshrl.u32 s6, $0x3  }
0x31d: {  	p0 =	sne.s32 s30, $0x12000;
	s31 =	sadd.s32 $0x19380, s0;
	s6 =	sadd.s32 s5, s6  }
0x31e: {  	[tilespmem:s31], [sflag:$0x4] =	stream.linear.gather [hbm4b:s6+s2], $0x80, $0x38;
	[tilespmem:$0x1E400] =	vst v63  }
.Ltmp3:
0x31f: {  	_ = 	snop;
	(pc) =	sbr.rel @p0 .LBB2_9-.Ltmp3, $4  }
0x320: {  	s1 =	sadd.s32 $0x10, s1;
	s18 =	sadd.s32 $0x80, s6;
	s31 =	sadd.s32 $0x19780, s0  }
0x321: {  	[tilespmem:s31], [sflag:$0x4] =	stream.linear.gather [hbm4b:s18+s2], $0x80, $0x38;
	[tilespmem:$0x1E400] =	vst v63  }
0x322: {  	s30 =	sadd.s32 $0x6000, s30;
	s6 =	sadd.s32 $0x100, s6;
	s0 =	sadd.s32 $0x19B80, s0  }
0x323: {  	[tilespmem:s0], [sflag:$0x4] =	stream.linear.gather [hbm4b:s6+s2], $0x80, $0x38;
	[tilespmem:$0x1E400] =	vst v63  }
0x324: {  	s0 =	sadd.s32 s3, s29;
	s28 =	sadd.s32 $0x1, s28  }
0x325: {  	s0 =	sshll.u32 s0, $0x3;
	p0 =	sne.s32 s28, $0x64  }
.Ltmp4:
0x326: {  	s0 =	sand.u32 $0x1FFFFF0, s0;
	(pc) =	sbr.rel @p0 .LBB2_2-.Ltmp4, $4  }
0x327: {  	_ =	swait.ge [sflag:s15], $0x6000;
	s0 =	smul.u32 $0x180, s0  }
0x328: {  	s26 =	sadd.s32 $0x100, s26;
	s24 =	sadd.s32 $0x100, s24;
	[sflag:s15] =	ssyncset.done $0x0  }
0x329: {  	s25 =	sadd.s32 $0x100, s25;
	[sflag:s15] =	ssyncadd.s32 $0xFFFFA000;
	s0 =	sadd.s32 s4, s0  }
0x32a: {  	[hbm4b:s0+s2] =	stream.linear.scatter [tilespmem:s16], [sflag:$0x7], $0x6000, $0x38;
	[tilespmem:$0x1E400] =	vst v63  }
0x32b: {  	_ =	swait.ge [sflag:s17], $0x6000  }
0x32c: {  	[sflag:s17] =	ssyncset.done $0x0  }
0x32d: {  	s1 =	simm.s32 $0x18400;
	s0 =	rddreg [dreg:$0x4];
	[sflag:s17] =	ssyncadd.s32 $0xFFFFA000  }
0x32e: {  	[hbm4b:s0+s2] =	stream.linear.scatter [tilespmem:s1], [sflag:$0x8], $0x6000, $0x38;
	[tilespmem:$0x1E400] =	vst v63  }
0x32f: {  	_ =	swait.ge [sflag:s19], $0x6000  }
0x330: {  	[sflag:s19] =	ssyncset.done $0x0  }
0x331: {  	[sflag:s19] =	ssyncadd.s32 $0xFFFFA000  }
0x332: {  	_ =	swait.ge [sflag:s20], $0x6000  }
0x333: {  	[sflag:s20] =	ssyncset.done $0x0  }
0x334: {  	s23 =	sadd.s32 $0x1, s23;
	[sflag:s20] =	ssyncadd.s32 $0xFFFFA000  }
0x335: {  	p0 =	sne.s32 s23, s9;
	_ =	swait.ge [sflag:s21], $0x6000  }
.Ltmp5:
0x336: {  	[sflag:s21] =	ssyncset.done $0x0;
	(pc) =	sbr.rel @p0 .LBB2_1-.Ltmp5, $4  }
0x337: {  	[sflag:s21] =	ssyncadd.s32 $0xFFFFA000  }
0x338: {  	_ =	swait.ge [sflag:s22], $0x6000  }
0x339: {  	[sflag:s22] =	ssyncset.done $0x0  }
0x33a: {  	[sflag:s22] =	ssyncadd.s32 $0xFFFFA000  }
0x33b: {  	_ =	sfence.sel $0x180000  }
0x33c: {  	[bflag:$0x0] =	sbarrier.arrive $0xFFFF  }
0x33d: {  	_ =	strace $0x90000047  }
0x33e: {  	s0 =	stileid.u32;
	[bflag:$0x2] =	sbarrier.arrive $0xFFFF  }
0x33f: {  	p0 =	sne.s32 s0, $0x0;
	s0 =	rddreg [dreg:$0x2]  }
0x340: {  	s0 =	sadd.s32 @!p0 $0x100000, s0  }
0x341: {  	[sflag:s0] =	ssyncadd.tile.s32 @!p0 $0x1;
	_ =	shalt  }
.Lfunc_end2:
_tile_overlayer_lowered:
.L_overlay_start_2:
0x342: {  	(tag) =	ssettag $0x2  }
0x343: {  	s0 =	rddreg [dreg:$0x0];
	s2 =	stileid.u32  }
0x344: {  	s1 =	rddreg [dreg:$0x1];
	p0 =	sne.s32 s2, $0x0  }
0x345: {  	s3 =	rddreg [dreg:$0x2];
	[bflag:$0x3] =	sbarrier.arrive $0xFFFF;
	s2 =	simm.s32 @!p0 $0x1C09  }
0x346: {  	[timem:s3], [sflag:s2] =	dma.local @!p0 [hbm:s0], s1  }
0x347: {  	s0 =	simm.s32 @!p0 $0x9  }
0x348: {  	_ =	swait.ge @!p0 [sflag:s0], s1  }
0x349: {  	s1 =	ssub.s32 @!p0 $0x0, s1;
	[sflag:s0] =	ssyncset.done @!p0 $0x0  }
0x34a: {  	[sflag:s0] =	ssyncadd.s32 @!p0 s1  }
0x34b: {  	[bflag:$0x3] =	sbarrier.arrive $0xFFFF  }
0x34c: {  	_ =	shalt  }

</sc_bundles>
